<compile_context>
chip_gen: v7x
topology: tpu7x:2x2x1
jax: 0.10.2.dev20260603
libtpu: 0.0.44.dev20260713+nightly
codegen_flags: <defaults>
</compile_context>

<pallas_src>
import functools

import jax
import jax.numpy as jnp
from jax import lax
from jax.experimental import pallas as pl
from jax.experimental.pallas import tpu as pltpu
from jax.experimental.pallas import tpu_sc as plsc

SIZE = 32
V = SIZE * SIZE
C = 256
B = 64
NB = 8
L = 16
NW = 32
ROWS_PER_W = B // NW


def _tc_kernel(a_ref, x_ref, lp_ref):
    rows = []
    for i in range(NB):
        Xi = x_ref[i]
        ai = a_ref[i, :].reshape(1, C)
        rows.append(lax.dot_general(
            ai, Xi, (((1,), (1,)), ((), ()))))
    xc = jnp.concatenate(rows, axis=0)
    m = jnp.max(xc, axis=1, keepdims=True)
    lse = jnp.log(jnp.sum(jnp.exp(xc - m), axis=1, keepdims=True)) + m
    lp_ref[...] = xc - lse


def _sc_sample(lp_hbm, g_hbm, arg_hbm, lpv_hbm, lp_v, g_v, sv, si, st_i, sem):
    wid = lax.axis_index("s") * 2 + lax.axis_index("c")
    lanes = lax.iota(jnp.int32, L)
    for t in range(ROWS_PER_W):
        r = wid * ROWS_PER_W + t
        pltpu.async_copy(lp_hbm.at[r], lp_v, sem).wait()
        pltpu.async_copy(g_hbm.at[r], g_v, sem).wait()
        best_v = lp_v[pl.ds(0, L)] + g_v[pl.ds(0, L)]
        best_i = lanes
        for j in range(1, V // L):
            v = lp_v[pl.ds(j * L, L)] + g_v[pl.ds(j * L, L)]
            upd = v > best_v
            best_v = jnp.where(upd, v, best_v)
            best_i = jnp.where(upd, lanes + j * L, best_i)
        for off in (8, 4, 2, 1):
            sv[...] = best_v
            si[...] = best_i
            pidx = lanes ^ off
            pv = plsc.load_gather(sv, [pidx])
            pi = plsc.load_gather(si, [pidx])
            take = (pv > best_v) | ((pv == best_v) & (pi < best_i))
            best_v = jnp.where(take, pv, best_v)
            best_i = jnp.where(take, pi, best_i)
        lpv_vec = plsc.load_gather(lp_v, [best_i])
        xv = best_i & (SIZE - 1)
        yv = best_i >> 5
        st_i[...] = jnp.where(lanes == 0, xv,
                              jnp.where(lanes == 1, yv, 0))
        pltpu.sync_copy(st_i, arg_hbm.at[r])
        sv[...] = lpv_vec
        pltpu.sync_copy(sv, lpv_hbm.at[r])


def kernel(x, embedded_a):
    xt = x.transpose(0, 2, 3, 1).reshape(B, V, C)
    g = jax.random.gumbel(jax.random.key(42), (B, V), dtype=jnp.float32)
    lp = pl.pallas_call(
        _tc_kernel,
        grid=(B // NB,),
        in_specs=[
            pl.BlockSpec((NB, C), lambda b: (b, 0)),
            pl.BlockSpec((NB, V, C), lambda b: (b, 0, 0)),
        ],
        out_specs=pl.BlockSpec((NB, V), lambda b: (b, 0)),
        out_shape=jax.ShapeDtypeStruct((B, V), jnp.float32),
        compiler_params=pltpu.CompilerParams(
            dimension_semantics=("arbitrary",),
        ),
    )(embedded_a, xt)

    mesh = plsc.VectorSubcoreMesh(core_axis_name="c", subcore_axis_name="s")
    sampler = functools.partial(
        pl.kernel, mesh=mesh,
        out_type=[
            jax.ShapeDtypeStruct((B, L), jnp.int32),
            jax.ShapeDtypeStruct((B, L), jnp.float32),
        ],
        scratch_types=[
            pltpu.VMEM((V,), jnp.float32),
            pltpu.VMEM((V,), jnp.float32),
            pltpu.VMEM((L,), jnp.float32),
            pltpu.VMEM((L,), jnp.int32),
            pltpu.VMEM((L,), jnp.int32),
            pltpu.SemaphoreType.DMA,
        ],
        compiler_params=pltpu.CompilerParams(needs_layout_passes=False),
    )(_sc_sample)
    argw, lpvw = sampler(lp, g)
    arg_lst = argw[:, :2]
    return (arg_lst, lpvw[:, 0], lp)

# --- scband reference (transcript-rebuilt; emitter-appended) ---
"""Pipeline reference for scband-conditioned-spatial-parameters-56556129354372 (READ-ONLY COPY).

The authoritative reference and input builder live on the scoring server;
editing this copy changes nothing except your own understanding.
"""

import jax, jax.numpy as jnp
import numpy as np

SIZE = 32

def setup_inputs(seed: int = 0) -> dict:
    key = jax.random.key(seed)
    k1, k2 = jax.random.split(key)
    x = jax.random.normal(k1, (64, 256, SIZE, SIZE), dtype=jnp.float32)
    embedded_a = jax.random.normal(k2, (64, 256), dtype=jnp.float32)
    return {"x": x, "embedded_a": embedded_a}

def reference(x, embedded_a):
    B = x.shape[0]
    # einsum 'bc, bcwh -> bwh' : contract channel dim weighted by embedded action
    xc = jnp.einsum('bc,bcwh->bwh', embedded_a, x)
    xf = xc.reshape((B, -1))
    log_probs = jax.nn.log_softmax(xf, axis=-1)
    # Categorical(probs).sample() <-> jax.random.categorical on logits (log_probs are valid logits)
    skey = jax.random.key(42)
    index = jax.random.categorical(skey, log_probs, axis=-1)
    # unravel_index(index, (SIZE, SIZE)) -> (y, x) = (index // SIZE, index % SIZE)
    yc = index // SIZE
    xcoord = index % SIZE
    # x_first=True -> [[x_i, y_i], ...]; return as int array [B, 2] instead of python list
    arg_lst = jnp.stack([xcoord, yc], axis=-1)
    log_prob = log_probs[jnp.arange(B), index]
    return (arg_lst, log_prob, log_probs)

if __name__ == "__main__":
    import jax
    _d = setup_inputs()
    print(jax.jit(kernel)(*tuple(_d.values())))

</pallas_src>

<mosaic_0001>
#map = affine_map<(d0, d1) -> (0, 0)>
module attributes {stable_mosaic.version = 14 : i64} {
  func.func @_sc_sample(%arg0: i32, %arg1: i32, %arg2: memref<64x1024xf32, #tpu.memory_space<hbm>>, %arg3: memref<64x1024xf32, #tpu.memory_space<hbm>>, %arg4: memref<64x16xi32, #tpu.memory_space<hbm>>, %arg5: memref<64x16xf32, #tpu.memory_space<hbm>>, %arg6: memref<1024xf32, #tpu.memory_space<vmem>>, %arg7: memref<1024xf32, #tpu.memory_space<vmem>>, %arg8: memref<16xf32, #tpu.memory_space<vmem>>, %arg9: memref<16xi32, #tpu.memory_space<vmem>>, %arg10: memref<16xi32, #tpu.memory_space<vmem>>, %arg11: memref<!tpu.dma_semaphore, #tpu.memory_space<semaphore_mem>>) attributes {dimension_semantics = [#tpu.dimension_semantics<core_parallel>, #tpu.dimension_semantics<subcore_parallel>], iteration_bounds = array<i64: 2, 16>, scalar_prefetch = 0 : i64, scratch_operands = 6 : i64, tpu.core_type = #tpu.core_type<sc_vector_subcore>, window_params = [{transform_indices = #map}, {transform_indices = #map}, {transform_indices = #map}, {transform_indices = #map}]} {
    %mul3A = arith.constant 2 : i32
    %mul3A_0 = arith.muli %arg1, %mul3A : i32
    %add3A = arith.addi %mul3A_0, %arg0 : i32
    %iota3A = tpu.iota {dimensions = array<i32: 0>} : vector<16xi32>
    %mul3A_1 = arith.constant 2 : i32
    %mul3A_2 = arith.muli %add3A, %mul3A_1 : i32
    %add3A_3 = arith.constant 0 : i32
    %add3A_4 = arith.addi %mul3A_2, %add3A_3 : i32
    %dma_start3A = arith.constant 0 : i32
    %dma_start3A_5 = tpu.memref_slice %arg2[%add3A_4, %dma_start3A] : memref<64x1024xf32, #tpu.memory_space<hbm>> -> memref<1x1024xf32, #tpu.memory_space<hbm>>
    %dma_start3A_6 = tpu.memref_squeeze %dma_start3A_5 : memref<1x1024xf32, #tpu.memory_space<hbm>> -> memref<1024xf32, #tpu.memory_space<hbm>>
    %dma_start3A_7 = arith.constant 0 : i32
    %dma_start3A_8 = tpu.memref_slice %arg2[%add3A_4, %dma_start3A_7] : memref<64x1024xf32, #tpu.memory_space<hbm>> -> memref<1x1024xf32, #tpu.memory_space<hbm>>
    %dma_start3A_9 = tpu.memref_squeeze %dma_start3A_8 : memref<1x1024xf32, #tpu.memory_space<hbm>> -> memref<1024xf32, #tpu.memory_space<hbm>>
    tpu.enqueue_dma source(%dma_start3A_9 : memref<1024xf32, #tpu.memory_space<hbm>>) target(%arg6 : memref<1024xf32, #tpu.memory_space<vmem>>) target_semaphore(%arg11 : memref<!tpu.dma_semaphore, #tpu.memory_space<semaphore_mem>>)
    %dma_wait3A = arith.constant 0 : i32
    %dma_wait3A_10 = tpu.memref_slice %arg2[%add3A_4, %dma_wait3A] : memref<64x1024xf32, #tpu.memory_space<hbm>> -> memref<1x1024xf32, #tpu.memory_space<hbm>>
    %dma_wait3A_11 = tpu.memref_squeeze %dma_wait3A_10 : memref<1x1024xf32, #tpu.memory_space<hbm>> -> memref<1024xf32, #tpu.memory_space<hbm>>
    %dma_wait3A_12 = arith.constant 0 : i32
    %dma_wait3A_13 = tpu.memref_slice %arg2[%add3A_4, %dma_wait3A_12] : memref<64x1024xf32, #tpu.memory_space<hbm>> -> memref<1x1024xf32, #tpu.memory_space<hbm>>
    %dma_wait3A_14 = tpu.memref_squeeze %dma_wait3A_13 : memref<1x1024xf32, #tpu.memory_space<hbm>> -> memref<1024xf32, #tpu.memory_space<hbm>>
    tpu.wait_dma2 semaphore(%arg11 : memref<!tpu.dma_semaphore, #tpu.memory_space<semaphore_mem>>) src(%dma_wait3A_14 : memref<1024xf32, #tpu.memory_space<hbm>>) dst(%arg6 : memref<1024xf32, #tpu.memory_space<vmem>>)
    %dma_start3A_15 = arith.constant 0 : i32
    %dma_start3A_16 = tpu.memref_slice %arg3[%add3A_4, %dma_start3A_15] : memref<64x1024xf32, #tpu.memory_space<hbm>> -> memref<1x1024xf32, #tpu.memory_space<hbm>>
    %dma_start3A_17 = tpu.memref_squeeze %dma_start3A_16 : memref<1x1024xf32, #tpu.memory_space<hbm>> -> memref<1024xf32, #tpu.memory_space<hbm>>
    %dma_start3A_18 = arith.constant 0 : i32
    %dma_start3A_19 = tpu.memref_slice %arg3[%add3A_4, %dma_start3A_18] : memref<64x1024xf32, #tpu.memory_space<hbm>> -> memref<1x1024xf32, #tpu.memory_space<hbm>>
    %dma_start3A_20 = tpu.memref_squeeze %dma_start3A_19 : memref<1x1024xf32, #tpu.memory_space<hbm>> -> memref<1024xf32, #tpu.memory_space<hbm>>
    tpu.enqueue_dma source(%dma_start3A_20 : memref<1024xf32, #tpu.memory_space<hbm>>) target(%arg7 : memref<1024xf32, #tpu.memory_space<vmem>>) target_semaphore(%arg11 : memref<!tpu.dma_semaphore, #tpu.memory_space<semaphore_mem>>)
    %dma_wait3A_21 = arith.constant 0 : i32
    %dma_wait3A_22 = tpu.memref_slice %arg3[%add3A_4, %dma_wait3A_21] : memref<64x1024xf32, #tpu.memory_space<hbm>> -> memref<1x1024xf32, #tpu.memory_space<hbm>>
    %dma_wait3A_23 = tpu.memref_squeeze %dma_wait3A_22 : memref<1x1024xf32, #tpu.memory_space<hbm>> -> memref<1024xf32, #tpu.memory_space<hbm>>
    %dma_wait3A_24 = arith.constant 0 : i32
    %dma_wait3A_25 = tpu.memref_slice %arg3[%add3A_4, %dma_wait3A_24] : memref<64x1024xf32, #tpu.memory_space<hbm>> -> memref<1x1024xf32, #tpu.memory_space<hbm>>
    %dma_wait3A_26 = tpu.memref_squeeze %dma_wait3A_25 : memref<1x1024xf32, #tpu.memory_space<hbm>> -> memref<1024xf32, #tpu.memory_space<hbm>>
    tpu.wait_dma2 semaphore(%arg11 : memref<!tpu.dma_semaphore, #tpu.memory_space<semaphore_mem>>) src(%dma_wait3A_26 : memref<1024xf32, #tpu.memory_space<hbm>>) dst(%arg7 : memref<1024xf32, #tpu.memory_space<vmem>>)
    %get3A = arith.constant 0 : index
    %get3A_27 = tpu.vector_load %arg6[%get3A] {strides = array<i32>} : memref<1024xf32, #tpu.memory_space<vmem>>, vector<16xf32>,
    %get3A_28 = arith.constant 0 : index
    %get3A_29 = tpu.vector_load %arg7[%get3A_28] {strides = array<i32>} : memref<1024xf32, #tpu.memory_space<vmem>>, vector<16xf32>,
    %add3A_30 = arith.addf %get3A_27, %get3A_29 : vector<16xf32>
    %get3A_31 = arith.constant 16 : index
    %get3A_32 = tpu.vector_load %arg6[%get3A_31] {strides = array<i32>} : memref<1024xf32, #tpu.memory_space<vmem>>, vector<16xf32>,
    %get3A_33 = arith.constant 16 : index
    %get3A_34 = tpu.vector_load %arg7[%get3A_33] {strides = array<i32>} : memref<1024xf32, #tpu.memory_space<vmem>>, vector<16xf32>,
    %add3A_35 = arith.addf %get3A_32, %get3A_34 : vector<16xf32>
    %gt3A = arith.cmpf ogt, %add3A_35, %add3A_30 : vector<16xf32>
    %select_n3A = arith.select %gt3A, %add3A_35, %add3A_30 : vector<16xi1>, vector<16xf32>
    %add3A_36 = arith.constant 16 : i32
    %add3A_37 = vector.broadcast %add3A_36 : i32 to vector<16xi32>
    %add3A_38 = arith.addi %iota3A, %add3A_37 : vector<16xi32>
    %select_n3A_39 = arith.select %gt3A, %add3A_38, %iota3A : vector<16xi1>, vector<16xi32>
    %get3A_40 = arith.constant 32 : index
    %get3A_41 = tpu.vector_load %arg6[%get3A_40] {strides = array<i32>} : memref<1024xf32, #tpu.memory_space<vmem>>, vector<16xf32>,
    %get3A_42 = arith.constant 32 : index
    %get3A_43 = tpu.vector_load %arg7[%get3A_42] {strides = array<i32>} : memref<1024xf32, #tpu.memory_space<vmem>>, vector<16xf32>,
    %add3A_44 = arith.addf %get3A_41, %get3A_43 : vector<16xf32>
    %gt3A_45 = arith.cmpf ogt, %add3A_44, %select_n3A : vector<16xf32>
    %select_n3A_46 = arith.select %gt3A_45, %add3A_44, %select_n3A : vector<16xi1>, vector<16xf32>
    %add3A_47 = arith.constant 32 : i32
    %add3A_48 = vector.broadcast %add3A_47 : i32 to vector<16xi32>
    %add3A_49 = arith.addi %iota3A, %add3A_48 : vector<16xi32>
    %select_n3A_50 = arith.select %gt3A_45, %add3A_49, %select_n3A_39 : vector<16xi1>, vector<16xi32>
    %get3A_51 = arith.constant 48 : index
    %get3A_52 = tpu.vector_load %arg6[%get3A_51] {strides = array<i32>} : memref<1024xf32, #tpu.memory_space<vmem>>, vector<16xf32>,
    %get3A_53 = arith.constant 48 : index
    %get3A_54 = tpu.vector_load %arg7[%get3A_53] {strides = array<i32>} : memref<1024xf32, #tpu.memory_space<vmem>>, vector<16xf32>,
    %add3A_55 = arith.addf %get3A_52, %get3A_54 : vector<16xf32>
    %gt3A_56 = arith.cmpf ogt, %add3A_55, %select_n3A_46 : vector<16xf32>
    %select_n3A_57 = arith.select %gt3A_56, %add3A_55, %select_n3A_46 : vector<16xi1>, vector<16xf32>
    %add3A_58 = arith.constant 48 : i32
    %add3A_59 = vector.broadcast %add3A_58 : i32 to vector<16xi32>
    %add3A_60 = arith.addi %iota3A, %add3A_59 : vector<16xi32>
    %select_n3A_61 = arith.select %gt3A_56, %add3A_60, %select_n3A_50 : vector<16xi1>, vector<16xi32>
    %get3A_62 = arith.constant 64 : index
    %get3A_63 = tpu.vector_load %arg6[%get3A_62] {strides = array<i32>} : memref<1024xf32, #tpu.memory_space<vmem>>, vector<16xf32>,
    %get3A_64 = arith.constant 64 : index
    %get3A_65 = tpu.vector_load %arg7[%get3A_64] {strides = array<i32>} : memref<1024xf32, #tpu.memory_space<vmem>>, vector<16xf32>,
    %add3A_66 = arith.addf %get3A_63, %get3A_65 : vector<16xf32>
    %gt3A_67 = arith.cmpf ogt, %add3A_66, %select_n3A_57 : vector<16xf32>
    %select_n3A_68 = arith.select %gt3A_67, %add3A_66, %select_n3A_57 : vector<16xi1>, vector<16xf32>
    %add3A_69 = arith.constant 64 : i32
    %add3A_70 = vector.broadcast %add3A_69 : i32 to vector<16xi32>
    %add3A_71 = arith.addi %iota3A, %add3A_70 : vector<16xi32>
    %select_n3A_72 = arith.select %gt3A_67, %add3A_71, %select_n3A_61 : vector<16xi1>, vector<16xi32>
    %get3A_73 = arith.constant 80 : index
    %get3A_74 = tpu.vector_load %arg6[%get3A_73] {strides = array<i32>} : memref<1024xf32, #tpu.memory_space<vmem>>, vector<16xf32>,
    %get3A_75 = arith.constant 80 : index
    %get3A_76 = tpu.vector_load %arg7[%get3A_75] {strides = array<i32>} : memref<1024xf32, #tpu.memory_space<vmem>>, vector<16xf32>,
    %add3A_77 = arith.addf %get3A_74, %get3A_76 : vector<16xf32>
    %gt3A_78 = arith.cmpf ogt, %add3A_77, %select_n3A_68 : vector<16xf32>
    %select_n3A_79 = arith.select %gt3A_78, %add3A_77, %select_n3A_68 : vector<16xi1>, vector<16xf32>
    %add3A_80 = arith.constant 80 : i32
    %add3A_81 = vector.broadcast %add3A_80 : i32 to vector<16xi32>
    %add3A_82 = arith.addi %iota3A, %add3A_81 : vector<16xi32>
    %select_n3A_83 = arith.select %gt3A_78, %add3A_82, %select_n3A_72 : vector<16xi1>, vector<16xi32>
    %get3A_84 = arith.constant 96 : index
    %get3A_85 = tpu.vector_load %arg6[%get3A_84] {strides = array<i32>} : memref<1024xf32, #tpu.memory_space<vmem>>, vector<16xf32>,
    %get3A_86 = arith.constant 96 : index
    %get3A_87 = tpu.vector_load %arg7[%get3A_86] {strides = array<i32>} : memref<1024xf32, #tpu.memory_space<vmem>>, vector<16xf32>,
    %add3A_88 = arith.addf %get3A_85, %get3A_87 : vector<16xf32>
    %gt3A_89 = arith.cmpf ogt, %add3A_88, %select_n3A_79 : vector<16xf32>
    %select_n3A_90 = arith.select %gt3A_89, %add3A_88, %select_n3A_79 : vector<16xi1>, vector<16xf32>
    %add3A_91 = arith.constant 96 : i32
    %add3A_92 = vector.broadcast %add3A_91 : i32 to vector<16xi32>
    %add3A_93 = arith.addi %iota3A, %add3A_92 : vector<16xi32>
    %select_n3A_94 = arith.select %gt3A_89, %add3A_93, %select_n3A_83 : vector<16xi1>, vector<16xi32>
    %get3A_95 = arith.constant 112 : index
    %get3A_96 = tpu.vector_load %arg6[%get3A_95] {strides = array<i32>} : memref<1024xf32, #tpu.memory_space<vmem>>, vector<16xf32>,
    %get3A_97 = arith.constant 112 : index
    %get3A_98 = tpu.vector_load %arg7[%get3A_97] {strides = array<i32>} : memref<1024xf32, #tpu.memory_space<vmem>>, vector<16xf32>,
    %add3A_99 = arith.addf %get3A_96, %get3A_98 : vector<16xf32>
    %gt3A_100 = arith.cmpf ogt, %add3A_99, %select_n3A_90 : vector<16xf32>
    %select_n3A_101 = arith.select %gt3A_100, %add3A_99, %select_n3A_90 : vector<16xi1>, vector<16xf32>
    %add3A_102 = arith.constant 112 : i32
    %add3A_103 = vector.broadcast %add3A_102 : i32 to vector<16xi32>
    %add3A_104 = arith.addi %iota3A, %add3A_103 : vector<16xi32>
    %select_n3A_105 = arith.select %gt3A_100, %add3A_104, %select_n3A_94 : vector<16xi1>, vector<16xi32>
    %get3A_106 = arith.constant 128 : index
    %get3A_107 = tpu.vector_load %arg6[%get3A_106] {strides = array<i32>} : memref<1024xf32, #tpu.memory_space<vmem>>, vector<16xf32>,
    %get3A_108 = arith.constant 128 : index
    %get3A_109 = tpu.vector_load %arg7[%get3A_108] {strides = array<i32>} : memref<1024xf32, #tpu.memory_space<vmem>>, vector<16xf32>,
    %add3A_110 = arith.addf %get3A_107, %get3A_109 : vector<16xf32>
    %gt3A_111 = arith.cmpf ogt, %add3A_110, %select_n3A_101 : vector<16xf32>
    %select_n3A_112 = arith.select %gt3A_111, %add3A_110, %select_n3A_101 : vector<16xi1>, vector<16xf32>
    %add3A_113 = arith.constant 128 : i32
    %add3A_114 = vector.broadcast %add3A_113 : i32 to vector<16xi32>
    %add3A_115 = arith.addi %iota3A, %add3A_114 : vector<16xi32>
    %select_n3A_116 = arith.select %gt3A_111, %add3A_115, %select_n3A_105 : vector<16xi1>, vector<16xi32>
    %get3A_117 = arith.constant 144 : index
    %get3A_118 = tpu.vector_load %arg6[%get3A_117] {strides = array<i32>} : memref<1024xf32, #tpu.memory_space<vmem>>, vector<16xf32>,
    %get3A_119 = arith.constant 144 : index
    %get3A_120 = tpu.vector_load %arg7[%get3A_119] {strides = array<i32>} : memref<1024xf32, #tpu.memory_space<vmem>>, vector<16xf32>,
    %add3A_121 = arith.addf %get3A_118, %get3A_120 : vector<16xf32>
    %gt3A_122 = arith.cmpf ogt, %add3A_121, %select_n3A_112 : vector<16xf32>
    %select_n3A_123 = arith.select %gt3A_122, %add3A_121, %select_n3A_112 : vector<16xi1>, vector<16xf32>
    %add3A_124 = arith.constant 144 : i32
    %add3A_125 = vector.broadcast %add3A_124 : i32 to vector<16xi32>
    %add3A_126 = arith.addi %iota3A, %add3A_125 : vector<16xi32>
    %select_n3A_127 = arith.select %gt3A_122, %add3A_126, %select_n3A_116 : vector<16xi1>, vector<16xi32>
    %get3A_128 = arith.constant 160 : index
    %get3A_129 = tpu.vector_load %arg6[%get3A_128] {strides = array<i32>} : memref<1024xf32, #tpu.memory_space<vmem>>, vector<16xf32>,
    %get3A_130 = arith.constant 160 : index
    %get3A_131 = tpu.vector_load %arg7[%get3A_130] {strides = array<i32>} : memref<1024xf32, #tpu.memory_space<vmem>>, vector<16xf32>,
    %add3A_132 = arith.addf %get3A_129, %get3A_131 : vector<16xf32>
    %gt3A_133 = arith.cmpf ogt, %add3A_132, %select_n3A_123 : vector<16xf32>
    %select_n3A_134 = arith.select %gt3A_133, %add3A_132, %select_n3A_123 : vector<16xi1>, vector<16xf32>
    %add3A_135 = arith.constant 160 : i32
    %add3A_136 = vector.broadcast %add3A_135 : i32 to vector<16xi32>
    %add3A_137 = arith.addi %iota3A, %add3A_136 : vector<16xi32>
    %select_n3A_138 = arith.select %gt3A_133, %add3A_137, %select_n3A_127 : vector<16xi1>, vector<16xi32>
    %get3A_139 = arith.constant 176 : index
    %get3A_140 = tpu.vector_load %arg6[%get3A_139] {strides = array<i32>} : memref<1024xf32, #tpu.memory_space<vmem>>, vector<16xf32>,
    %get3A_141 = arith.constant 176 : index
    %get3A_142 = tpu.vector_load %arg7[%get3A_141] {strides = array<i32>} : memref<1024xf32, #tpu.memory_space<vmem>>, vector<16xf32>,
    %add3A_143 = arith.addf %get3A_140, %get3A_142 : vector<16xf32>
    %gt3A_144 = arith.cmpf ogt, %add3A_143, %select_n3A_134 : vector<16xf32>
    %select_n3A_145 = arith.select %gt3A_144, %add3A_143, %select_n3A_134 : vector<16xi1>, vector<16xf32>
    %add3A_146 = arith.constant 176 : i32
    %add3A_147 = vector.broadcast %add3A_146 : i32 to vector<16xi32>
    %add3A_148 = arith.addi %iota3A, %add3A_147 : vector<16xi32>
    %select_n3A_149 = arith.select %gt3A_144, %add3A_148, %select_n3A_138 : vector<16xi1>, vector<16xi32>
    %get3A_150 = arith.constant 192 : index
    %get3A_151 = tpu.vector_load %arg6[%get3A_150] {strides = array<i32>} : memref<1024xf32, #tpu.memory_space<vmem>>, vector<16xf32>,
    %get3A_152 = arith.constant 192 : index
    %get3A_153 = tpu.vector_load %arg7[%get3A_152] {strides = array<i32>} : memref<1024xf32, #tpu.memory_space<vmem>>, vector<16xf32>,
    %add3A_154 = arith.addf %get3A_151, %get3A_153 : vector<16xf32>
    %gt3A_155 = arith.cmpf ogt, %add3A_154, %select_n3A_145 : vector<16xf32>
    %select_n3A_156 = arith.select %gt3A_155, %add3A_154, %select_n3A_145 : vector<16xi1>, vector<16xf32>
    %add3A_157 = arith.constant 192 : i32
    %add3A_158 = vector.broadcast %add3A_157 : i32 to vector<16xi32>
    %add3A_159 = arith.addi %iota3A, %add3A_158 : vector<16xi32>
    %select_n3A_160 = arith.select %gt3A_155, %add3A_159, %select_n3A_149 : vector<16xi1>, vector<16xi32>
    %get3A_161 = arith.constant 208 : index
    %get3A_162 = tpu.vector_load %arg6[%get3A_161] {strides = array<i32>} : memref<1024xf32, #tpu.memory_space<vmem>>, vector<16xf32>,
    %get3A_163 = arith.constant 208 : index
    %get3A_164 = tpu.vector_load %arg7[%get3A_163] {strides = array<i32>} : memref<1024xf32, #tpu.memory_space<vmem>>, vector<16xf32>,
    %add3A_165 = arith.addf %get3A_162, %get3A_164 : vector<16xf32>
    %gt3A_166 = arith.cmpf ogt, %add3A_165, %select_n3A_156 : vector<16xf32>
    %select_n3A_167 = arith.select %gt3A_166, %add3A_165, %select_n3A_156 : vector<16xi1>, vector<16xf32>
    %add3A_168 = arith.constant 208 : i32
    %add3A_169 = vector.broadcast %add3A_168 : i32 to vector<16xi32>
    %add3A_170 = arith.addi %iota3A, %add3A_169 : vector<16xi32>
    %select_n3A_171 = arith.select %gt3A_166, %add3A_170, %select_n3A_160 : vector<16xi1>, vector<16xi32>
    %get3A_172 = arith.constant 224 : index
    %get3A_173 = tpu.vector_load %arg6[%get3A_172] {strides = array<i32>} : memref<1024xf32, #tpu.memory_space<vmem>>, vector<16xf32>,
    %get3A_174 = arith.constant 224 : index
    %get3A_175 = tpu.vector_load %arg7[%get3A_174] {strides = array<i32>} : memref<1024xf32, #tpu.memory_space<vmem>>, vector<16xf32>,
    %add3A_176 = arith.addf %get3A_173, %get3A_175 : vector<16xf32>
    %gt3A_177 = arith.cmpf ogt, %add3A_176, %select_n3A_167 : vector<16xf32>
    %select_n3A_178 = arith.select %gt3A_177, %add3A_176, %select_n3A_167 : vector<16xi1>, vector<16xf32>
    %add3A_179 = arith.constant 224 : i32
    %add3A_180 = vector.broadcast %add3A_179 : i32 to vector<16xi32>
    %add3A_181 = arith.addi %iota3A, %add3A_180 : vector<16xi32>
    %select_n3A_182 = arith.select %gt3A_177, %add3A_181, %select_n3A_171 : vector<16xi1>, vector<16xi32>
    %get3A_183 = arith.constant 240 : index
    %get3A_184 = tpu.vector_load %arg6[%get3A_183] {strides = array<i32>} : memref<1024xf32, #tpu.memory_space<vmem>>, vector<16xf32>,
    %get3A_185 = arith.constant 240 : index
    %get3A_186 = tpu.vector_load %arg7[%get3A_185] {strides = array<i32>} : memref<1024xf32, #tpu.memory_space<vmem>>, vector<16xf32>,
    %add3A_187 = arith.addf %get3A_184, %get3A_186 : vector<16xf32>
    %gt3A_188 = arith.cmpf ogt, %add3A_187, %select_n3A_178 : vector<16xf32>
    %select_n3A_189 = arith.select %gt3A_188, %add3A_187, %select_n3A_178 : vector<16xi1>, vector<16xf32>
    %add3A_190 = arith.constant 240 : i32
    %add3A_191 = vector.broadcast %add3A_190 : i32 to vector<16xi32>
    %add3A_192 = arith.addi %iota3A, %add3A_191 : vector<16xi32>
    %select_n3A_193 = arith.select %gt3A_188, %add3A_192, %select_n3A_182 : vector<16xi1>, vector<16xi32>
    %get3A_194 = arith.constant 256 : index
    %get3A_195 = tpu.vector_load %arg6[%get3A_194] {strides = array<i32>} : memref<1024xf32, #tpu.memory_space<vmem>>, vector<16xf32>,
    %get3A_196 = arith.constant 256 : index
    %get3A_197 = tpu.vector_load %arg7[%get3A_196] {strides = array<i32>} : memref<1024xf32, #tpu.memory_space<vmem>>, vector<16xf32>,
    %add3A_198 = arith.addf %get3A_195, %get3A_197 : vector<16xf32>
    %gt3A_199 = arith.cmpf ogt, %add3A_198, %select_n3A_189 : vector<16xf32>
    %select_n3A_200 = arith.select %gt3A_199, %add3A_198, %select_n3A_189 : vector<16xi1>, vector<16xf32>
    %add3A_201 = arith.constant 256 : i32
    %add3A_202 = vector.broadcast %add3A_201 : i32 to vector<16xi32>
    %add3A_203 = arith.addi %iota3A, %add3A_202 : vector<16xi32>
    %select_n3A_204 = arith.select %gt3A_199, %add3A_203, %select_n3A_193 : vector<16xi1>, vector<16xi32>
    %get3A_205 = arith.constant 272 : index
    %get3A_206 = tpu.vector_load %arg6[%get3A_205] {strides = array<i32>} : memref<1024xf32, #tpu.memory_space<vmem>>, vector<16xf32>,
    %get3A_207 = arith.constant 272 : index
    %get3A_208 = tpu.vector_load %arg7[%get3A_207] {strides = array<i32>} : memref<1024xf32, #tpu.memory_space<vmem>>, vector<16xf32>,
    %add3A_209 = arith.addf %get3A_206, %get3A_208 : vector<16xf32>
    %gt3A_210 = arith.cmpf ogt, %add3A_209, %select_n3A_200 : vector<16xf32>
    %select_n3A_211 = arith.select %gt3A_210, %add3A_209, %select_n3A_200 : vector<16xi1>, vector<16xf32>
    %add3A_212 = arith.constant 272 : i32
    %add3A_213 = vector.broadcast %add3A_212 : i32 to vector<16xi32>
    %add3A_214 = arith.addi %iota3A, %add3A_213 : vector<16xi32>
    %select_n3A_215 = arith.select %gt3A_210, %add3A_214, %select_n3A_204 : vector<16xi1>, vector<16xi32>
    %get3A_216 = arith.constant 288 : index
    %get3A_217 = tpu.vector_load %arg6[%get3A_216] {strides = array<i32>} : memref<1024xf32, #tpu.memory_space<vmem>>, vector<16xf32>,
    %get3A_218 = arith.constant 288 : index
    %get3A_219 = tpu.vector_load %arg7[%get3A_218] {strides = array<i32>} : memref<1024xf32, #tpu.memory_space<vmem>>, vector<16xf32>,
    %add3A_220 = arith.addf %get3A_217, %get3A_219 : vector<16xf32>
    %gt3A_221 = arith.cmpf ogt, %add3A_220, %select_n3A_211 : vector<16xf32>
    %select_n3A_222 = arith.select %gt3A_221, %add3A_220, %select_n3A_211 : vector<16xi1>, vector<16xf32>
    %add3A_223 = arith.constant 288 : i32
    %add3A_224 = vector.broadcast %add3A_223 : i32 to vector<16xi32>
    %add3A_225 = arith.addi %iota3A, %add3A_224 : vector<16xi32>
    %select_n3A_226 = arith.select %gt3A_221, %add3A_225, %select_n3A_215 : vector<16xi1>, vector<16xi32>
    %get3A_227 = arith.constant 304 : index
    %get3A_228 = tpu.vector_load %arg6[%get3A_227] {strides = array<i32>} : memref<1024xf32, #tpu.memory_space<vmem>>, vector<16xf32>,
    %get3A_229 = arith.constant 304 : index
    %get3A_230 = tpu.vector_load %arg7[%get3A_229] {strides = array<i32>} : memref<1024xf32, #tpu.memory_space<vmem>>, vector<16xf32>,
    %add3A_231 = arith.addf %get3A_228, %get3A_230 : vector<16xf32>
    %gt3A_232 = arith.cmpf ogt, %add3A_231, %select_n3A_222 : vector<16xf32>
    %select_n3A_233 = arith.select %gt3A_232, %add3A_231, %select_n3A_222 : vector<16xi1>, vector<16xf32>
    %add3A_234 = arith.constant 304 : i32
    %add3A_235 = vector.broadcast %add3A_234 : i32 to vector<16xi32>
    %add3A_236 = arith.addi %iota3A, %add3A_235 : vector<16xi32>
    %select_n3A_237 = arith.select %gt3A_232, %add3A_236, %select_n3A_226 : vector<16xi1>, vector<16xi32>
    %get3A_238 = arith.constant 320 : index
    %get3A_239 = tpu.vector_load %arg6[%get3A_238] {strides = array<i32>} : memref<1024xf32, #tpu.memory_space<vmem>>, vector<16xf32>,
    %get3A_240 = arith.constant 320 : index
    %get3A_241 = tpu.vector_load %arg7[%get3A_240] {strides = array<i32>} : memref<1024xf32, #tpu.memory_space<vmem>>, vector<16xf32>,
    %add3A_242 = arith.addf %get3A_239, %get3A_241 : vector<16xf32>
    %gt3A_243 = arith.cmpf ogt, %add3A_242, %select_n3A_233 : vector<16xf32>
    %select_n3A_244 = arith.select %gt3A_243, %add3A_242, %select_n3A_233 : vector<16xi1>, vector<16xf32>
    %add3A_245 = arith.constant 320 : i32
    %add3A_246 = vector.broadcast %add3A_245 : i32 to vector<16xi32>
    %add3A_247 = arith.addi %iota3A, %add3A_246 : vector<16xi32>
    %select_n3A_248 = arith.select %gt3A_243, %add3A_247, %select_n3A_237 : vector<16xi1>, vector<16xi32>
    %get3A_249 = arith.constant 336 : index
    %get3A_250 = tpu.vector_load %arg6[%get3A_249] {strides = array<i32>} : memref<1024xf32, #tpu.memory_space<vmem>>, vector<16xf32>,
    %get3A_251 = arith.constant 336 : index
    %get3A_252 = tpu.vector_load %arg7[%get3A_251] {strides = array<i32>} : memref<1024xf32, #tpu.memory_space<vmem>>, vector<16xf32>,
    %add3A_253 = arith.addf %get3A_250, %get3A_252 : vector<16xf32>
    %gt3A_254 = arith.cmpf ogt, %add3A_253, %select_n3A_244 : vector<16xf32>
    %select_n3A_255 = arith.select %gt3A_254, %add3A_253, %select_n3A_244 : vector<16xi1>, vector<16xf32>
    %add3A_256 = arith.constant 336 : i32
    %add3A_257 = vector.broadcast %add3A_256 : i32 to vector<16xi32>
    %add3A_258 = arith.addi %iota3A, %add3A_257 : vector<16xi32>
    %select_n3A_259 = arith.select %gt3A_254, %add3A_258, %select_n3A_248 : vector<16xi1>, vector<16xi32>
    %get3A_260 = arith.constant 352 : index
    %get3A_261 = tpu.vector_load %arg6[%get3A_260] {strides = array<i32>} : memref<1024xf32, #tpu.memory_space<vmem>>, vector<16xf32>,
    %get3A_262 = arith.constant 352 : index
    %get3A_263 = tpu.vector_load %arg7[%get3A_262] {strides = array<i32>} : memref<1024xf32, #tpu.memory_space<vmem>>, vector<16xf32>,
    %add3A_264 = arith.addf %get3A_261, %get3A_263 : vector<16xf32>
    %gt3A_265 = arith.cmpf ogt, %add3A_264, %select_n3A_255 : vector<16xf32>
    %select_n3A_266 = arith.select %gt3A_265, %add3A_264, %select_n3A_255 : vector<16xi1>, vector<16xf32>
    %add3A_267 = arith.constant 352 : i32
    %add3A_268 = vector.broadcast %add3A_267 : i32 to vector<16xi32>
    %add3A_269 = arith.addi %iota3A, %add3A_268 : vector<16xi32>
    %select_n3A_270 = arith.select %gt3A_265, %add3A_269, %select_n3A_259 : vector<16xi1>, vector<16xi32>
    %get3A_271 = arith.constant 368 : index
    %get3A_272 = tpu.vector_load %arg6[%get3A_271] {strides = array<i32>} : memref<1024xf32, #tpu.memory_space<vmem>>, vector<16xf32>,
    %get3A_273 = arith.constant 368 : index
    %get3A_274 = tpu.vector_load %arg7[%get3A_273] {strides = array<i32>} : memref<1024xf32, #tpu.memory_space<vmem>>, vector<16xf32>,
    %add3A_275 = arith.addf %get3A_272, %get3A_274 : vector<16xf32>
    %gt3A_276 = arith.cmpf ogt, %add3A_275, %select_n3A_266 : vector<16xf32>
    %select_n3A_277 = arith.select %gt3A_276, %add3A_275, %select_n3A_266 : vector<16xi1>, vector<16xf32>
    %add3A_278 = arith.constant 368 : i32
    %add3A_279 = vector.broadcast %add3A_278 : i32 to vector<16xi32>
    %add3A_280 = arith.addi %iota3A, %add3A_279 : vector<16xi32>
    %select_n3A_281 = arith.select %gt3A_276, %add3A_280, %select_n3A_270 : vector<16xi1>, vector<16xi32>
    %get3A_282 = arith.constant 384 : index
    %get3A_283 = tpu.vector_load %arg6[%get3A_282] {strides = array<i32>} : memref<1024xf32, #tpu.memory_space<vmem>>, vector<16xf32>,
    %get3A_284 = arith.constant 384 : index
    %get3A_285 = tpu.vector_load %arg7[%get3A_284] {strides = array<i32>} : memref<1024xf32, #tpu.memory_space<vmem>>, vector<16xf32>,
    %add3A_286 = arith.addf %get3A_283, %get3A_285 : vector<16xf32>
    %gt3A_287 = arith.cmpf ogt, %add3A_286, %select_n3A_277 : vector<16xf32>
    %select_n3A_288 = arith.select %gt3A_287, %add3A_286, %select_n3A_277 : vector<16xi1>, vector<16xf32>
    %add3A_289 = arith.constant 384 : i32
    %add3A_290 = vector.broadcast %add3A_289 : i32 to vector<16xi32>
    %add3A_291 = arith.addi %iota3A, %add3A_290 : vector<16xi32>
    %select_n3A_292 = arith.select %gt3A_287, %add3A_291, %select_n3A_281 : vector<16xi1>, vector<16xi32>
    %get3A_293 = arith.constant 400 : index
    %get3A_294 = tpu.vector_load %arg6[%get3A_293] {strides = array<i32>} : memref<1024xf32, #tpu.memory_space<vmem>>, vector<16xf32>,
    %get3A_295 = arith.constant 400 : index
    %get3A_296 = tpu.vector_load %arg7[%get3A_295] {strides = array<i32>} : memref<1024xf32, #tpu.memory_space<vmem>>, vector<16xf32>,
    %add3A_297 = arith.addf %get3A_294, %get3A_296 : vector<16xf32>
    %gt3A_298 = arith.cmpf ogt, %add3A_297, %select_n3A_288 : vector<16xf32>
    %select_n3A_299 = arith.select %gt3A_298, %add3A_297, %select_n3A_288 : vector<16xi1>, vector<16xf32>
    %add3A_300 = arith.constant 400 : i32
    %add3A_301 = vector.broadcast %add3A_300 : i32 to vector<16xi32>
    %add3A_302 = arith.addi %iota3A, %add3A_301 : vector<16xi32>
    %select_n3A_303 = arith.select %gt3A_298, %add3A_302, %select_n3A_292 : vector<16xi1>, vector<16xi32>
    %get3A_304 = arith.constant 416 : index
    %get3A_305 = tpu.vector_load %arg6[%get3A_304] {strides = array<i32>} : memref<1024xf32, #tpu.memory_space<vmem>>, vector<16xf32>,
    %get3A_306 = arith.constant 416 : index
    %get3A_307 = tpu.vector_load %arg7[%get3A_306] {strides = array<i32>} : memref<1024xf32, #tpu.memory_space<vmem>>, vector<16xf32>,
    %add3A_308 = arith.addf %get3A_305, %get3A_307 : vector<16xf32>
    %gt3A_309 = arith.cmpf ogt, %add3A_308, %select_n3A_299 : vector<16xf32>
    %select_n3A_310 = arith.select %gt3A_309, %add3A_308, %select_n3A_299 : vector<16xi1>, vector<16xf32>
    %add3A_311 = arith.constant 416 : i32
    %add3A_312 = vector.broadcast %add3A_311 : i32 to vector<16xi32>
    %add3A_313 = arith.addi %iota3A, %add3A_312 : vector<16xi32>
    %select_n3A_314 = arith.select %gt3A_309, %add3A_313, %select_n3A_303 : vector<16xi1>, vector<16xi32>
    %get3A_315 = arith.constant 432 : index
    %get3A_316 = tpu.vector_load %arg6[%get3A_315] {strides = array<i32>} : memref<1024xf32, #tpu.memory_space<vmem>>, vector<16xf32>,
    %get3A_317 = arith.constant 432 : index
    %get3A_318 = tpu.vector_load %arg7[%get3A_317] {strides = array<i32>} : memref<1024xf32, #tpu.memory_space<vmem>>, vector<16xf32>,
    %add3A_319 = arith.addf %get3A_316, %get3A_318 : vector<16xf32>
    %gt3A_320 = arith.cmpf ogt, %add3A_319, %select_n3A_310 : vector<16xf32>
    %select_n3A_321 = arith.select %gt3A_320, %add3A_319, %select_n3A_310 : vector<16xi1>, vector<16xf32>
    %add3A_322 = arith.constant 432 : i32
    %add3A_323 = vector.broadcast %add3A_322 : i32 to vector<16xi32>
    %add3A_324 = arith.addi %iota3A, %add3A_323 : vector<16xi32>
    %select_n3A_325 = arith.select %gt3A_320, %add3A_324, %select_n3A_314 : vector<16xi1>, vector<16xi32>
    %get3A_326 = arith.constant 448 : index
    %get3A_327 = tpu.vector_load %arg6[%get3A_326] {strides = array<i32>} : memref<1024xf32, #tpu.memory_space<vmem>>, vector<16xf32>,
    %get3A_328 = arith.constant 448 : index
    %get3A_329 = tpu.vector_load %arg7[%get3A_328] {strides = array<i32>} : memref<1024xf32, #tpu.memory_space<vmem>>, vector<16xf32>,
    %add3A_330 = arith.addf %get3A_327, %get3A_329 : vector<16xf32>
    %gt3A_331 = arith.cmpf ogt, %add3A_330, %select_n3A_321 : vector<16xf32>
    %select_n3A_332 = arith.select %gt3A_331, %add3A_330, %select_n3A_321 : vector<16xi1>, vector<16xf32>
    %add3A_333 = arith.constant 448 : i32
    %add3A_334 = vector.broadcast %add3A_333 : i32 to vector<16xi32>
    %add3A_335 = arith.addi %iota3A, %add3A_334 : vector<16xi32>
    %select_n3A_336 = arith.select %gt3A_331, %add3A_335, %select_n3A_325 : vector<16xi1>, vector<16xi32>
    %get3A_337 = arith.constant 464 : index
    %get3A_338 = tpu.vector_load %arg6[%get3A_337] {strides = array<i32>} : memref<1024xf32, #tpu.memory_space<vmem>>, vector<16xf32>,
    %get3A_339 = arith.constant 464 : index
    %get3A_340 = tpu.vector_load %arg7[%get3A_339] {strides = array<i32>} : memref<1024xf32, #tpu.memory_space<vmem>>, vector<16xf32>,
    %add3A_341 = arith.addf %get3A_338, %get3A_340 : vector<16xf32>
    %gt3A_342 = arith.cmpf ogt, %add3A_341, %select_n3A_332 : vector<16xf32>
    %select_n3A_343 = arith.select %gt3A_342, %add3A_341, %select_n3A_332 : vector<16xi1>, vector<16xf32>
    %add3A_344 = arith.constant 464 : i32
    %add3A_345 = vector.broadcast %add3A_344 : i32 to vector<16xi32>
    %add3A_346 = arith.addi %iota3A, %add3A_345 : vector<16xi32>
    %select_n3A_347 = arith.select %gt3A_342, %add3A_346, %select_n3A_336 : vector<16xi1>, vector<16xi32>
    %get3A_348 = arith.constant 480 : index
    %get3A_349 = tpu.vector_load %arg6[%get3A_348] {strides = array<i32>} : memref<1024xf32, #tpu.memory_space<vmem>>, vector<16xf32>,
    %get3A_350 = arith.constant 480 : index
    %get3A_351 = tpu.vector_load %arg7[%get3A_350] {strides = array<i32>} : memref<1024xf32, #tpu.memory_space<vmem>>, vector<16xf32>,
    %add3A_352 = arith.addf %get3A_349, %get3A_351 : vector<16xf32>
    %gt3A_353 = arith.cmpf ogt, %add3A_352, %select_n3A_343 : vector<16xf32>
    %select_n3A_354 = arith.select %gt3A_353, %add3A_352, %select_n3A_343 : vector<16xi1>, vector<16xf32>
    %add3A_355 = arith.constant 480 : i32
    %add3A_356 = vector.broadcast %add3A_355 : i32 to vector<16xi32>
    %add3A_357 = arith.addi %iota3A, %add3A_356 : vector<16xi32>
    %select_n3A_358 = arith.select %gt3A_353, %add3A_357, %select_n3A_347 : vector<16xi1>, vector<16xi32>
    %get3A_359 = arith.constant 496 : index
    %get3A_360 = tpu.vector_load %arg6[%get3A_359] {strides = array<i32>} : memref<1024xf32, #tpu.memory_space<vmem>>, vector<16xf32>,
    %get3A_361 = arith.constant 496 : index
    %get3A_362 = tpu.vector_load %arg7[%get3A_361] {strides = array<i32>} : memref<1024xf32, #tpu.memory_space<vmem>>, vector<16xf32>,
    %add3A_363 = arith.addf %get3A_360, %get3A_362 : vector<16xf32>
    %gt3A_364 = arith.cmpf ogt, %add3A_363, %select_n3A_354 : vector<16xf32>
    %select_n3A_365 = arith.select %gt3A_364, %add3A_363, %select_n3A_354 : vector<16xi1>, vector<16xf32>
    %add3A_366 = arith.constant 496 : i32
    %add3A_367 = vector.broadcast %add3A_366 : i32 to vector<16xi32>
    %add3A_368 = arith.addi %iota3A, %add3A_367 : vector<16xi32>
    %select_n3A_369 = arith.select %gt3A_364, %add3A_368, %select_n3A_358 : vector<16xi1>, vector<16xi32>
    %get3A_370 = arith.constant 512 : index
    %get3A_371 = tpu.vector_load %arg6[%get3A_370] {strides = array<i32>} : memref<1024xf32, #tpu.memory_space<vmem>>, vector<16xf32>,
    %get3A_372 = arith.constant 512 : index
    %get3A_373 = tpu.vector_load %arg7[%get3A_372] {strides = array<i32>} : memref<1024xf32, #tpu.memory_space<vmem>>, vector<16xf32>,
    %add3A_374 = arith.addf %get3A_371, %get3A_373 : vector<16xf32>
    %gt3A_375 = arith.cmpf ogt, %add3A_374, %select_n3A_365 : vector<16xf32>
    %select_n3A_376 = arith.select %gt3A_375, %add3A_374, %select_n3A_365 : vector<16xi1>, vector<16xf32>
    %add3A_377 = arith.constant 512 : i32
    %add3A_378 = vector.broadcast %add3A_377 : i32 to vector<16xi32>
    %add3A_379 = arith.addi %iota3A, %add3A_378 : vector<16xi32>
    %select_n3A_380 = arith.select %gt3A_375, %add3A_379, %select_n3A_369 : vector<16xi1>, vector<16xi32>
    %get3A_381 = arith.constant 528 : index
    %get3A_382 = tpu.vector_load %arg6[%get3A_381] {strides = array<i32>} : memref<1024xf32, #tpu.memory_space<vmem>>, vector<16xf32>,
    %get3A_383 = arith.constant 528 : index
    %get3A_384 = tpu.vector_load %arg7[%get3A_383] {strides = array<i32>} : memref<1024xf32, #tpu.memory_space<vmem>>, vector<16xf32>,
    %add3A_385 = arith.addf %get3A_382, %get3A_384 : vector<16xf32>
    %gt3A_386 = arith.cmpf ogt, %add3A_385, %select_n3A_376 : vector<16xf32>
    %select_n3A_387 = arith.select %gt3A_386, %add3A_385, %select_n3A_376 : vector<16xi1>, vector<16xf32>
    %add3A_388 = arith.constant 528 : i32
    %add3A_389 = vector.broadcast %add3A_388 : i32 to vector<16xi32>
    %add3A_390 = arith.addi %iota3A, %add3A_389 : vector<16xi32>
    %select_n3A_391 = arith.select %gt3A_386, %add3A_390, %select_n3A_380 : vector<16xi1>, vector<16xi32>
    %get3A_392 = arith.constant 544 : index
    %get3A_393 = tpu.vector_load %arg6[%get3A_392] {strides = array<i32>} : memref<1024xf32, #tpu.memory_space<vmem>>, vector<16xf32>,
    %get3A_394 = arith.constant 544 : index
    %get3A_395 = tpu.vector_load %arg7[%get3A_394] {strides = array<i32>} : memref<1024xf32, #tpu.memory_space<vmem>>, vector<16xf32>,
    %add3A_396 = arith.addf %get3A_393, %get3A_395 : vector<16xf32>
    %gt3A_397 = arith.cmpf ogt, %add3A_396, %select_n3A_387 : vector<16xf32>
    %select_n3A_398 = arith.select %gt3A_397, %add3A_396, %select_n3A_387 : vector<16xi1>, vector<16xf32>
    %add3A_399 = arith.constant 544 : i32
    %add3A_400 = vector.broadcast %add3A_399 : i32 to vector<16xi32>
    %add3A_401 = arith.addi %iota3A, %add3A_400 : vector<16xi32>
    %select_n3A_402 = arith.select %gt3A_397, %add3A_401, %select_n3A_391 : vector<16xi1>, vector<16xi32>
    %get3A_403 = arith.constant 560 : index
    %get3A_404 = tpu.vector_load %arg6[%get3A_403] {strides = array<i32>} : memref<1024xf32, #tpu.memory_space<vmem>>, vector<16xf32>,
    %get3A_405 = arith.constant 560 : index
    %get3A_406 = tpu.vector_load %arg7[%get3A_405] {strides = array<i32>} : memref<1024xf32, #tpu.memory_space<vmem>>, vector<16xf32>,
    %add3A_407 = arith.addf %get3A_404, %get3A_406 : vector<16xf32>
    %gt3A_408 = arith.cmpf ogt, %add3A_407, %select_n3A_398 : vector<16xf32>
    %select_n3A_409 = arith.select %gt3A_408, %add3A_407, %select_n3A_398 : vector<16xi1>, vector<16xf32>
    %add3A_410 = arith.constant 560 : i32
    %add3A_411 = vector.broadcast %add3A_410 : i32 to vector<16xi32>
    %add3A_412 = arith.addi %iota3A, %add3A_411 : vector<16xi32>
    %select_n3A_413 = arith.select %gt3A_408, %add3A_412, %select_n3A_402 : vector<16xi1>, vector<16xi32>
    %get3A_414 = arith.constant 576 : index
    %get3A_415 = tpu.vector_load %arg6[%get3A_414] {strides = array<i32>} : memref<1024xf32, #tpu.memory_space<vmem>>, vector<16xf32>,
    %get3A_416 = arith.constant 576 : index
    %get3A_417 = tpu.vector_load %arg7[%get3A_416] {strides = array<i32>} : memref<1024xf32, #tpu.memory_space<vmem>>, vector<16xf32>,
    %add3A_418 = arith.addf %get3A_415, %get3A_417 : vector<16xf32>
    %gt3A_419 = arith.cmpf ogt, %add3A_418, %select_n3A_409 : vector<16xf32>
    %select_n3A_420 = arith.select %gt3A_419, %add3A_418, %select_n3A_409 : vector<16xi1>, vector<16xf32>
    %add3A_421 = arith.constant 576 : i32
    %add3A_422 = vector.broadcast %add3A_421 : i32 to vector<16xi32>
    %add3A_423 = arith.addi %iota3A, %add3A_422 : vector<16xi32>
    %select_n3A_424 = arith.select %gt3A_419, %add3A_423, %select_n3A_413 : vector<16xi1>, vector<16xi32>
    %get3A_425 = arith.constant 592 : index
    %get3A_426 = tpu.vector_load %arg6[%get3A_425] {strides = array<i32>} : memref<1024xf32, #tpu.memory_space<vmem>>, vector<16xf32>,
    %get3A_427 = arith.constant 592 : index
    %get3A_428 = tpu.vector_load %arg7[%get3A_427] {strides = array<i32>} : memref<1024xf32, #tpu.memory_space<vmem>>, vector<16xf32>,
    %add3A_429 = arith.addf %get3A_426, %get3A_428 : vector<16xf32>
    %gt3A_430 = arith.cmpf ogt, %add3A_429, %select_n3A_420 : vector<16xf32>
    %select_n3A_431 = arith.select %gt3A_430, %add3A_429, %select_n3A_420 : vector<16xi1>, vector<16xf32>
    %add3A_432 = arith.constant 592 : i32
    %add3A_433 = vector.broadcast %add3A_432 : i32 to vector<16xi32>
    %add3A_434 = arith.addi %iota3A, %add3A_433 : vector<16xi32>
    %select_n3A_435 = arith.select %gt3A_430, %add3A_434, %select_n3A_424 : vector<16xi1>, vector<16xi32>
    %get3A_436 = arith.constant 608 : index
    %get3A_437 = tpu.vector_load %arg6[%get3A_436] {strides = array<i32>} : memref<1024xf32, #tpu.memory_space<vmem>>, vector<16xf32>,
    %get3A_438 = arith.constant 608 : index
    %get3A_439 = tpu.vector_load %arg7[%get3A_438] {strides = array<i32>} : memref<1024xf32, #tpu.memory_space<vmem>>, vector<16xf32>,
    %add3A_440 = arith.addf %get3A_437, %get3A_439 : vector<16xf32>
    %gt3A_441 = arith.cmpf ogt, %add3A_440, %select_n3A_431 : vector<16xf32>
    %select_n3A_442 = arith.select %gt3A_441, %add3A_440, %select_n3A_431 : vector<16xi1>, vector<16xf32>
    %add3A_443 = arith.constant 608 : i32
    %add3A_444 = vector.broadcast %add3A_443 : i32 to vector<16xi32>
    %add3A_445 = arith.addi %iota3A, %add3A_444 : vector<16xi32>
    %select_n3A_446 = arith.select %gt3A_441, %add3A_445, %select_n3A_435 : vector<16xi1>, vector<16xi32>
    %get3A_447 = arith.constant 624 : index
    %get3A_448 = tpu.vector_load %arg6[%get3A_447] {strides = array<i32>} : memref<1024xf32, #tpu.memory_space<vmem>>, vector<16xf32>,
    %get3A_449 = arith.constant 624 : index
    %get3A_450 = tpu.vector_load %arg7[%get3A_449] {strides = array<i32>} : memref<1024xf32, #tpu.memory_space<vmem>>, vector<16xf32>,
    %add3A_451 = arith.addf %get3A_448, %get3A_450 : vector<16xf32>
    %gt3A_452 = arith.cmpf ogt, %add3A_451, %select_n3A_442 : vector<16xf32>
    %select_n3A_453 = arith.select %gt3A_452, %add3A_451, %select_n3A_442 : vector<16xi1>, vector<16xf32>
    %add3A_454 = arith.constant 624 : i32
    %add3A_455 = vector.broadcast %add3A_454 : i32 to vector<16xi32>
    %add3A_456 = arith.addi %iota3A, %add3A_455 : vector<16xi32>
    %select_n3A_457 = arith.select %gt3A_452, %add3A_456, %select_n3A_446 : vector<16xi1>, vector<16xi32>
    %get3A_458 = arith.constant 640 : index
    %get3A_459 = tpu.vector_load %arg6[%get3A_458] {strides = array<i32>} : memref<1024xf32, #tpu.memory_space<vmem>>, vector<16xf32>,
    %get3A_460 = arith.constant 640 : index
    %get3A_461 = tpu.vector_load %arg7[%get3A_460] {strides = array<i32>} : memref<1024xf32, #tpu.memory_space<vmem>>, vector<16xf32>,
    %add3A_462 = arith.addf %get3A_459, %get3A_461 : vector<16xf32>
    %gt3A_463 = arith.cmpf ogt, %add3A_462, %select_n3A_453 : vector<16xf32>
    %select_n3A_464 = arith.select %gt3A_463, %add3A_462, %select_n3A_453 : vector<16xi1>, vector<16xf32>
    %add3A_465 = arith.constant 640 : i32
    %add3A_466 = vector.broadcast %add3A_465 : i32 to vector<16xi32>
    %add3A_467 = arith.addi %iota3A, %add3A_466 : vector<16xi32>
    %select_n3A_468 = arith.select %gt3A_463, %add3A_467, %select_n3A_457 : vector<16xi1>, vector<16xi32>
    %get3A_469 = arith.constant 656 : index
    %get3A_470 = tpu.vector_load %arg6[%get3A_469] {strides = array<i32>} : memref<1024xf32, #tpu.memory_space<vmem>>, vector<16xf32>,
    %get3A_471 = arith.constant 656 : index
    %get3A_472 = tpu.vector_load %arg7[%get3A_471] {strides = array<i32>} : memref<1024xf32, #tpu.memory_space<vmem>>, vector<16xf32>,
    %add3A_473 = arith.addf %get3A_470, %get3A_472 : vector<16xf32>
    %gt3A_474 = arith.cmpf ogt, %add3A_473, %select_n3A_464 : vector<16xf32>
    %select_n3A_475 = arith.select %gt3A_474, %add3A_473, %select_n3A_464 : vector<16xi1>, vector<16xf32>
    %add3A_476 = arith.constant 656 : i32
    %add3A_477 = vector.broadcast %add3A_476 : i32 to vector<16xi32>
    %add3A_478 = arith.addi %iota3A, %add3A_477 : vector<16xi32>
    %select_n3A_479 = arith.select %gt3A_474, %add3A_478, %select_n3A_468 : vector<16xi1>, vector<16xi32>
    %get3A_480 = arith.constant 672 : index
    %get3A_481 = tpu.vector_load %arg6[%get3A_480] {strides = array<i32>} : memref<1024xf32, #tpu.memory_space<vmem>>, vector<16xf32>,
    %get3A_482 = arith.constant 672 : index
    %get3A_483 = tpu.vector_load %arg7[%get3A_482] {strides = array<i32>} : memref<1024xf32, #tpu.memory_space<vmem>>, vector<16xf32>,
    %add3A_484 = arith.addf %get3A_481, %get3A_483 : vector<16xf32>
    %gt3A_485 = arith.cmpf ogt, %add3A_484, %select_n3A_475 : vector<16xf32>
    %select_n3A_486 = arith.select %gt3A_485, %add3A_484, %select_n3A_475 : vector<16xi1>, vector<16xf32>
    %add3A_487 = arith.constant 672 : i32
    %add3A_488 = vector.broadcast %add3A_487 : i32 to vector<16xi32>
    %add3A_489 = arith.addi %iota3A, %add3A_488 : vector<16xi32>
    %select_n3A_490 = arith.select %gt3A_485, %add3A_489, %select_n3A_479 : vector<16xi1>, vector<16xi32>
    %get3A_491 = arith.constant 688 : index
    %get3A_492 = tpu.vector_load %arg6[%get3A_491] {strides = array<i32>} : memref<1024xf32, #tpu.memory_space<vmem>>, vector<16xf32>,
    %get3A_493 = arith.constant 688 : index
    %get3A_494 = tpu.vector_load %arg7[%get3A_493] {strides = array<i32>} : memref<1024xf32, #tpu.memory_space<vmem>>, vector<16xf32>,
    %add3A_495 = arith.addf %get3A_492, %get3A_494 : vector<16xf32>
    %gt3A_496 = arith.cmpf ogt, %add3A_495, %select_n3A_486 : vector<16xf32>
    %select_n3A_497 = arith.select %gt3A_496, %add3A_495, %select_n3A_486 : vector<16xi1>, vector<16xf32>
    %add3A_498 = arith.constant 688 : i32
    %add3A_499 = vector.broadcast %add3A_498 : i32 to vector<16xi32>
    %add3A_500 = arith.addi %iota3A, %add3A_499 : vector<16xi32>
    %select_n3A_501 = arith.select %gt3A_496, %add3A_500, %select_n3A_490 : vector<16xi1>, vector<16xi32>
    %get3A_502 = arith.constant 704 : index
    %get3A_503 = tpu.vector_load %arg6[%get3A_502] {strides = array<i32>} : memref<1024xf32, #tpu.memory_space<vmem>>, vector<16xf32>,
    %get3A_504 = arith.constant 704 : index
    %get3A_505 = tpu.vector_load %arg7[%get3A_504] {strides = array<i32>} : memref<1024xf32, #tpu.memory_space<vmem>>, vector<16xf32>,
    %add3A_506 = arith.addf %get3A_503, %get3A_505 : vector<16xf32>
    %gt3A_507 = arith.cmpf ogt, %add3A_506, %select_n3A_497 : vector<16xf32>
    %select_n3A_508 = arith.select %gt3A_507, %add3A_506, %select_n3A_497 : vector<16xi1>, vector<16xf32>
    %add3A_509 = arith.constant 704 : i32
    %add3A_510 = vector.broadcast %add3A_509 : i32 to vector<16xi32>
    %add3A_511 = arith.addi %iota3A, %add3A_510 : vector<16xi32>
    %select_n3A_512 = arith.select %gt3A_507, %add3A_511, %select_n3A_501 : vector<16xi1>, vector<16xi32>
    %get3A_513 = arith.constant 720 : index
    %get3A_514 = tpu.vector_load %arg6[%get3A_513] {strides = array<i32>} : memref<1024xf32, #tpu.memory_space<vmem>>, vector<16xf32>,
    %get3A_515 = arith.constant 720 : index
    %get3A_516 = tpu.vector_load %arg7[%get3A_515] {strides = array<i32>} : memref<1024xf32, #tpu.memory_space<vmem>>, vector<16xf32>,
    %add3A_517 = arith.addf %get3A_514, %get3A_516 : vector<16xf32>
    %gt3A_518 = arith.cmpf ogt, %add3A_517, %select_n3A_508 : vector<16xf32>
    %select_n3A_519 = arith.select %gt3A_518, %add3A_517, %select_n3A_508 : vector<16xi1>, vector<16xf32>
    %add3A_520 = arith.constant 720 : i32
    %add3A_521 = vector.broadcast %add3A_520 : i32 to vector<16xi32>
    %add3A_522 = arith.addi %iota3A, %add3A_521 : vector<16xi32>
    %select_n3A_523 = arith.select %gt3A_518, %add3A_522, %select_n3A_512 : vector<16xi1>, vector<16xi32>
    %get3A_524 = arith.constant 736 : index
    %get3A_525 = tpu.vector_load %arg6[%get3A_524] {strides = array<i32>} : memref<1024xf32, #tpu.memory_space<vmem>>, vector<16xf32>,
    %get3A_526 = arith.constant 736 : index
    %get3A_527 = tpu.vector_load %arg7[%get3A_526] {strides = array<i32>} : memref<1024xf32, #tpu.memory_space<vmem>>, vector<16xf32>,
    %add3A_528 = arith.addf %get3A_525, %get3A_527 : vector<16xf32>
    %gt3A_529 = arith.cmpf ogt, %add3A_528, %select_n3A_519 : vector<16xf32>
    %select_n3A_530 = arith.select %gt3A_529, %add3A_528, %select_n3A_519 : vector<16xi1>, vector<16xf32>
    %add3A_531 = arith.constant 736 : i32
    %add3A_532 = vector.broadcast %add3A_531 : i32 to vector<16xi32>
    %add3A_533 = arith.addi %iota3A, %add3A_532 : vector<16xi32>
    %select_n3A_534 = arith.select %gt3A_529, %add3A_533, %select_n3A_523 : vector<16xi1>, vector<16xi32>
    %get3A_535 = arith.constant 752 : index
    %get3A_536 = tpu.vector_load %arg6[%get3A_535] {strides = array<i32>} : memref<1024xf32, #tpu.memory_space<vmem>>, vector<16xf32>,
    %get3A_537 = arith.constant 752 : index
    %get3A_538 = tpu.vector_load %arg7[%get3A_537] {strides = array<i32>} : memref<1024xf32, #tpu.memory_space<vmem>>, vector<16xf32>,
    %add3A_539 = arith.addf %get3A_536, %get3A_538 : vector<16xf32>
    %gt3A_540 = arith.cmpf ogt, %add3A_539, %select_n3A_530 : vector<16xf32>
    %select_n3A_541 = arith.select %gt3A_540, %add3A_539, %select_n3A_530 : vector<16xi1>, vector<16xf32>
    %add3A_542 = arith.constant 752 : i32
    %add3A_543 = vector.broadcast %add3A_542 : i32 to vector<16xi32>
    %add3A_544 = arith.addi %iota3A, %add3A_543 : vector<16xi32>
    %select_n3A_545 = arith.select %gt3A_540, %add3A_544, %select_n3A_534 : vector<16xi1>, vector<16xi32>
    %get3A_546 = arith.constant 768 : index
    %get3A_547 = tpu.vector_load %arg6[%get3A_546] {strides = array<i32>} : memref<1024xf32, #tpu.memory_space<vmem>>, vector<16xf32>,
    %get3A_548 = arith.constant 768 : index
    %get3A_549 = tpu.vector_load %arg7[%get3A_548] {strides = array<i32>} : memref<1024xf32, #tpu.memory_space<vmem>>, vector<16xf32>,
    %add3A_550 = arith.addf %get3A_547, %get3A_549 : vector<16xf32>
    %gt3A_551 = arith.cmpf ogt, %add3A_550, %select_n3A_541 : vector<16xf32>
    %select_n3A_552 = arith.select %gt3A_551, %add3A_550, %select_n3A_541 : vector<16xi1>, vector<16xf32>
    %add3A_553 = arith.constant 768 : i32
    %add3A_554 = vector.broadcast %add3A_553 : i32 to vector<16xi32>
    %add3A_555 = arith.addi %iota3A, %add3A_554 : vector<16xi32>
    %select_n3A_556 = arith.select %gt3A_551, %add3A_555, %select_n3A_545 : vector<16xi1>, vector<16xi32>
    %get3A_557 = arith.constant 784 : index
    %get3A_558 = tpu.vector_load %arg6[%get3A_557] {strides = array<i32>} : memref<1024xf32, #tpu.memory_space<vmem>>, vector<16xf32>,
    %get3A_559 = arith.constant 784 : index
    %get3A_560 = tpu.vector_load %arg7[%get3A_559] {strides = array<i32>} : memref<1024xf32, #tpu.memory_space<vmem>>, vector<16xf32>,
    %add3A_561 = arith.addf %get3A_558, %get3A_560 : vector<16xf32>
    %gt3A_562 = arith.cmpf ogt, %add3A_561, %select_n3A_552 : vector<16xf32>
    %select_n3A_563 = arith.select %gt3A_562, %add3A_561, %select_n3A_552 : vector<16xi1>, vector<16xf32>
    %add3A_564 = arith.constant 784 : i32
    %add3A_565 = vector.broadcast %add3A_564 : i32 to vector<16xi32>
    %add3A_566 = arith.addi %iota3A, %add3A_565 : vector<16xi32>
    %select_n3A_567 = arith.select %gt3A_562, %add3A_566, %select_n3A_556 : vector<16xi1>, vector<16xi32>
    %get3A_568 = arith.constant 800 : index
    %get3A_569 = tpu.vector_load %arg6[%get3A_568] {strides = array<i32>} : memref<1024xf32, #tpu.memory_space<vmem>>, vector<16xf32>,
    %get3A_570 = arith.constant 800 : index
    %get3A_571 = tpu.vector_load %arg7[%get3A_570] {strides = array<i32>} : memref<1024xf32, #tpu.memory_space<vmem>>, vector<16xf32>,
    %add3A_572 = arith.addf %get3A_569, %get3A_571 : vector<16xf32>
    %gt3A_573 = arith.cmpf ogt, %add3A_572, %select_n3A_563 : vector<16xf32>
    %select_n3A_574 = arith.select %gt3A_573, %add3A_572, %select_n3A_563 : vector<16xi1>, vector<16xf32>
    %add3A_575 = arith.constant 800 : i32
    %add3A_576 = vector.broadcast %add3A_575 : i32 to vector<16xi32>
    %add3A_577 = arith.addi %iota3A, %add3A_576 : vector<16xi32>
    %select_n3A_578 = arith.select %gt3A_573, %add3A_577, %select_n3A_567 : vector<16xi1>, vector<16xi32>
    %get3A_579 = arith.constant 816 : index
    %get3A_580 = tpu.vector_load %arg6[%get3A_579] {strides = array<i32>} : memref<1024xf32, #tpu.memory_space<vmem>>, vector<16xf32>,
    %get3A_581 = arith.constant 816 : index
    %get3A_582 = tpu.vector_load %arg7[%get3A_581] {strides = array<i32>} : memref<1024xf32, #tpu.memory_space<vmem>>, vector<16xf32>,
    %add3A_583 = arith.addf %get3A_580, %get3A_582 : vector<16xf32>
    %gt3A_584 = arith.cmpf ogt, %add3A_583, %select_n3A_574 : vector<16xf32>
    %select_n3A_585 = arith.select %gt3A_584, %add3A_583, %select_n3A_574 : vector<16xi1>, vector<16xf32>
    %add3A_586 = arith.constant 816 : i32
    %add3A_587 = vector.broadcast %add3A_586 : i32 to vector<16xi32>
    %add3A_588 = arith.addi %iota3A, %add3A_587 : vector<16xi32>
    %select_n3A_589 = arith.select %gt3A_584, %add3A_588, %select_n3A_578 : vector<16xi1>, vector<16xi32>
    %get3A_590 = arith.constant 832 : index
    %get3A_591 = tpu.vector_load %arg6[%get3A_590] {strides = array<i32>} : memref<1024xf32, #tpu.memory_space<vmem>>, vector<16xf32>,
    %get3A_592 = arith.constant 832 : index
    %get3A_593 = tpu.vector_load %arg7[%get3A_592] {strides = array<i32>} : memref<1024xf32, #tpu.memory_space<vmem>>, vector<16xf32>,
    %add3A_594 = arith.addf %get3A_591, %get3A_593 : vector<16xf32>
    %gt3A_595 = arith.cmpf ogt, %add3A_594, %select_n3A_585 : vector<16xf32>
    %select_n3A_596 = arith.select %gt3A_595, %add3A_594, %select_n3A_585 : vector<16xi1>, vector<16xf32>
    %add3A_597 = arith.constant 832 : i32
    %add3A_598 = vector.broadcast %add3A_597 : i32 to vector<16xi32>
    %add3A_599 = arith.addi %iota3A, %add3A_598 : vector<16xi32>
    %select_n3A_600 = arith.select %gt3A_595, %add3A_599, %select_n3A_589 : vector<16xi1>, vector<16xi32>
    %get3A_601 = arith.constant 848 : index
    %get3A_602 = tpu.vector_load %arg6[%get3A_601] {strides = array<i32>} : memref<1024xf32, #tpu.memory_space<vmem>>, vector<16xf32>,
    %get3A_603 = arith.constant 848 : index
    %get3A_604 = tpu.vector_load %arg7[%get3A_603] {strides = array<i32>} : memref<1024xf32, #tpu.memory_space<vmem>>, vector<16xf32>,
    %add3A_605 = arith.addf %get3A_602, %get3A_604 : vector<16xf32>
    %gt3A_606 = arith.cmpf ogt, %add3A_605, %select_n3A_596 : vector<16xf32>
    %select_n3A_607 = arith.select %gt3A_606, %add3A_605, %select_n3A_596 : vector<16xi1>, vector<16xf32>
    %add3A_608 = arith.constant 848 : i32
    %add3A_609 = vector.broadcast %add3A_608 : i32 to vector<16xi32>
    %add3A_610 = arith.addi %iota3A, %add3A_609 : vector<16xi32>
    %select_n3A_611 = arith.select %gt3A_606, %add3A_610, %select_n3A_600 : vector<16xi1>, vector<16xi32>
    %get3A_612 = arith.constant 864 : index
    %get3A_613 = tpu.vector_load %arg6[%get3A_612] {strides = array<i32>} : memref<1024xf32, #tpu.memory_space<vmem>>, vector<16xf32>,
    %get3A_614 = arith.constant 864 : index
    %get3A_615 = tpu.vector_load %arg7[%get3A_614] {strides = array<i32>} : memref<1024xf32, #tpu.memory_space<vmem>>, vector<16xf32>,
    %add3A_616 = arith.addf %get3A_613, %get3A_615 : vector<16xf32>
    %gt3A_617 = arith.cmpf ogt, %add3A_616, %select_n3A_607 : vector<16xf32>
    %select_n3A_618 = arith.select %gt3A_617, %add3A_616, %select_n3A_607 : vector<16xi1>, vector<16xf32>
    %add3A_619 = arith.constant 864 : i32
    %add3A_620 = vector.broadcast %add3A_619 : i32 to vector<16xi32>
    %add3A_621 = arith.addi %iota3A, %add3A_620 : vector<16xi32>
    %select_n3A_622 = arith.select %gt3A_617, %add3A_621, %select_n3A_611 : vector<16xi1>, vector<16xi32>
    %get3A_623 = arith.constant 880 : index
    %get3A_624 = tpu.vector_load %arg6[%get3A_623] {strides = array<i32>} : memref<1024xf32, #tpu.memory_space<vmem>>, vector<16xf32>,
    %get3A_625 = arith.constant 880 : index
    %get3A_626 = tpu.vector_load %arg7[%get3A_625] {strides = array<i32>} : memref<1024xf32, #tpu.memory_space<vmem>>, vector<16xf32>,
    %add3A_627 = arith.addf %get3A_624, %get3A_626 : vector<16xf32>
    %gt3A_628 = arith.cmpf ogt, %add3A_627, %select_n3A_618 : vector<16xf32>
    %select_n3A_629 = arith.select %gt3A_628, %add3A_627, %select_n3A_618 : vector<16xi1>, vector<16xf32>
    %add3A_630 = arith.constant 880 : i32
    %add3A_631 = vector.broadcast %add3A_630 : i32 to vector<16xi32>
    %add3A_632 = arith.addi %iota3A, %add3A_631 : vector<16xi32>
    %select_n3A_633 = arith.select %gt3A_628, %add3A_632, %select_n3A_622 : vector<16xi1>, vector<16xi32>
    %get3A_634 = arith.constant 896 : index
    %get3A_635 = tpu.vector_load %arg6[%get3A_634] {strides = array<i32>} : memref<1024xf32, #tpu.memory_space<vmem>>, vector<16xf32>,
    %get3A_636 = arith.constant 896 : index
    %get3A_637 = tpu.vector_load %arg7[%get3A_636] {strides = array<i32>} : memref<1024xf32, #tpu.memory_space<vmem>>, vector<16xf32>,
    %add3A_638 = arith.addf %get3A_635, %get3A_637 : vector<16xf32>
    %gt3A_639 = arith.cmpf ogt, %add3A_638, %select_n3A_629 : vector<16xf32>
    %select_n3A_640 = arith.select %gt3A_639, %add3A_638, %select_n3A_629 : vector<16xi1>, vector<16xf32>
    %add3A_641 = arith.constant 896 : i32
    %add3A_642 = vector.broadcast %add3A_641 : i32 to vector<16xi32>
    %add3A_643 = arith.addi %iota3A, %add3A_642 : vector<16xi32>
    %select_n3A_644 = arith.select %gt3A_639, %add3A_643, %select_n3A_633 : vector<16xi1>, vector<16xi32>
    %get3A_645 = arith.constant 912 : index
    %get3A_646 = tpu.vector_load %arg6[%get3A_645] {strides = array<i32>} : memref<1024xf32, #tpu.memory_space<vmem>>, vector<16xf32>,
    %get3A_647 = arith.constant 912 : index
    %get3A_648 = tpu.vector_load %arg7[%get3A_647] {strides = array<i32>} : memref<1024xf32, #tpu.memory_space<vmem>>, vector<16xf32>,
    %add3A_649 = arith.addf %get3A_646, %get3A_648 : vector<16xf32>
    %gt3A_650 = arith.cmpf ogt, %add3A_649, %select_n3A_640 : vector<16xf32>
    %select_n3A_651 = arith.select %gt3A_650, %add3A_649, %select_n3A_640 : vector<16xi1>, vector<16xf32>
    %add3A_652 = arith.constant 912 : i32
    %add3A_653 = vector.broadcast %add3A_652 : i32 to vector<16xi32>
    %add3A_654 = arith.addi %iota3A, %add3A_653 : vector<16xi32>
    %select_n3A_655 = arith.select %gt3A_650, %add3A_654, %select_n3A_644 : vector<16xi1>, vector<16xi32>
    %get3A_656 = arith.constant 928 : index
    %get3A_657 = tpu.vector_load %arg6[%get3A_656] {strides = array<i32>} : memref<1024xf32, #tpu.memory_space<vmem>>, vector<16xf32>,
    %get3A_658 = arith.constant 928 : index
    %get3A_659 = tpu.vector_load %arg7[%get3A_658] {strides = array<i32>} : memref<1024xf32, #tpu.memory_space<vmem>>, vector<16xf32>,
    %add3A_660 = arith.addf %get3A_657, %get3A_659 : vector<16xf32>
    %gt3A_661 = arith.cmpf ogt, %add3A_660, %select_n3A_651 : vector<16xf32>
    %select_n3A_662 = arith.select %gt3A_661, %add3A_660, %select_n3A_651 : vector<16xi1>, vector<16xf32>
    %add3A_663 = arith.constant 928 : i32
    %add3A_664 = vector.broadcast %add3A_663 : i32 to vector<16xi32>
    %add3A_665 = arith.addi %iota3A, %add3A_664 : vector<16xi32>
    %select_n3A_666 = arith.select %gt3A_661, %add3A_665, %select_n3A_655 : vector<16xi1>, vector<16xi32>
    %get3A_667 = arith.constant 944 : index
    %get3A_668 = tpu.vector_load %arg6[%get3A_667] {strides = array<i32>} : memref<1024xf32, #tpu.memory_space<vmem>>, vector<16xf32>,
    %get3A_669 = arith.constant 944 : index
    %get3A_670 = tpu.vector_load %arg7[%get3A_669] {strides = array<i32>} : memref<1024xf32, #tpu.memory_space<vmem>>, vector<16xf32>,
    %add3A_671 = arith.addf %get3A_668, %get3A_670 : vector<16xf32>
    %gt3A_672 = arith.cmpf ogt, %add3A_671, %select_n3A_662 : vector<16xf32>
    %select_n3A_673 = arith.select %gt3A_672, %add3A_671, %select_n3A_662 : vector<16xi1>, vector<16xf32>
    %add3A_674 = arith.constant 944 : i32
    %add3A_675 = vector.broadcast %add3A_674 : i32 to vector<16xi32>
    %add3A_676 = arith.addi %iota3A, %add3A_675 : vector<16xi32>
    %select_n3A_677 = arith.select %gt3A_672, %add3A_676, %select_n3A_666 : vector<16xi1>, vector<16xi32>
    %get3A_678 = arith.constant 960 : index
    %get3A_679 = tpu.vector_load %arg6[%get3A_678] {strides = array<i32>} : memref<1024xf32, #tpu.memory_space<vmem>>, vector<16xf32>,
    %get3A_680 = arith.constant 960 : index
    %get3A_681 = tpu.vector_load %arg7[%get3A_680] {strides = array<i32>} : memref<1024xf32, #tpu.memory_space<vmem>>, vector<16xf32>,
    %add3A_682 = arith.addf %get3A_679, %get3A_681 : vector<16xf32>
    %gt3A_683 = arith.cmpf ogt, %add3A_682, %select_n3A_673 : vector<16xf32>
    %select_n3A_684 = arith.select %gt3A_683, %add3A_682, %select_n3A_673 : vector<16xi1>, vector<16xf32>
    %add3A_685 = arith.constant 960 : i32
    %add3A_686 = vector.broadcast %add3A_685 : i32 to vector<16xi32>
    %add3A_687 = arith.addi %iota3A, %add3A_686 : vector<16xi32>
    %select_n3A_688 = arith.select %gt3A_683, %add3A_687, %select_n3A_677 : vector<16xi1>, vector<16xi32>
    %get3A_689 = arith.constant 976 : index
    %get3A_690 = tpu.vector_load %arg6[%get3A_689] {strides = array<i32>} : memref<1024xf32, #tpu.memory_space<vmem>>, vector<16xf32>,
    %get3A_691 = arith.constant 976 : index
    %get3A_692 = tpu.vector_load %arg7[%get3A_691] {strides = array<i32>} : memref<1024xf32, #tpu.memory_space<vmem>>, vector<16xf32>,
    %add3A_693 = arith.addf %get3A_690, %get3A_692 : vector<16xf32>
    %gt3A_694 = arith.cmpf ogt, %add3A_693, %select_n3A_684 : vector<16xf32>
    %select_n3A_695 = arith.select %gt3A_694, %add3A_693, %select_n3A_684 : vector<16xi1>, vector<16xf32>
    %add3A_696 = arith.constant 976 : i32
    %add3A_697 = vector.broadcast %add3A_696 : i32 to vector<16xi32>
    %add3A_698 = arith.addi %iota3A, %add3A_697 : vector<16xi32>
    %select_n3A_699 = arith.select %gt3A_694, %add3A_698, %select_n3A_688 : vector<16xi1>, vector<16xi32>
    %get3A_700 = arith.constant 992 : index
    %get3A_701 = tpu.vector_load %arg6[%get3A_700] {strides = array<i32>} : memref<1024xf32, #tpu.memory_space<vmem>>, vector<16xf32>,
    %get3A_702 = arith.constant 992 : index
    %get3A_703 = tpu.vector_load %arg7[%get3A_702] {strides = array<i32>} : memref<1024xf32, #tpu.memory_space<vmem>>, vector<16xf32>,
    %add3A_704 = arith.addf %get3A_701, %get3A_703 : vector<16xf32>
    %gt3A_705 = arith.cmpf ogt, %add3A_704, %select_n3A_695 : vector<16xf32>
    %select_n3A_706 = arith.select %gt3A_705, %add3A_704, %select_n3A_695 : vector<16xi1>, vector<16xf32>
    %add3A_707 = arith.constant 992 : i32
    %add3A_708 = vector.broadcast %add3A_707 : i32 to vector<16xi32>
    %add3A_709 = arith.addi %iota3A, %add3A_708 : vector<16xi32>
    %select_n3A_710 = arith.select %gt3A_705, %add3A_709, %select_n3A_699 : vector<16xi1>, vector<16xi32>
    %get3A_711 = arith.constant 1008 : index
    %get3A_712 = tpu.vector_load %arg6[%get3A_711] {strides = array<i32>} : memref<1024xf32, #tpu.memory_space<vmem>>, vector<16xf32>,
    %get3A_713 = arith.constant 1008 : index
    %get3A_714 = tpu.vector_load %arg7[%get3A_713] {strides = array<i32>} : memref<1024xf32, #tpu.memory_space<vmem>>, vector<16xf32>,
    %add3A_715 = arith.addf %get3A_712, %get3A_714 : vector<16xf32>
    %gt3A_716 = arith.cmpf ogt, %add3A_715, %select_n3A_706 : vector<16xf32>
    %select_n3A_717 = arith.select %gt3A_716, %add3A_715, %select_n3A_706 : vector<16xi1>, vector<16xf32>
    %add3A_718 = arith.constant 1008 : i32
    %add3A_719 = vector.broadcast %add3A_718 : i32 to vector<16xi32>
    %add3A_720 = arith.addi %iota3A, %add3A_719 : vector<16xi32>
    %select_n3A_721 = arith.select %gt3A_716, %add3A_720, %select_n3A_710 : vector<16xi1>, vector<16xi32>
    %swap3A = arith.constant 0 : index
    %swap3A_722 = tpu.vector_load %arg8[%swap3A] {strides = array<i32>} : memref<16xf32, #tpu.memory_space<vmem>>, vector<16xf32>,
    tpu.vector_store %arg8[%swap3A], %select_n3A_717 {strides = array<i32>} : memref<16xf32, #tpu.memory_space<vmem>>, vector<16xf32>,
    %swap3A_723 = arith.constant 0 : index
    %swap3A_724 = tpu.vector_load %arg9[%swap3A_723] {strides = array<i32>} : memref<16xi32, #tpu.memory_space<vmem>>, vector<16xi32>,
    tpu.vector_store %arg9[%swap3A_723], %select_n3A_721 {strides = array<i32>} : memref<16xi32, #tpu.memory_space<vmem>>, vector<16xi32>,
    %xor3A = arith.constant 8 : i32
    %xor3A_725 = vector.broadcast %xor3A : i32 to vector<16xi32>
    %xor3A_726 = arith.xori %iota3A, %xor3A_725 : vector<16xi32>
    %gather3A = tpu.vector_load_idx %arg8[%xor3A_726] : memref<16xf32, #tpu.memory_space<vmem>>[vector<16xi32>], vector<16xf32>,
    %gather3A_727 = tpu.vector_load_idx %arg9[%xor3A_726] : memref<16xi32, #tpu.memory_space<vmem>>[vector<16xi32>], vector<16xi32>,
    %gt3A_728 = arith.cmpf ogt, %gather3A, %select_n3A_717 : vector<16xf32>
    %eq3A = arith.cmpf oeq, %gather3A, %select_n3A_717 : vector<16xf32>
    %lt3A = arith.cmpi slt, %gather3A_727, %select_n3A_721 : vector<16xi32>
    %and3A = arith.andi %eq3A, %lt3A : vector<16xi1>
    %or3A = arith.ori %gt3A_728, %and3A : vector<16xi1>
    %select_n3A_729 = arith.select %or3A, %gather3A, %select_n3A_717 : vector<16xi1>, vector<16xf32>
    %select_n3A_730 = arith.select %or3A, %gather3A_727, %select_n3A_721 : vector<16xi1>, vector<16xi32>
    %swap3A_731 = arith.constant 0 : index
    %swap3A_732 = tpu.vector_load %arg8[%swap3A_731] {strides = array<i32>} : memref<16xf32, #tpu.memory_space<vmem>>, vector<16xf32>,
    tpu.vector_store %arg8[%swap3A_731], %select_n3A_729 {strides = array<i32>} : memref<16xf32, #tpu.memory_space<vmem>>, vector<16xf32>,
    %swap3A_733 = arith.constant 0 : index
    %swap3A_734 = tpu.vector_load %arg9[%swap3A_733] {strides = array<i32>} : memref<16xi32, #tpu.memory_space<vmem>>, vector<16xi32>,
    tpu.vector_store %arg9[%swap3A_733], %select_n3A_730 {strides = array<i32>} : memref<16xi32, #tpu.memory_space<vmem>>, vector<16xi32>,
    %xor3A_735 = arith.constant 4 : i32
    %xor3A_736 = vector.broadcast %xor3A_735 : i32 to vector<16xi32>
    %xor3A_737 = arith.xori %iota3A, %xor3A_736 : vector<16xi32>
    %gather3A_738 = tpu.vector_load_idx %arg8[%xor3A_737] : memref<16xf32, #tpu.memory_space<vmem>>[vector<16xi32>], vector<16xf32>,
    %gather3A_739 = tpu.vector_load_idx %arg9[%xor3A_737] : memref<16xi32, #tpu.memory_space<vmem>>[vector<16xi32>], vector<16xi32>,
    %gt3A_740 = arith.cmpf ogt, %gather3A_738, %select_n3A_729 : vector<16xf32>
    %eq3A_741 = arith.cmpf oeq, %gather3A_738, %select_n3A_729 : vector<16xf32>
    %lt3A_742 = arith.cmpi slt, %gather3A_739, %select_n3A_730 : vector<16xi32>
    %and3A_743 = arith.andi %eq3A_741, %lt3A_742 : vector<16xi1>
    %or3A_744 = arith.ori %gt3A_740, %and3A_743 : vector<16xi1>
    %select_n3A_745 = arith.select %or3A_744, %gather3A_738, %select_n3A_729 : vector<16xi1>, vector<16xf32>
    %select_n3A_746 = arith.select %or3A_744, %gather3A_739, %select_n3A_730 : vector<16xi1>, vector<16xi32>
    %swap3A_747 = arith.constant 0 : index
    %swap3A_748 = tpu.vector_load %arg8[%swap3A_747] {strides = array<i32>} : memref<16xf32, #tpu.memory_space<vmem>>, vector<16xf32>,
    tpu.vector_store %arg8[%swap3A_747], %select_n3A_745 {strides = array<i32>} : memref<16xf32, #tpu.memory_space<vmem>>, vector<16xf32>,
    %swap3A_749 = arith.constant 0 : index
    %swap3A_750 = tpu.vector_load %arg9[%swap3A_749] {strides = array<i32>} : memref<16xi32, #tpu.memory_space<vmem>>, vector<16xi32>,
    tpu.vector_store %arg9[%swap3A_749], %select_n3A_746 {strides = array<i32>} : memref<16xi32, #tpu.memory_space<vmem>>, vector<16xi32>,
    %xor3A_751 = arith.constant 2 : i32
    %xor3A_752 = vector.broadcast %xor3A_751 : i32 to vector<16xi32>
    %xor3A_753 = arith.xori %iota3A, %xor3A_752 : vector<16xi32>
    %gather3A_754 = tpu.vector_load_idx %arg8[%xor3A_753] : memref<16xf32, #tpu.memory_space<vmem>>[vector<16xi32>], vector<16xf32>,
    %gather3A_755 = tpu.vector_load_idx %arg9[%xor3A_753] : memref<16xi32, #tpu.memory_space<vmem>>[vector<16xi32>], vector<16xi32>,
    %gt3A_756 = arith.cmpf ogt, %gather3A_754, %select_n3A_745 : vector<16xf32>
    %eq3A_757 = arith.cmpf oeq, %gather3A_754, %select_n3A_745 : vector<16xf32>
    %lt3A_758 = arith.cmpi slt, %gather3A_755, %select_n3A_746 : vector<16xi32>
    %and3A_759 = arith.andi %eq3A_757, %lt3A_758 : vector<16xi1>
    %or3A_760 = arith.ori %gt3A_756, %and3A_759 : vector<16xi1>
    %select_n3A_761 = arith.select %or3A_760, %gather3A_754, %select_n3A_745 : vector<16xi1>, vector<16xf32>
    %select_n3A_762 = arith.select %or3A_760, %gather3A_755, %select_n3A_746 : vector<16xi1>, vector<16xi32>
    %swap3A_763 = arith.constant 0 : index
    %swap3A_764 = tpu.vector_load %arg8[%swap3A_763] {strides = array<i32>} : memref<16xf32, #tpu.memory_space<vmem>>, vector<16xf32>,
    tpu.vector_store %arg8[%swap3A_763], %select_n3A_761 {strides = array<i32>} : memref<16xf32, #tpu.memory_space<vmem>>, vector<16xf32>,
    %swap3A_765 = arith.constant 0 : index
    %swap3A_766 = tpu.vector_load %arg9[%swap3A_765] {strides = array<i32>} : memref<16xi32, #tpu.memory_space<vmem>>, vector<16xi32>,
    tpu.vector_store %arg9[%swap3A_765], %select_n3A_762 {strides = array<i32>} : memref<16xi32, #tpu.memory_space<vmem>>, vector<16xi32>,
    %xor3A_767 = arith.constant 1 : i32
    %xor3A_768 = vector.broadcast %xor3A_767 : i32 to vector<16xi32>
    %xor3A_769 = arith.xori %iota3A, %xor3A_768 : vector<16xi32>
    %gather3A_770 = tpu.vector_load_idx %arg8[%xor3A_769] : memref<16xf32, #tpu.memory_space<vmem>>[vector<16xi32>], vector<16xf32>,
    %gather3A_771 = tpu.vector_load_idx %arg9[%xor3A_769] : memref<16xi32, #tpu.memory_space<vmem>>[vector<16xi32>], vector<16xi32>,
    %gt3A_772 = arith.cmpf ogt, %gather3A_770, %select_n3A_761 : vector<16xf32>
    %eq3A_773 = arith.cmpf oeq, %gather3A_770, %select_n3A_761 : vector<16xf32>
    %lt3A_774 = arith.cmpi slt, %gather3A_771, %select_n3A_762 : vector<16xi32>
    %and3A_775 = arith.andi %eq3A_773, %lt3A_774 : vector<16xi1>
    %or3A_776 = arith.ori %gt3A_772, %and3A_775 : vector<16xi1>
    %select_n3A_777 = arith.select %or3A_776, %gather3A_770, %select_n3A_761 : vector<16xi1>, vector<16xf32>
    %select_n3A_778 = arith.select %or3A_776, %gather3A_771, %select_n3A_762 : vector<16xi1>, vector<16xi32>
    %gather3A_779 = tpu.vector_load_idx %arg6[%select_n3A_778] : memref<1024xf32, #tpu.memory_space<vmem>>[vector<16xi32>], vector<16xf32>,
    %and3A_780 = arith.constant 31 : i32
    %and3A_781 = vector.broadcast %and3A_780 : i32 to vector<16xi32>
    %and3A_782 = arith.andi %select_n3A_778, %and3A_781 : vector<16xi32>
    %shift_right_arithmetic3A = arith.constant 5 : i32
    %shift_right_arithmetic3A_783 = vector.broadcast %shift_right_arithmetic3A : i32 to vector<16xi32>
    %shift_right_arithmetic3A_784 = arith.shrsi %select_n3A_778, %shift_right_arithmetic3A_783 : vector<16xi32>
    %eq3A_785 = arith.constant 0 : i32
    %eq3A_786 = vector.broadcast %eq3A_785 : i32 to vector<16xi32>
    %eq3A_787 = arith.cmpi eq, %iota3A, %eq3A_786 : vector<16xi32>
    %eq3A_788 = arith.constant 1 : i32
    %eq3A_789 = vector.broadcast %eq3A_788 : i32 to vector<16xi32>
    %eq3A_790 = arith.cmpi eq, %iota3A, %eq3A_789 : vector<16xi32>
    %jit3A = arith.constant 0 : i32
    %broadcast_in_dim3A = vector.broadcast %jit3A : i32 to vector<16xi32>
    %select_n3A_791 = arith.select %eq3A_790, %shift_right_arithmetic3A_784, %broadcast_in_dim3A : vector<16xi1>, vector<16xi32>
    %select_n3A_792 = arith.select %eq3A_787, %and3A_782, %select_n3A_791 : vector<16xi1>, vector<16xi32>
    %swap3A_793 = arith.constant 0 : index
    %swap3A_794 = tpu.vector_load %arg10[%swap3A_793] {strides = array<i32>} : memref<16xi32, #tpu.memory_space<vmem>>, vector<16xi32>,
    tpu.vector_store %arg10[%swap3A_793], %select_n3A_792 {strides = array<i32>} : memref<16xi32, #tpu.memory_space<vmem>>, vector<16xi32>,
    "tpu.region"() ({
      %run_scoped3A = tpu.sem_alloc : memref<!tpu.dma_semaphore, #tpu.memory_space<semaphore_mem>>
      %dma_start3A_1608 = arith.constant 0 : i32
      %dma_start3A_1609 = tpu.memref_slice %arg4[%add3A_4, %dma_start3A_1608] : memref<64x16xi32, #tpu.memory_space<hbm>> -> memref<1x16xi32, #tpu.memory_space<hbm>>
      %dma_start3A_1610 = tpu.memref_squeeze %dma_start3A_1609 : memref<1x16xi32, #tpu.memory_space<hbm>> -> memref<16xi32, #tpu.memory_space<hbm>>
      %dma_start3A_1611 = arith.constant 0 : i32
      %dma_start3A_1612 = tpu.memref_slice %arg4[%add3A_4, %dma_start3A_1611] : memref<64x16xi32, #tpu.memory_space<hbm>> -> memref<1x16xi32, #tpu.memory_space<hbm>>
      %dma_start3A_1613 = tpu.memref_squeeze %dma_start3A_1612 : memref<1x16xi32, #tpu.memory_space<hbm>> -> memref<16xi32, #tpu.memory_space<hbm>>
      tpu.enqueue_dma source(%arg10 : memref<16xi32, #tpu.memory_space<vmem>>) target(%dma_start3A_1613 : memref<16xi32, #tpu.memory_space<hbm>>) target_semaphore(%run_scoped3A : memref<!tpu.dma_semaphore, #tpu.memory_space<semaphore_mem>>)
      %dma_wait3A_1614 = arith.constant 0 : i32
      %dma_wait3A_1615 = tpu.memref_slice %arg4[%add3A_4, %dma_wait3A_1614] : memref<64x16xi32, #tpu.memory_space<hbm>> -> memref<1x16xi32, #tpu.memory_space<hbm>>
      %dma_wait3A_1616 = tpu.memref_squeeze %dma_wait3A_1615 : memref<1x16xi32, #tpu.memory_space<hbm>> -> memref<16xi32, #tpu.memory_space<hbm>>
      %dma_wait3A_1617 = arith.constant 0 : i32
      %dma_wait3A_1618 = tpu.memref_slice %arg4[%add3A_4, %dma_wait3A_1617] : memref<64x16xi32, #tpu.memory_space<hbm>> -> memref<1x16xi32, #tpu.memory_space<hbm>>
      %dma_wait3A_1619 = tpu.memref_squeeze %dma_wait3A_1618 : memref<1x16xi32, #tpu.memory_space<hbm>> -> memref<16xi32, #tpu.memory_space<hbm>>
      tpu.wait_dma2 semaphore(%run_scoped3A : memref<!tpu.dma_semaphore, #tpu.memory_space<semaphore_mem>>) src(%arg10 : memref<16xi32, #tpu.memory_space<vmem>>) dst(%dma_wait3A_1619 : memref<16xi32, #tpu.memory_space<hbm>>)
      tpu.yield
    }) : () -> ()
    %swap3A_795 = arith.constant 0 : index
    %swap3A_796 = tpu.vector_load %arg8[%swap3A_795] {strides = array<i32>} : memref<16xf32, #tpu.memory_space<vmem>>, vector<16xf32>,
    tpu.vector_store %arg8[%swap3A_795], %gather3A_779 {strides = array<i32>} : memref<16xf32, #tpu.memory_space<vmem>>, vector<16xf32>,
    "tpu.region"() ({
      %run_scoped3A = tpu.sem_alloc : memref<!tpu.dma_semaphore, #tpu.memory_space<semaphore_mem>>
      %dma_start3A_1608 = arith.constant 0 : i32
      %dma_start3A_1609 = tpu.memref_slice %arg5[%add3A_4, %dma_start3A_1608] : memref<64x16xf32, #tpu.memory_space<hbm>> -> memref<1x16xf32, #tpu.memory_space<hbm>>
      %dma_start3A_1610 = tpu.memref_squeeze %dma_start3A_1609 : memref<1x16xf32, #tpu.memory_space<hbm>> -> memref<16xf32, #tpu.memory_space<hbm>>
      %dma_start3A_1611 = arith.constant 0 : i32
      %dma_start3A_1612 = tpu.memref_slice %arg5[%add3A_4, %dma_start3A_1611] : memref<64x16xf32, #tpu.memory_space<hbm>> -> memref<1x16xf32, #tpu.memory_space<hbm>>
      %dma_start3A_1613 = tpu.memref_squeeze %dma_start3A_1612 : memref<1x16xf32, #tpu.memory_space<hbm>> -> memref<16xf32, #tpu.memory_space<hbm>>
      tpu.enqueue_dma source(%arg8 : memref<16xf32, #tpu.memory_space<vmem>>) target(%dma_start3A_1613 : memref<16xf32, #tpu.memory_space<hbm>>) target_semaphore(%run_scoped3A : memref<!tpu.dma_semaphore, #tpu.memory_space<semaphore_mem>>)
      %dma_wait3A_1614 = arith.constant 0 : i32
      %dma_wait3A_1615 = tpu.memref_slice %arg5[%add3A_4, %dma_wait3A_1614] : memref<64x16xf32, #tpu.memory_space<hbm>> -> memref<1x16xf32, #tpu.memory_space<hbm>>
      %dma_wait3A_1616 = tpu.memref_squeeze %dma_wait3A_1615 : memref<1x16xf32, #tpu.memory_space<hbm>> -> memref<16xf32, #tpu.memory_space<hbm>>
      %dma_wait3A_1617 = arith.constant 0 : i32
      %dma_wait3A_1618 = tpu.memref_slice %arg5[%add3A_4, %dma_wait3A_1617] : memref<64x16xf32, #tpu.memory_space<hbm>> -> memref<1x16xf32, #tpu.memory_space<hbm>>
      %dma_wait3A_1619 = tpu.memref_squeeze %dma_wait3A_1618 : memref<1x16xf32, #tpu.memory_space<hbm>> -> memref<16xf32, #tpu.memory_space<hbm>>
      tpu.wait_dma2 semaphore(%run_scoped3A : memref<!tpu.dma_semaphore, #tpu.memory_space<semaphore_mem>>) src(%arg8 : memref<16xf32, #tpu.memory_space<vmem>>) dst(%dma_wait3A_1619 : memref<16xf32, #tpu.memory_space<hbm>>)
      tpu.yield
    }) : () -> ()
    %mul3A_797 = arith.constant 2 : i32
    %mul3A_798 = arith.muli %add3A, %mul3A_797 : i32
    %add3A_799 = arith.constant 1 : i32
    %add3A_800 = arith.addi %mul3A_798, %add3A_799 : i32
    %dma_start3A_801 = arith.constant 0 : i32
    %dma_start3A_802 = tpu.memref_slice %arg2[%add3A_800, %dma_start3A_801] : memref<64x1024xf32, #tpu.memory_space<hbm>> -> memref<1x1024xf32, #tpu.memory_space<hbm>>
    %dma_start3A_803 = tpu.memref_squeeze %dma_start3A_802 : memref<1x1024xf32, #tpu.memory_space<hbm>> -> memref<1024xf32, #tpu.memory_space<hbm>>
    %dma_start3A_804 = arith.constant 0 : i32
    %dma_start3A_805 = tpu.memref_slice %arg2[%add3A_800, %dma_start3A_804] : memref<64x1024xf32, #tpu.memory_space<hbm>> -> memref<1x1024xf32, #tpu.memory_space<hbm>>
    %dma_start3A_806 = tpu.memref_squeeze %dma_start3A_805 : memref<1x1024xf32, #tpu.memory_space<hbm>> -> memref<1024xf32, #tpu.memory_space<hbm>>
    tpu.enqueue_dma source(%dma_start3A_806 : memref<1024xf32, #tpu.memory_space<hbm>>) target(%arg6 : memref<1024xf32, #tpu.memory_space<vmem>>) target_semaphore(%arg11 : memref<!tpu.dma_semaphore, #tpu.memory_space<semaphore_mem>>)
    %dma_wait3A_807 = arith.constant 0 : i32
    %dma_wait3A_808 = tpu.memref_slice %arg2[%add3A_800, %dma_wait3A_807] : memref<64x1024xf32, #tpu.memory_space<hbm>> -> memref<1x1024xf32, #tpu.memory_space<hbm>>
    %dma_wait3A_809 = tpu.memref_squeeze %dma_wait3A_808 : memref<1x1024xf32, #tpu.memory_space<hbm>> -> memref<1024xf32, #tpu.memory_space<hbm>>
    %dma_wait3A_810 = arith.constant 0 : i32
    %dma_wait3A_811 = tpu.memref_slice %arg2[%add3A_800, %dma_wait3A_810] : memref<64x1024xf32, #tpu.memory_space<hbm>> -> memref<1x1024xf32, #tpu.memory_space<hbm>>
    %dma_wait3A_812 = tpu.memref_squeeze %dma_wait3A_811 : memref<1x1024xf32, #tpu.memory_space<hbm>> -> memref<1024xf32, #tpu.memory_space<hbm>>
    tpu.wait_dma2 semaphore(%arg11 : memref<!tpu.dma_semaphore, #tpu.memory_space<semaphore_mem>>) src(%dma_wait3A_812 : memref<1024xf32, #tpu.memory_space<hbm>>) dst(%arg6 : memref<1024xf32, #tpu.memory_space<vmem>>)
    %dma_start3A_813 = arith.constant 0 : i32
    %dma_start3A_814 = tpu.memref_slice %arg3[%add3A_800, %dma_start3A_813] : memref<64x1024xf32, #tpu.memory_space<hbm>> -> memref<1x1024xf32, #tpu.memory_space<hbm>>
    %dma_start3A_815 = tpu.memref_squeeze %dma_start3A_814 : memref<1x1024xf32, #tpu.memory_space<hbm>> -> memref<1024xf32, #tpu.memory_space<hbm>>
    %dma_start3A_816 = arith.constant 0 : i32
    %dma_start3A_817 = tpu.memref_slice %arg3[%add3A_800, %dma_start3A_816] : memref<64x1024xf32, #tpu.memory_space<hbm>> -> memref<1x1024xf32, #tpu.memory_space<hbm>>
    %dma_start3A_818 = tpu.memref_squeeze %dma_start3A_817 : memref<1x1024xf32, #tpu.memory_space<hbm>> -> memref<1024xf32, #tpu.memory_space<hbm>>
    tpu.enqueue_dma source(%dma_start3A_818 : memref<1024xf32, #tpu.memory_space<hbm>>) target(%arg7 : memref<1024xf32, #tpu.memory_space<vmem>>) target_semaphore(%arg11 : memref<!tpu.dma_semaphore, #tpu.memory_space<semaphore_mem>>)
    %dma_wait3A_819 = arith.constant 0 : i32
    %dma_wait3A_820 = tpu.memref_slice %arg3[%add3A_800, %dma_wait3A_819] : memref<64x1024xf32, #tpu.memory_space<hbm>> -> memref<1x1024xf32, #tpu.memory_space<hbm>>
    %dma_wait3A_821 = tpu.memref_squeeze %dma_wait3A_820 : memref<1x1024xf32, #tpu.memory_space<hbm>> -> memref<1024xf32, #tpu.memory_space<hbm>>
    %dma_wait3A_822 = arith.constant 0 : i32
    %dma_wait3A_823 = tpu.memref_slice %arg3[%add3A_800, %dma_wait3A_822] : memref<64x1024xf32, #tpu.memory_space<hbm>> -> memref<1x1024xf32, #tpu.memory_space<hbm>>
    %dma_wait3A_824 = tpu.memref_squeeze %dma_wait3A_823 : memref<1x1024xf32, #tpu.memory_space<hbm>> -> memref<1024xf32, #tpu.memory_space<hbm>>
    tpu.wait_dma2 semaphore(%arg11 : memref<!tpu.dma_semaphore, #tpu.memory_space<semaphore_mem>>) src(%dma_wait3A_824 : memref<1024xf32, #tpu.memory_space<hbm>>) dst(%arg7 : memref<1024xf32, #tpu.memory_space<vmem>>)
    %get3A_825 = arith.constant 0 : index
    %get3A_826 = tpu.vector_load %arg6[%get3A_825] {strides = array<i32>} : memref<1024xf32, #tpu.memory_space<vmem>>, vector<16xf32>,
    %get3A_827 = arith.constant 0 : index
    %get3A_828 = tpu.vector_load %arg7[%get3A_827] {strides = array<i32>} : memref<1024xf32, #tpu.memory_space<vmem>>, vector<16xf32>,
    %add3A_829 = arith.addf %get3A_826, %get3A_828 : vector<16xf32>
    %get3A_830 = arith.constant 16 : index
    %get3A_831 = tpu.vector_load %arg6[%get3A_830] {strides = array<i32>} : memref<1024xf32, #tpu.memory_space<vmem>>, vector<16xf32>,
    %get3A_832 = arith.constant 16 : index
    %get3A_833 = tpu.vector_load %arg7[%get3A_832] {strides = array<i32>} : memref<1024xf32, #tpu.memory_space<vmem>>, vector<16xf32>,
    %add3A_834 = arith.addf %get3A_831, %get3A_833 : vector<16xf32>
    %gt3A_835 = arith.cmpf ogt, %add3A_834, %add3A_829 : vector<16xf32>
    %select_n3A_836 = arith.select %gt3A_835, %add3A_834, %add3A_829 : vector<16xi1>, vector<16xf32>
    %add3A_837 = arith.constant 16 : i32
    %add3A_838 = vector.broadcast %add3A_837 : i32 to vector<16xi32>
    %add3A_839 = arith.addi %iota3A, %add3A_838 : vector<16xi32>
    %select_n3A_840 = arith.select %gt3A_835, %add3A_839, %iota3A : vector<16xi1>, vector<16xi32>
    %get3A_841 = arith.constant 32 : index
    %get3A_842 = tpu.vector_load %arg6[%get3A_841] {strides = array<i32>} : memref<1024xf32, #tpu.memory_space<vmem>>, vector<16xf32>,
    %get3A_843 = arith.constant 32 : index
    %get3A_844 = tpu.vector_load %arg7[%get3A_843] {strides = array<i32>} : memref<1024xf32, #tpu.memory_space<vmem>>, vector<16xf32>,
    %add3A_845 = arith.addf %get3A_842, %get3A_844 : vector<16xf32>
    %gt3A_846 = arith.cmpf ogt, %add3A_845, %select_n3A_836 : vector<16xf32>
    %select_n3A_847 = arith.select %gt3A_846, %add3A_845, %select_n3A_836 : vector<16xi1>, vector<16xf32>
    %add3A_848 = arith.constant 32 : i32
    %add3A_849 = vector.broadcast %add3A_848 : i32 to vector<16xi32>
    %add3A_850 = arith.addi %iota3A, %add3A_849 : vector<16xi32>
    %select_n3A_851 = arith.select %gt3A_846, %add3A_850, %select_n3A_840 : vector<16xi1>, vector<16xi32>
    %get3A_852 = arith.constant 48 : index
    %get3A_853 = tpu.vector_load %arg6[%get3A_852] {strides = array<i32>} : memref<1024xf32, #tpu.memory_space<vmem>>, vector<16xf32>,
    %get3A_854 = arith.constant 48 : index
    %get3A_855 = tpu.vector_load %arg7[%get3A_854] {strides = array<i32>} : memref<1024xf32, #tpu.memory_space<vmem>>, vector<16xf32>,
    %add3A_856 = arith.addf %get3A_853, %get3A_855 : vector<16xf32>
    %gt3A_857 = arith.cmpf ogt, %add3A_856, %select_n3A_847 : vector<16xf32>
    %select_n3A_858 = arith.select %gt3A_857, %add3A_856, %select_n3A_847 : vector<16xi1>, vector<16xf32>
    %add3A_859 = arith.constant 48 : i32
    %add3A_860 = vector.broadcast %add3A_859 : i32 to vector<16xi32>
    %add3A_861 = arith.addi %iota3A, %add3A_860 : vector<16xi32>
    %select_n3A_862 = arith.select %gt3A_857, %add3A_861, %select_n3A_851 : vector<16xi1>, vector<16xi32>
    %get3A_863 = arith.constant 64 : index
    %get3A_864 = tpu.vector_load %arg6[%get3A_863] {strides = array<i32>} : memref<1024xf32, #tpu.memory_space<vmem>>, vector<16xf32>,
    %get3A_865 = arith.constant 64 : index
    %get3A_866 = tpu.vector_load %arg7[%get3A_865] {strides = array<i32>} : memref<1024xf32, #tpu.memory_space<vmem>>, vector<16xf32>,
    %add3A_867 = arith.addf %get3A_864, %get3A_866 : vector<16xf32>
    %gt3A_868 = arith.cmpf ogt, %add3A_867, %select_n3A_858 : vector<16xf32>
    %select_n3A_869 = arith.select %gt3A_868, %add3A_867, %select_n3A_858 : vector<16xi1>, vector<16xf32>
    %add3A_870 = arith.constant 64 : i32
    %add3A_871 = vector.broadcast %add3A_870 : i32 to vector<16xi32>
    %add3A_872 = arith.addi %iota3A, %add3A_871 : vector<16xi32>
    %select_n3A_873 = arith.select %gt3A_868, %add3A_872, %select_n3A_862 : vector<16xi1>, vector<16xi32>
    %get3A_874 = arith.constant 80 : index
    %get3A_875 = tpu.vector_load %arg6[%get3A_874] {strides = array<i32>} : memref<1024xf32, #tpu.memory_space<vmem>>, vector<16xf32>,
    %get3A_876 = arith.constant 80 : index
    %get3A_877 = tpu.vector_load %arg7[%get3A_876] {strides = array<i32>} : memref<1024xf32, #tpu.memory_space<vmem>>, vector<16xf32>,
    %add3A_878 = arith.addf %get3A_875, %get3A_877 : vector<16xf32>
    %gt3A_879 = arith.cmpf ogt, %add3A_878, %select_n3A_869 : vector<16xf32>
    %select_n3A_880 = arith.select %gt3A_879, %add3A_878, %select_n3A_869 : vector<16xi1>, vector<16xf32>
    %add3A_881 = arith.constant 80 : i32
    %add3A_882 = vector.broadcast %add3A_881 : i32 to vector<16xi32>
    %add3A_883 = arith.addi %iota3A, %add3A_882 : vector<16xi32>
    %select_n3A_884 = arith.select %gt3A_879, %add3A_883, %select_n3A_873 : vector<16xi1>, vector<16xi32>
    %get3A_885 = arith.constant 96 : index
    %get3A_886 = tpu.vector_load %arg6[%get3A_885] {strides = array<i32>} : memref<1024xf32, #tpu.memory_space<vmem>>, vector<16xf32>,
    %get3A_887 = arith.constant 96 : index
    %get3A_888 = tpu.vector_load %arg7[%get3A_887] {strides = array<i32>} : memref<1024xf32, #tpu.memory_space<vmem>>, vector<16xf32>,
    %add3A_889 = arith.addf %get3A_886, %get3A_888 : vector<16xf32>
    %gt3A_890 = arith.cmpf ogt, %add3A_889, %select_n3A_880 : vector<16xf32>
    %select_n3A_891 = arith.select %gt3A_890, %add3A_889, %select_n3A_880 : vector<16xi1>, vector<16xf32>
    %add3A_892 = arith.constant 96 : i32
    %add3A_893 = vector.broadcast %add3A_892 : i32 to vector<16xi32>
    %add3A_894 = arith.addi %iota3A, %add3A_893 : vector<16xi32>
    %select_n3A_895 = arith.select %gt3A_890, %add3A_894, %select_n3A_884 : vector<16xi1>, vector<16xi32>
    %get3A_896 = arith.constant 112 : index
    %get3A_897 = tpu.vector_load %arg6[%get3A_896] {strides = array<i32>} : memref<1024xf32, #tpu.memory_space<vmem>>, vector<16xf32>,
    %get3A_898 = arith.constant 112 : index
    %get3A_899 = tpu.vector_load %arg7[%get3A_898] {strides = array<i32>} : memref<1024xf32, #tpu.memory_space<vmem>>, vector<16xf32>,
    %add3A_900 = arith.addf %get3A_897, %get3A_899 : vector<16xf32>
    %gt3A_901 = arith.cmpf ogt, %add3A_900, %select_n3A_891 : vector<16xf32>
    %select_n3A_902 = arith.select %gt3A_901, %add3A_900, %select_n3A_891 : vector<16xi1>, vector<16xf32>
    %add3A_903 = arith.constant 112 : i32
    %add3A_904 = vector.broadcast %add3A_903 : i32 to vector<16xi32>
    %add3A_905 = arith.addi %iota3A, %add3A_904 : vector<16xi32>
    %select_n3A_906 = arith.select %gt3A_901, %add3A_905, %select_n3A_895 : vector<16xi1>, vector<16xi32>
    %get3A_907 = arith.constant 128 : index
    %get3A_908 = tpu.vector_load %arg6[%get3A_907] {strides = array<i32>} : memref<1024xf32, #tpu.memory_space<vmem>>, vector<16xf32>,
    %get3A_909 = arith.constant 128 : index
    %get3A_910 = tpu.vector_load %arg7[%get3A_909] {strides = array<i32>} : memref<1024xf32, #tpu.memory_space<vmem>>, vector<16xf32>,
    %add3A_911 = arith.addf %get3A_908, %get3A_910 : vector<16xf32>
    %gt3A_912 = arith.cmpf ogt, %add3A_911, %select_n3A_902 : vector<16xf32>
    %select_n3A_913 = arith.select %gt3A_912, %add3A_911, %select_n3A_902 : vector<16xi1>, vector<16xf32>
    %add3A_914 = arith.constant 128 : i32
    %add3A_915 = vector.broadcast %add3A_914 : i32 to vector<16xi32>
    %add3A_916 = arith.addi %iota3A, %add3A_915 : vector<16xi32>
    %select_n3A_917 = arith.select %gt3A_912, %add3A_916, %select_n3A_906 : vector<16xi1>, vector<16xi32>
    %get3A_918 = arith.constant 144 : index
    %get3A_919 = tpu.vector_load %arg6[%get3A_918] {strides = array<i32>} : memref<1024xf32, #tpu.memory_space<vmem>>, vector<16xf32>,
    %get3A_920 = arith.constant 144 : index
    %get3A_921 = tpu.vector_load %arg7[%get3A_920] {strides = array<i32>} : memref<1024xf32, #tpu.memory_space<vmem>>, vector<16xf32>,
    %add3A_922 = arith.addf %get3A_919, %get3A_921 : vector<16xf32>
    %gt3A_923 = arith.cmpf ogt, %add3A_922, %select_n3A_913 : vector<16xf32>
    %select_n3A_924 = arith.select %gt3A_923, %add3A_922, %select_n3A_913 : vector<16xi1>, vector<16xf32>
    %add3A_925 = arith.constant 144 : i32
    %add3A_926 = vector.broadcast %add3A_925 : i32 to vector<16xi32>
    %add3A_927 = arith.addi %iota3A, %add3A_926 : vector<16xi32>
    %select_n3A_928 = arith.select %gt3A_923, %add3A_927, %select_n3A_917 : vector<16xi1>, vector<16xi32>
    %get3A_929 = arith.constant 160 : index
    %get3A_930 = tpu.vector_load %arg6[%get3A_929] {strides = array<i32>} : memref<1024xf32, #tpu.memory_space<vmem>>, vector<16xf32>,
    %get3A_931 = arith.constant 160 : index
    %get3A_932 = tpu.vector_load %arg7[%get3A_931] {strides = array<i32>} : memref<1024xf32, #tpu.memory_space<vmem>>, vector<16xf32>,
    %add3A_933 = arith.addf %get3A_930, %get3A_932 : vector<16xf32>
    %gt3A_934 = arith.cmpf ogt, %add3A_933, %select_n3A_924 : vector<16xf32>
    %select_n3A_935 = arith.select %gt3A_934, %add3A_933, %select_n3A_924 : vector<16xi1>, vector<16xf32>
    %add3A_936 = arith.constant 160 : i32
    %add3A_937 = vector.broadcast %add3A_936 : i32 to vector<16xi32>
    %add3A_938 = arith.addi %iota3A, %add3A_937 : vector<16xi32>
    %select_n3A_939 = arith.select %gt3A_934, %add3A_938, %select_n3A_928 : vector<16xi1>, vector<16xi32>
    %get3A_940 = arith.constant 176 : index
    %get3A_941 = tpu.vector_load %arg6[%get3A_940] {strides = array<i32>} : memref<1024xf32, #tpu.memory_space<vmem>>, vector<16xf32>,
    %get3A_942 = arith.constant 176 : index
    %get3A_943 = tpu.vector_load %arg7[%get3A_942] {strides = array<i32>} : memref<1024xf32, #tpu.memory_space<vmem>>, vector<16xf32>,
    %add3A_944 = arith.addf %get3A_941, %get3A_943 : vector<16xf32>
    %gt3A_945 = arith.cmpf ogt, %add3A_944, %select_n3A_935 : vector<16xf32>
    %select_n3A_946 = arith.select %gt3A_945, %add3A_944, %select_n3A_935 : vector<16xi1>, vector<16xf32>
    %add3A_947 = arith.constant 176 : i32
    %add3A_948 = vector.broadcast %add3A_947 : i32 to vector<16xi32>
    %add3A_949 = arith.addi %iota3A, %add3A_948 : vector<16xi32>
    %select_n3A_950 = arith.select %gt3A_945, %add3A_949, %select_n3A_939 : vector<16xi1>, vector<16xi32>
    %get3A_951 = arith.constant 192 : index
    %get3A_952 = tpu.vector_load %arg6[%get3A_951] {strides = array<i32>} : memref<1024xf32, #tpu.memory_space<vmem>>, vector<16xf32>,
    %get3A_953 = arith.constant 192 : index
    %get3A_954 = tpu.vector_load %arg7[%get3A_953] {strides = array<i32>} : memref<1024xf32, #tpu.memory_space<vmem>>, vector<16xf32>,
    %add3A_955 = arith.addf %get3A_952, %get3A_954 : vector<16xf32>
    %gt3A_956 = arith.cmpf ogt, %add3A_955, %select_n3A_946 : vector<16xf32>
    %select_n3A_957 = arith.select %gt3A_956, %add3A_955, %select_n3A_946 : vector<16xi1>, vector<16xf32>
    %add3A_958 = arith.constant 192 : i32
    %add3A_959 = vector.broadcast %add3A_958 : i32 to vector<16xi32>
    %add3A_960 = arith.addi %iota3A, %add3A_959 : vector<16xi32>
    %select_n3A_961 = arith.select %gt3A_956, %add3A_960, %select_n3A_950 : vector<16xi1>, vector<16xi32>
    %get3A_962 = arith.constant 208 : index
    %get3A_963 = tpu.vector_load %arg6[%get3A_962] {strides = array<i32>} : memref<1024xf32, #tpu.memory_space<vmem>>, vector<16xf32>,
    %get3A_964 = arith.constant 208 : index
    %get3A_965 = tpu.vector_load %arg7[%get3A_964] {strides = array<i32>} : memref<1024xf32, #tpu.memory_space<vmem>>, vector<16xf32>,
    %add3A_966 = arith.addf %get3A_963, %get3A_965 : vector<16xf32>
    %gt3A_967 = arith.cmpf ogt, %add3A_966, %select_n3A_957 : vector<16xf32>
    %select_n3A_968 = arith.select %gt3A_967, %add3A_966, %select_n3A_957 : vector<16xi1>, vector<16xf32>
    %add3A_969 = arith.constant 208 : i32
    %add3A_970 = vector.broadcast %add3A_969 : i32 to vector<16xi32>
    %add3A_971 = arith.addi %iota3A, %add3A_970 : vector<16xi32>
    %select_n3A_972 = arith.select %gt3A_967, %add3A_971, %select_n3A_961 : vector<16xi1>, vector<16xi32>
    %get3A_973 = arith.constant 224 : index
    %get3A_974 = tpu.vector_load %arg6[%get3A_973] {strides = array<i32>} : memref<1024xf32, #tpu.memory_space<vmem>>, vector<16xf32>,
    %get3A_975 = arith.constant 224 : index
    %get3A_976 = tpu.vector_load %arg7[%get3A_975] {strides = array<i32>} : memref<1024xf32, #tpu.memory_space<vmem>>, vector<16xf32>,
    %add3A_977 = arith.addf %get3A_974, %get3A_976 : vector<16xf32>
    %gt3A_978 = arith.cmpf ogt, %add3A_977, %select_n3A_968 : vector<16xf32>
    %select_n3A_979 = arith.select %gt3A_978, %add3A_977, %select_n3A_968 : vector<16xi1>, vector<16xf32>
    %add3A_980 = arith.constant 224 : i32
    %add3A_981 = vector.broadcast %add3A_980 : i32 to vector<16xi32>
    %add3A_982 = arith.addi %iota3A, %add3A_981 : vector<16xi32>
    %select_n3A_983 = arith.select %gt3A_978, %add3A_982, %select_n3A_972 : vector<16xi1>, vector<16xi32>
    %get3A_984 = arith.constant 240 : index
    %get3A_985 = tpu.vector_load %arg6[%get3A_984] {strides = array<i32>} : memref<1024xf32, #tpu.memory_space<vmem>>, vector<16xf32>,
    %get3A_986 = arith.constant 240 : index
    %get3A_987 = tpu.vector_load %arg7[%get3A_986] {strides = array<i32>} : memref<1024xf32, #tpu.memory_space<vmem>>, vector<16xf32>,
    %add3A_988 = arith.addf %get3A_985, %get3A_987 : vector<16xf32>
    %gt3A_989 = arith.cmpf ogt, %add3A_988, %select_n3A_979 : vector<16xf32>
    %select_n3A_990 = arith.select %gt3A_989, %add3A_988, %select_n3A_979 : vector<16xi1>, vector<16xf32>
    %add3A_991 = arith.constant 240 : i32
    %add3A_992 = vector.broadcast %add3A_991 : i32 to vector<16xi32>
    %add3A_993 = arith.addi %iota3A, %add3A_992 : vector<16xi32>
    %select_n3A_994 = arith.select %gt3A_989, %add3A_993, %select_n3A_983 : vector<16xi1>, vector<16xi32>
    %get3A_995 = arith.constant 256 : index
    %get3A_996 = tpu.vector_load %arg6[%get3A_995] {strides = array<i32>} : memref<1024xf32, #tpu.memory_space<vmem>>, vector<16xf32>,
    %get3A_997 = arith.constant 256 : index
    %get3A_998 = tpu.vector_load %arg7[%get3A_997] {strides = array<i32>} : memref<1024xf32, #tpu.memory_space<vmem>>, vector<16xf32>,
    %add3A_999 = arith.addf %get3A_996, %get3A_998 : vector<16xf32>
    %gt3A_1000 = arith.cmpf ogt, %add3A_999, %select_n3A_990 : vector<16xf32>
    %select_n3A_1001 = arith.select %gt3A_1000, %add3A_999, %select_n3A_990 : vector<16xi1>, vector<16xf32>
    %add3A_1002 = arith.constant 256 : i32
    %add3A_1003 = vector.broadcast %add3A_1002 : i32 to vector<16xi32>
    %add3A_1004 = arith.addi %iota3A, %add3A_1003 : vector<16xi32>
    %select_n3A_1005 = arith.select %gt3A_1000, %add3A_1004, %select_n3A_994 : vector<16xi1>, vector<16xi32>
    %get3A_1006 = arith.constant 272 : index
    %get3A_1007 = tpu.vector_load %arg6[%get3A_1006] {strides = array<i32>} : memref<1024xf32, #tpu.memory_space<vmem>>, vector<16xf32>,
    %get3A_1008 = arith.constant 272 : index
    %get3A_1009 = tpu.vector_load %arg7[%get3A_1008] {strides = array<i32>} : memref<1024xf32, #tpu.memory_space<vmem>>, vector<16xf32>,
    %add3A_1010 = arith.addf %get3A_1007, %get3A_1009 : vector<16xf32>
    %gt3A_1011 = arith.cmpf ogt, %add3A_1010, %select_n3A_1001 : vector<16xf32>
    %select_n3A_1012 = arith.select %gt3A_1011, %add3A_1010, %select_n3A_1001 : vector<16xi1>, vector<16xf32>
    %add3A_1013 = arith.constant 272 : i32
    %add3A_1014 = vector.broadcast %add3A_1013 : i32 to vector<16xi32>
    %add3A_1015 = arith.addi %iota3A, %add3A_1014 : vector<16xi32>
    %select_n3A_1016 = arith.select %gt3A_1011, %add3A_1015, %select_n3A_1005 : vector<16xi1>, vector<16xi32>
    %get3A_1017 = arith.constant 288 : index
    %get3A_1018 = tpu.vector_load %arg6[%get3A_1017] {strides = array<i32>} : memref<1024xf32, #tpu.memory_space<vmem>>, vector<16xf32>,
    %get3A_1019 = arith.constant 288 : index
    %get3A_1020 = tpu.vector_load %arg7[%get3A_1019] {strides = array<i32>} : memref<1024xf32, #tpu.memory_space<vmem>>, vector<16xf32>,
    %add3A_1021 = arith.addf %get3A_1018, %get3A_1020 : vector<16xf32>
    %gt3A_1022 = arith.cmpf ogt, %add3A_1021, %select_n3A_1012 : vector<16xf32>
    %select_n3A_1023 = arith.select %gt3A_1022, %add3A_1021, %select_n3A_1012 : vector<16xi1>, vector<16xf32>
    %add3A_1024 = arith.constant 288 : i32
    %add3A_1025 = vector.broadcast %add3A_1024 : i32 to vector<16xi32>
    %add3A_1026 = arith.addi %iota3A, %add3A_1025 : vector<16xi32>
    %select_n3A_1027 = arith.select %gt3A_1022, %add3A_1026, %select_n3A_1016 : vector<16xi1>, vector<16xi32>
    %get3A_1028 = arith.constant 304 : index
    %get3A_1029 = tpu.vector_load %arg6[%get3A_1028] {strides = array<i32>} : memref<1024xf32, #tpu.memory_space<vmem>>, vector<16xf32>,
    %get3A_1030 = arith.constant 304 : index
    %get3A_1031 = tpu.vector_load %arg7[%get3A_1030] {strides = array<i32>} : memref<1024xf32, #tpu.memory_space<vmem>>, vector<16xf32>,
    %add3A_1032 = arith.addf %get3A_1029, %get3A_1031 : vector<16xf32>
    %gt3A_1033 = arith.cmpf ogt, %add3A_1032, %select_n3A_1023 : vector<16xf32>
    %select_n3A_1034 = arith.select %gt3A_1033, %add3A_1032, %select_n3A_1023 : vector<16xi1>, vector<16xf32>
    %add3A_1035 = arith.constant 304 : i32
    %add3A_1036 = vector.broadcast %add3A_1035 : i32 to vector<16xi32>
    %add3A_1037 = arith.addi %iota3A, %add3A_1036 : vector<16xi32>
    %select_n3A_1038 = arith.select %gt3A_1033, %add3A_1037, %select_n3A_1027 : vector<16xi1>, vector<16xi32>
    %get3A_1039 = arith.constant 320 : index
    %get3A_1040 = tpu.vector_load %arg6[%get3A_1039] {strides = array<i32>} : memref<1024xf32, #tpu.memory_space<vmem>>, vector<16xf32>,
    %get3A_1041 = arith.constant 320 : index
    %get3A_1042 = tpu.vector_load %arg7[%get3A_1041] {strides = array<i32>} : memref<1024xf32, #tpu.memory_space<vmem>>, vector<16xf32>,
    %add3A_1043 = arith.addf %get3A_1040, %get3A_1042 : vector<16xf32>
    %gt3A_1044 = arith.cmpf ogt, %add3A_1043, %select_n3A_1034 : vector<16xf32>
    %select_n3A_1045 = arith.select %gt3A_1044, %add3A_1043, %select_n3A_1034 : vector<16xi1>, vector<16xf32>
    %add3A_1046 = arith.constant 320 : i32
    %add3A_1047 = vector.broadcast %add3A_1046 : i32 to vector<16xi32>
    %add3A_1048 = arith.addi %iota3A, %add3A_1047 : vector<16xi32>
    %select_n3A_1049 = arith.select %gt3A_1044, %add3A_1048, %select_n3A_1038 : vector<16xi1>, vector<16xi32>
    %get3A_1050 = arith.constant 336 : index
    %get3A_1051 = tpu.vector_load %arg6[%get3A_1050] {strides = array<i32>} : memref<1024xf32, #tpu.memory_space<vmem>>, vector<16xf32>,
    %get3A_1052 = arith.constant 336 : index
    %get3A_1053 = tpu.vector_load %arg7[%get3A_1052] {strides = array<i32>} : memref<1024xf32, #tpu.memory_space<vmem>>, vector<16xf32>,
    %add3A_1054 = arith.addf %get3A_1051, %get3A_1053 : vector<16xf32>
    %gt3A_1055 = arith.cmpf ogt, %add3A_1054, %select_n3A_1045 : vector<16xf32>
    %select_n3A_1056 = arith.select %gt3A_1055, %add3A_1054, %select_n3A_1045 : vector<16xi1>, vector<16xf32>
    %add3A_1057 = arith.constant 336 : i32
    %add3A_1058 = vector.broadcast %add3A_1057 : i32 to vector<16xi32>
    %add3A_1059 = arith.addi %iota3A, %add3A_1058 : vector<16xi32>
    %select_n3A_1060 = arith.select %gt3A_1055, %add3A_1059, %select_n3A_1049 : vector<16xi1>, vector<16xi32>
    %get3A_1061 = arith.constant 352 : index
    %get3A_1062 = tpu.vector_load %arg6[%get3A_1061] {strides = array<i32>} : memref<1024xf32, #tpu.memory_space<vmem>>, vector<16xf32>,
    %get3A_1063 = arith.constant 352 : index
    %get3A_1064 = tpu.vector_load %arg7[%get3A_1063] {strides = array<i32>} : memref<1024xf32, #tpu.memory_space<vmem>>, vector<16xf32>,
    %add3A_1065 = arith.addf %get3A_1062, %get3A_1064 : vector<16xf32>
    %gt3A_1066 = arith.cmpf ogt, %add3A_1065, %select_n3A_1056 : vector<16xf32>
    %select_n3A_1067 = arith.select %gt3A_1066, %add3A_1065, %select_n3A_1056 : vector<16xi1>, vector<16xf32>
    %add3A_1068 = arith.constant 352 : i32
    %add3A_1069 = vector.broadcast %add3A_1068 : i32 to vector<16xi32>
    %add3A_1070 = arith.addi %iota3A, %add3A_1069 : vector<16xi32>
    %select_n3A_1071 = arith.select %gt3A_1066, %add3A_1070, %select_n3A_1060 : vector<16xi1>, vector<16xi32>
    %get3A_1072 = arith.constant 368 : index
    %get3A_1073 = tpu.vector_load %arg6[%get3A_1072] {strides = array<i32>} : memref<1024xf32, #tpu.memory_space<vmem>>, vector<16xf32>,
    %get3A_1074 = arith.constant 368 : index
    %get3A_1075 = tpu.vector_load %arg7[%get3A_1074] {strides = array<i32>} : memref<1024xf32, #tpu.memory_space<vmem>>, vector<16xf32>,
    %add3A_1076 = arith.addf %get3A_1073, %get3A_1075 : vector<16xf32>
    %gt3A_1077 = arith.cmpf ogt, %add3A_1076, %select_n3A_1067 : vector<16xf32>
    %select_n3A_1078 = arith.select %gt3A_1077, %add3A_1076, %select_n3A_1067 : vector<16xi1>, vector<16xf32>
    %add3A_1079 = arith.constant 368 : i32
    %add3A_1080 = vector.broadcast %add3A_1079 : i32 to vector<16xi32>
    %add3A_1081 = arith.addi %iota3A, %add3A_1080 : vector<16xi32>
    %select_n3A_1082 = arith.select %gt3A_1077, %add3A_1081, %select_n3A_1071 : vector<16xi1>, vector<16xi32>
    %get3A_1083 = arith.constant 384 : index
    %get3A_1084 = tpu.vector_load %arg6[%get3A_1083] {strides = array<i32>} : memref<1024xf32, #tpu.memory_space<vmem>>, vector<16xf32>,
    %get3A_1085 = arith.constant 384 : index
    %get3A_1086 = tpu.vector_load %arg7[%get3A_1085] {strides = array<i32>} : memref<1024xf32, #tpu.memory_space<vmem>>, vector<16xf32>,
    %add3A_1087 = arith.addf %get3A_1084, %get3A_1086 : vector<16xf32>
    %gt3A_1088 = arith.cmpf ogt, %add3A_1087, %select_n3A_1078 : vector<16xf32>
    %select_n3A_1089 = arith.select %gt3A_1088, %add3A_1087, %select_n3A_1078 : vector<16xi1>, vector<16xf32>
    %add3A_1090 = arith.constant 384 : i32
    %add3A_1091 = vector.broadcast %add3A_1090 : i32 to vector<16xi32>
    %add3A_1092 = arith.addi %iota3A, %add3A_1091 : vector<16xi32>
    %select_n3A_1093 = arith.select %gt3A_1088, %add3A_1092, %select_n3A_1082 : vector<16xi1>, vector<16xi32>
    %get3A_1094 = arith.constant 400 : index
    %get3A_1095 = tpu.vector_load %arg6[%get3A_1094] {strides = array<i32>} : memref<1024xf32, #tpu.memory_space<vmem>>, vector<16xf32>,
    %get3A_1096 = arith.constant 400 : index
    %get3A_1097 = tpu.vector_load %arg7[%get3A_1096] {strides = array<i32>} : memref<1024xf32, #tpu.memory_space<vmem>>, vector<16xf32>,
    %add3A_1098 = arith.addf %get3A_1095, %get3A_1097 : vector<16xf32>
    %gt3A_1099 = arith.cmpf ogt, %add3A_1098, %select_n3A_1089 : vector<16xf32>
    %select_n3A_1100 = arith.select %gt3A_1099, %add3A_1098, %select_n3A_1089 : vector<16xi1>, vector<16xf32>
    %add3A_1101 = arith.constant 400 : i32
    %add3A_1102 = vector.broadcast %add3A_1101 : i32 to vector<16xi32>
    %add3A_1103 = arith.addi %iota3A, %add3A_1102 : vector<16xi32>
    %select_n3A_1104 = arith.select %gt3A_1099, %add3A_1103, %select_n3A_1093 : vector<16xi1>, vector<16xi32>
    %get3A_1105 = arith.constant 416 : index
    %get3A_1106 = tpu.vector_load %arg6[%get3A_1105] {strides = array<i32>} : memref<1024xf32, #tpu.memory_space<vmem>>, vector<16xf32>,
    %get3A_1107 = arith.constant 416 : index
    %get3A_1108 = tpu.vector_load %arg7[%get3A_1107] {strides = array<i32>} : memref<1024xf32, #tpu.memory_space<vmem>>, vector<16xf32>,
    %add3A_1109 = arith.addf %get3A_1106, %get3A_1108 : vector<16xf32>
    %gt3A_1110 = arith.cmpf ogt, %add3A_1109, %select_n3A_1100 : vector<16xf32>
    %select_n3A_1111 = arith.select %gt3A_1110, %add3A_1109, %select_n3A_1100 : vector<16xi1>, vector<16xf32>
    %add3A_1112 = arith.constant 416 : i32
    %add3A_1113 = vector.broadcast %add3A_1112 : i32 to vector<16xi32>
    %add3A_1114 = arith.addi %iota3A, %add3A_1113 : vector<16xi32>
    %select_n3A_1115 = arith.select %gt3A_1110, %add3A_1114, %select_n3A_1104 : vector<16xi1>, vector<16xi32>
    %get3A_1116 = arith.constant 432 : index
    %get3A_1117 = tpu.vector_load %arg6[%get3A_1116] {strides = array<i32>} : memref<1024xf32, #tpu.memory_space<vmem>>, vector<16xf32>,
    %get3A_1118 = arith.constant 432 : index
    %get3A_1119 = tpu.vector_load %arg7[%get3A_1118] {strides = array<i32>} : memref<1024xf32, #tpu.memory_space<vmem>>, vector<16xf32>,
    %add3A_1120 = arith.addf %get3A_1117, %get3A_1119 : vector<16xf32>
    %gt3A_1121 = arith.cmpf ogt, %add3A_1120, %select_n3A_1111 : vector<16xf32>
    %select_n3A_1122 = arith.select %gt3A_1121, %add3A_1120, %select_n3A_1111 : vector<16xi1>, vector<16xf32>
    %add3A_1123 = arith.constant 432 : i32
    %add3A_1124 = vector.broadcast %add3A_1123 : i32 to vector<16xi32>
    %add3A_1125 = arith.addi %iota3A, %add3A_1124 : vector<16xi32>
    %select_n3A_1126 = arith.select %gt3A_1121, %add3A_1125, %select_n3A_1115 : vector<16xi1>, vector<16xi32>
    %get3A_1127 = arith.constant 448 : index
    %get3A_1128 = tpu.vector_load %arg6[%get3A_1127] {strides = array<i32>} : memref<1024xf32, #tpu.memory_space<vmem>>, vector<16xf32>,
    %get3A_1129 = arith.constant 448 : index
    %get3A_1130 = tpu.vector_load %arg7[%get3A_1129] {strides = array<i32>} : memref<1024xf32, #tpu.memory_space<vmem>>, vector<16xf32>,
    %add3A_1131 = arith.addf %get3A_1128, %get3A_1130 : vector<16xf32>
    %gt3A_1132 = arith.cmpf ogt, %add3A_1131, %select_n3A_1122 : vector<16xf32>
    %select_n3A_1133 = arith.select %gt3A_1132, %add3A_1131, %select_n3A_1122 : vector<16xi1>, vector<16xf32>
    %add3A_1134 = arith.constant 448 : i32
    %add3A_1135 = vector.broadcast %add3A_1134 : i32 to vector<16xi32>
    %add3A_1136 = arith.addi %iota3A, %add3A_1135 : vector<16xi32>
    %select_n3A_1137 = arith.select %gt3A_1132, %add3A_1136, %select_n3A_1126 : vector<16xi1>, vector<16xi32>
    %get3A_1138 = arith.constant 464 : index
    %get3A_1139 = tpu.vector_load %arg6[%get3A_1138] {strides = array<i32>} : memref<1024xf32, #tpu.memory_space<vmem>>, vector<16xf32>,
    %get3A_1140 = arith.constant 464 : index
    %get3A_1141 = tpu.vector_load %arg7[%get3A_1140] {strides = array<i32>} : memref<1024xf32, #tpu.memory_space<vmem>>, vector<16xf32>,
    %add3A_1142 = arith.addf %get3A_1139, %get3A_1141 : vector<16xf32>
    %gt3A_1143 = arith.cmpf ogt, %add3A_1142, %select_n3A_1133 : vector<16xf32>
    %select_n3A_1144 = arith.select %gt3A_1143, %add3A_1142, %select_n3A_1133 : vector<16xi1>, vector<16xf32>
    %add3A_1145 = arith.constant 464 : i32
    %add3A_1146 = vector.broadcast %add3A_1145 : i32 to vector<16xi32>
    %add3A_1147 = arith.addi %iota3A, %add3A_1146 : vector<16xi32>
    %select_n3A_1148 = arith.select %gt3A_1143, %add3A_1147, %select_n3A_1137 : vector<16xi1>, vector<16xi32>
    %get3A_1149 = arith.constant 480 : index
    %get3A_1150 = tpu.vector_load %arg6[%get3A_1149] {strides = array<i32>} : memref<1024xf32, #tpu.memory_space<vmem>>, vector<16xf32>,
    %get3A_1151 = arith.constant 480 : index
    %get3A_1152 = tpu.vector_load %arg7[%get3A_1151] {strides = array<i32>} : memref<1024xf32, #tpu.memory_space<vmem>>, vector<16xf32>,
    %add3A_1153 = arith.addf %get3A_1150, %get3A_1152 : vector<16xf32>
    %gt3A_1154 = arith.cmpf ogt, %add3A_1153, %select_n3A_1144 : vector<16xf32>
    %select_n3A_1155 = arith.select %gt3A_1154, %add3A_1153, %select_n3A_1144 : vector<16xi1>, vector<16xf32>
    %add3A_1156 = arith.constant 480 : i32
    %add3A_1157 = vector.broadcast %add3A_1156 : i32 to vector<16xi32>
    %add3A_1158 = arith.addi %iota3A, %add3A_1157 : vector<16xi32>
    %select_n3A_1159 = arith.select %gt3A_1154, %add3A_1158, %select_n3A_1148 : vector<16xi1>, vector<16xi32>
    %get3A_1160 = arith.constant 496 : index
    %get3A_1161 = tpu.vector_load %arg6[%get3A_1160] {strides = array<i32>} : memref<1024xf32, #tpu.memory_space<vmem>>, vector<16xf32>,
    %get3A_1162 = arith.constant 496 : index
    %get3A_1163 = tpu.vector_load %arg7[%get3A_1162] {strides = array<i32>} : memref<1024xf32, #tpu.memory_space<vmem>>, vector<16xf32>,
    %add3A_1164 = arith.addf %get3A_1161, %get3A_1163 : vector<16xf32>
    %gt3A_1165 = arith.cmpf ogt, %add3A_1164, %select_n3A_1155 : vector<16xf32>
    %select_n3A_1166 = arith.select %gt3A_1165, %add3A_1164, %select_n3A_1155 : vector<16xi1>, vector<16xf32>
    %add3A_1167 = arith.constant 496 : i32
    %add3A_1168 = vector.broadcast %add3A_1167 : i32 to vector<16xi32>
    %add3A_1169 = arith.addi %iota3A, %add3A_1168 : vector<16xi32>
    %select_n3A_1170 = arith.select %gt3A_1165, %add3A_1169, %select_n3A_1159 : vector<16xi1>, vector<16xi32>
    %get3A_1171 = arith.constant 512 : index
    %get3A_1172 = tpu.vector_load %arg6[%get3A_1171] {strides = array<i32>} : memref<1024xf32, #tpu.memory_space<vmem>>, vector<16xf32>,
    %get3A_1173 = arith.constant 512 : index
    %get3A_1174 = tpu.vector_load %arg7[%get3A_1173] {strides = array<i32>} : memref<1024xf32, #tpu.memory_space<vmem>>, vector<16xf32>,
    %add3A_1175 = arith.addf %get3A_1172, %get3A_1174 : vector<16xf32>
    %gt3A_1176 = arith.cmpf ogt, %add3A_1175, %select_n3A_1166 : vector<16xf32>
    %select_n3A_1177 = arith.select %gt3A_1176, %add3A_1175, %select_n3A_1166 : vector<16xi1>, vector<16xf32>
    %add3A_1178 = arith.constant 512 : i32
    %add3A_1179 = vector.broadcast %add3A_1178 : i32 to vector<16xi32>
    %add3A_1180 = arith.addi %iota3A, %add3A_1179 : vector<16xi32>
    %select_n3A_1181 = arith.select %gt3A_1176, %add3A_1180, %select_n3A_1170 : vector<16xi1>, vector<16xi32>
    %get3A_1182 = arith.constant 528 : index
    %get3A_1183 = tpu.vector_load %arg6[%get3A_1182] {strides = array<i32>} : memref<1024xf32, #tpu.memory_space<vmem>>, vector<16xf32>,
    %get3A_1184 = arith.constant 528 : index
    %get3A_1185 = tpu.vector_load %arg7[%get3A_1184] {strides = array<i32>} : memref<1024xf32, #tpu.memory_space<vmem>>, vector<16xf32>,
    %add3A_1186 = arith.addf %get3A_1183, %get3A_1185 : vector<16xf32>
    %gt3A_1187 = arith.cmpf ogt, %add3A_1186, %select_n3A_1177 : vector<16xf32>
    %select_n3A_1188 = arith.select %gt3A_1187, %add3A_1186, %select_n3A_1177 : vector<16xi1>, vector<16xf32>
    %add3A_1189 = arith.constant 528 : i32
    %add3A_1190 = vector.broadcast %add3A_1189 : i32 to vector<16xi32>
    %add3A_1191 = arith.addi %iota3A, %add3A_1190 : vector<16xi32>
    %select_n3A_1192 = arith.select %gt3A_1187, %add3A_1191, %select_n3A_1181 : vector<16xi1>, vector<16xi32>
    %get3A_1193 = arith.constant 544 : index
    %get3A_1194 = tpu.vector_load %arg6[%get3A_1193] {strides = array<i32>} : memref<1024xf32, #tpu.memory_space<vmem>>, vector<16xf32>,
    %get3A_1195 = arith.constant 544 : index
    %get3A_1196 = tpu.vector_load %arg7[%get3A_1195] {strides = array<i32>} : memref<1024xf32, #tpu.memory_space<vmem>>, vector<16xf32>,
    %add3A_1197 = arith.addf %get3A_1194, %get3A_1196 : vector<16xf32>
    %gt3A_1198 = arith.cmpf ogt, %add3A_1197, %select_n3A_1188 : vector<16xf32>
    %select_n3A_1199 = arith.select %gt3A_1198, %add3A_1197, %select_n3A_1188 : vector<16xi1>, vector<16xf32>
    %add3A_1200 = arith.constant 544 : i32
    %add3A_1201 = vector.broadcast %add3A_1200 : i32 to vector<16xi32>
    %add3A_1202 = arith.addi %iota3A, %add3A_1201 : vector<16xi32>
    %select_n3A_1203 = arith.select %gt3A_1198, %add3A_1202, %select_n3A_1192 : vector<16xi1>, vector<16xi32>
    %get3A_1204 = arith.constant 560 : index
    %get3A_1205 = tpu.vector_load %arg6[%get3A_1204] {strides = array<i32>} : memref<1024xf32, #tpu.memory_space<vmem>>, vector<16xf32>,
    %get3A_1206 = arith.constant 560 : index
    %get3A_1207 = tpu.vector_load %arg7[%get3A_1206] {strides = array<i32>} : memref<1024xf32, #tpu.memory_space<vmem>>, vector<16xf32>,
    %add3A_1208 = arith.addf %get3A_1205, %get3A_1207 : vector<16xf32>
    %gt3A_1209 = arith.cmpf ogt, %add3A_1208, %select_n3A_1199 : vector<16xf32>
    %select_n3A_1210 = arith.select %gt3A_1209, %add3A_1208, %select_n3A_1199 : vector<16xi1>, vector<16xf32>
    %add3A_1211 = arith.constant 560 : i32
    %add3A_1212 = vector.broadcast %add3A_1211 : i32 to vector<16xi32>
    %add3A_1213 = arith.addi %iota3A, %add3A_1212 : vector<16xi32>
    %select_n3A_1214 = arith.select %gt3A_1209, %add3A_1213, %select_n3A_1203 : vector<16xi1>, vector<16xi32>
    %get3A_1215 = arith.constant 576 : index
    %get3A_1216 = tpu.vector_load %arg6[%get3A_1215] {strides = array<i32>} : memref<1024xf32, #tpu.memory_space<vmem>>, vector<16xf32>,
    %get3A_1217 = arith.constant 576 : index
    %get3A_1218 = tpu.vector_load %arg7[%get3A_1217] {strides = array<i32>} : memref<1024xf32, #tpu.memory_space<vmem>>, vector<16xf32>,
    %add3A_1219 = arith.addf %get3A_1216, %get3A_1218 : vector<16xf32>
    %gt3A_1220 = arith.cmpf ogt, %add3A_1219, %select_n3A_1210 : vector<16xf32>
    %select_n3A_1221 = arith.select %gt3A_1220, %add3A_1219, %select_n3A_1210 : vector<16xi1>, vector<16xf32>
    %add3A_1222 = arith.constant 576 : i32
    %add3A_1223 = vector.broadcast %add3A_1222 : i32 to vector<16xi32>
    %add3A_1224 = arith.addi %iota3A, %add3A_1223 : vector<16xi32>
    %select_n3A_1225 = arith.select %gt3A_1220, %add3A_1224, %select_n3A_1214 : vector<16xi1>, vector<16xi32>
    %get3A_1226 = arith.constant 592 : index
    %get3A_1227 = tpu.vector_load %arg6[%get3A_1226] {strides = array<i32>} : memref<1024xf32, #tpu.memory_space<vmem>>, vector<16xf32>,
    %get3A_1228 = arith.constant 592 : index
    %get3A_1229 = tpu.vector_load %arg7[%get3A_1228] {strides = array<i32>} : memref<1024xf32, #tpu.memory_space<vmem>>, vector<16xf32>,
    %add3A_1230 = arith.addf %get3A_1227, %get3A_1229 : vector<16xf32>
    %gt3A_1231 = arith.cmpf ogt, %add3A_1230, %select_n3A_1221 : vector<16xf32>
    %select_n3A_1232 = arith.select %gt3A_1231, %add3A_1230, %select_n3A_1221 : vector<16xi1>, vector<16xf32>
    %add3A_1233 = arith.constant 592 : i32
    %add3A_1234 = vector.broadcast %add3A_1233 : i32 to vector<16xi32>
    %add3A_1235 = arith.addi %iota3A, %add3A_1234 : vector<16xi32>
    %select_n3A_1236 = arith.select %gt3A_1231, %add3A_1235, %select_n3A_1225 : vector<16xi1>, vector<16xi32>
    %get3A_1237 = arith.constant 608 : index
    %get3A_1238 = tpu.vector_load %arg6[%get3A_1237] {strides = array<i32>} : memref<1024xf32, #tpu.memory_space<vmem>>, vector<16xf32>,
    %get3A_1239 = arith.constant 608 : index
    %get3A_1240 = tpu.vector_load %arg7[%get3A_1239] {strides = array<i32>} : memref<1024xf32, #tpu.memory_space<vmem>>, vector<16xf32>,
    %add3A_1241 = arith.addf %get3A_1238, %get3A_1240 : vector<16xf32>
    %gt3A_1242 = arith.cmpf ogt, %add3A_1241, %select_n3A_1232 : vector<16xf32>
    %select_n3A_1243 = arith.select %gt3A_1242, %add3A_1241, %select_n3A_1232 : vector<16xi1>, vector<16xf32>
    %add3A_1244 = arith.constant 608 : i32
    %add3A_1245 = vector.broadcast %add3A_1244 : i32 to vector<16xi32>
    %add3A_1246 = arith.addi %iota3A, %add3A_1245 : vector<16xi32>
    %select_n3A_1247 = arith.select %gt3A_1242, %add3A_1246, %select_n3A_1236 : vector<16xi1>, vector<16xi32>
    %get3A_1248 = arith.constant 624 : index
    %get3A_1249 = tpu.vector_load %arg6[%get3A_1248] {strides = array<i32>} : memref<1024xf32, #tpu.memory_space<vmem>>, vector<16xf32>,
    %get3A_1250 = arith.constant 624 : index
    %get3A_1251 = tpu.vector_load %arg7[%get3A_1250] {strides = array<i32>} : memref<1024xf32, #tpu.memory_space<vmem>>, vector<16xf32>,
    %add3A_1252 = arith.addf %get3A_1249, %get3A_1251 : vector<16xf32>
    %gt3A_1253 = arith.cmpf ogt, %add3A_1252, %select_n3A_1243 : vector<16xf32>
    %select_n3A_1254 = arith.select %gt3A_1253, %add3A_1252, %select_n3A_1243 : vector<16xi1>, vector<16xf32>
    %add3A_1255 = arith.constant 624 : i32
    %add3A_1256 = vector.broadcast %add3A_1255 : i32 to vector<16xi32>
    %add3A_1257 = arith.addi %iota3A, %add3A_1256 : vector<16xi32>
    %select_n3A_1258 = arith.select %gt3A_1253, %add3A_1257, %select_n3A_1247 : vector<16xi1>, vector<16xi32>
    %get3A_1259 = arith.constant 640 : index
    %get3A_1260 = tpu.vector_load %arg6[%get3A_1259] {strides = array<i32>} : memref<1024xf32, #tpu.memory_space<vmem>>, vector<16xf32>,
    %get3A_1261 = arith.constant 640 : index
    %get3A_1262 = tpu.vector_load %arg7[%get3A_1261] {strides = array<i32>} : memref<1024xf32, #tpu.memory_space<vmem>>, vector<16xf32>,
    %add3A_1263 = arith.addf %get3A_1260, %get3A_1262 : vector<16xf32>
    %gt3A_1264 = arith.cmpf ogt, %add3A_1263, %select_n3A_1254 : vector<16xf32>
    %select_n3A_1265 = arith.select %gt3A_1264, %add3A_1263, %select_n3A_1254 : vector<16xi1>, vector<16xf32>
    %add3A_1266 = arith.constant 640 : i32
    %add3A_1267 = vector.broadcast %add3A_1266 : i32 to vector<16xi32>
    %add3A_1268 = arith.addi %iota3A, %add3A_1267 : vector<16xi32>
    %select_n3A_1269 = arith.select %gt3A_1264, %add3A_1268, %select_n3A_1258 : vector<16xi1>, vector<16xi32>
    %get3A_1270 = arith.constant 656 : index
    %get3A_1271 = tpu.vector_load %arg6[%get3A_1270] {strides = array<i32>} : memref<1024xf32, #tpu.memory_space<vmem>>, vector<16xf32>,
    %get3A_1272 = arith.constant 656 : index
    %get3A_1273 = tpu.vector_load %arg7[%get3A_1272] {strides = array<i32>} : memref<1024xf32, #tpu.memory_space<vmem>>, vector<16xf32>,
    %add3A_1274 = arith.addf %get3A_1271, %get3A_1273 : vector<16xf32>
    %gt3A_1275 = arith.cmpf ogt, %add3A_1274, %select_n3A_1265 : vector<16xf32>
    %select_n3A_1276 = arith.select %gt3A_1275, %add3A_1274, %select_n3A_1265 : vector<16xi1>, vector<16xf32>
    %add3A_1277 = arith.constant 656 : i32
    %add3A_1278 = vector.broadcast %add3A_1277 : i32 to vector<16xi32>
    %add3A_1279 = arith.addi %iota3A, %add3A_1278 : vector<16xi32>
    %select_n3A_1280 = arith.select %gt3A_1275, %add3A_1279, %select_n3A_1269 : vector<16xi1>, vector<16xi32>
    %get3A_1281 = arith.constant 672 : index
    %get3A_1282 = tpu.vector_load %arg6[%get3A_1281] {strides = array<i32>} : memref<1024xf32, #tpu.memory_space<vmem>>, vector<16xf32>,
    %get3A_1283 = arith.constant 672 : index
    %get3A_1284 = tpu.vector_load %arg7[%get3A_1283] {strides = array<i32>} : memref<1024xf32, #tpu.memory_space<vmem>>, vector<16xf32>,
    %add3A_1285 = arith.addf %get3A_1282, %get3A_1284 : vector<16xf32>
    %gt3A_1286 = arith.cmpf ogt, %add3A_1285, %select_n3A_1276 : vector<16xf32>
    %select_n3A_1287 = arith.select %gt3A_1286, %add3A_1285, %select_n3A_1276 : vector<16xi1>, vector<16xf32>
    %add3A_1288 = arith.constant 672 : i32
    %add3A_1289 = vector.broadcast %add3A_1288 : i32 to vector<16xi32>
    %add3A_1290 = arith.addi %iota3A, %add3A_1289 : vector<16xi32>
    %select_n3A_1291 = arith.select %gt3A_1286, %add3A_1290, %select_n3A_1280 : vector<16xi1>, vector<16xi32>
    %get3A_1292 = arith.constant 688 : index
    %get3A_1293 = tpu.vector_load %arg6[%get3A_1292] {strides = array<i32>} : memref<1024xf32, #tpu.memory_space<vmem>>, vector<16xf32>,
    %get3A_1294 = arith.constant 688 : index
    %get3A_1295 = tpu.vector_load %arg7[%get3A_1294] {strides = array<i32>} : memref<1024xf32, #tpu.memory_space<vmem>>, vector<16xf32>,
    %add3A_1296 = arith.addf %get3A_1293, %get3A_1295 : vector<16xf32>
    %gt3A_1297 = arith.cmpf ogt, %add3A_1296, %select_n3A_1287 : vector<16xf32>
    %select_n3A_1298 = arith.select %gt3A_1297, %add3A_1296, %select_n3A_1287 : vector<16xi1>, vector<16xf32>
    %add3A_1299 = arith.constant 688 : i32
    %add3A_1300 = vector.broadcast %add3A_1299 : i32 to vector<16xi32>
    %add3A_1301 = arith.addi %iota3A, %add3A_1300 : vector<16xi32>
    %select_n3A_1302 = arith.select %gt3A_1297, %add3A_1301, %select_n3A_1291 : vector<16xi1>, vector<16xi32>
    %get3A_1303 = arith.constant 704 : index
    %get3A_1304 = tpu.vector_load %arg6[%get3A_1303] {strides = array<i32>} : memref<1024xf32, #tpu.memory_space<vmem>>, vector<16xf32>,
    %get3A_1305 = arith.constant 704 : index
    %get3A_1306 = tpu.vector_load %arg7[%get3A_1305] {strides = array<i32>} : memref<1024xf32, #tpu.memory_space<vmem>>, vector<16xf32>,
    %add3A_1307 = arith.addf %get3A_1304, %get3A_1306 : vector<16xf32>
    %gt3A_1308 = arith.cmpf ogt, %add3A_1307, %select_n3A_1298 : vector<16xf32>
    %select_n3A_1309 = arith.select %gt3A_1308, %add3A_1307, %select_n3A_1298 : vector<16xi1>, vector<16xf32>
    %add3A_1310 = arith.constant 704 : i32
    %add3A_1311 = vector.broadcast %add3A_1310 : i32 to vector<16xi32>
    %add3A_1312 = arith.addi %iota3A, %add3A_1311 : vector<16xi32>
    %select_n3A_1313 = arith.select %gt3A_1308, %add3A_1312, %select_n3A_1302 : vector<16xi1>, vector<16xi32>
    %get3A_1314 = arith.constant 720 : index
    %get3A_1315 = tpu.vector_load %arg6[%get3A_1314] {strides = array<i32>} : memref<1024xf32, #tpu.memory_space<vmem>>, vector<16xf32>,
    %get3A_1316 = arith.constant 720 : index
    %get3A_1317 = tpu.vector_load %arg7[%get3A_1316] {strides = array<i32>} : memref<1024xf32, #tpu.memory_space<vmem>>, vector<16xf32>,
    %add3A_1318 = arith.addf %get3A_1315, %get3A_1317 : vector<16xf32>
    %gt3A_1319 = arith.cmpf ogt, %add3A_1318, %select_n3A_1309 : vector<16xf32>
    %select_n3A_1320 = arith.select %gt3A_1319, %add3A_1318, %select_n3A_1309 : vector<16xi1>, vector<16xf32>
    %add3A_1321 = arith.constant 720 : i32
    %add3A_1322 = vector.broadcast %add3A_1321 : i32 to vector<16xi32>
    %add3A_1323 = arith.addi %iota3A, %add3A_1322 : vector<16xi32>
    %select_n3A_1324 = arith.select %gt3A_1319, %add3A_1323, %select_n3A_1313 : vector<16xi1>, vector<16xi32>
    %get3A_1325 = arith.constant 736 : index
    %get3A_1326 = tpu.vector_load %arg6[%get3A_1325] {strides = array<i32>} : memref<1024xf32, #tpu.memory_space<vmem>>, vector<16xf32>,
    %get3A_1327 = arith.constant 736 : index
    %get3A_1328 = tpu.vector_load %arg7[%get3A_1327] {strides = array<i32>} : memref<1024xf32, #tpu.memory_space<vmem>>, vector<16xf32>,
    %add3A_1329 = arith.addf %get3A_1326, %get3A_1328 : vector<16xf32>
    %gt3A_1330 = arith.cmpf ogt, %add3A_1329, %select_n3A_1320 : vector<16xf32>
    %select_n3A_1331 = arith.select %gt3A_1330, %add3A_1329, %select_n3A_1320 : vector<16xi1>, vector<16xf32>
    %add3A_1332 = arith.constant 736 : i32
    %add3A_1333 = vector.broadcast %add3A_1332 : i32 to vector<16xi32>
    %add3A_1334 = arith.addi %iota3A, %add3A_1333 : vector<16xi32>
    %select_n3A_1335 = arith.select %gt3A_1330, %add3A_1334, %select_n3A_1324 : vector<16xi1>, vector<16xi32>
    %get3A_1336 = arith.constant 752 : index
    %get3A_1337 = tpu.vector_load %arg6[%get3A_1336] {strides = array<i32>} : memref<1024xf32, #tpu.memory_space<vmem>>, vector<16xf32>,
    %get3A_1338 = arith.constant 752 : index
    %get3A_1339 = tpu.vector_load %arg7[%get3A_1338] {strides = array<i32>} : memref<1024xf32, #tpu.memory_space<vmem>>, vector<16xf32>,
    %add3A_1340 = arith.addf %get3A_1337, %get3A_1339 : vector<16xf32>
    %gt3A_1341 = arith.cmpf ogt, %add3A_1340, %select_n3A_1331 : vector<16xf32>
    %select_n3A_1342 = arith.select %gt3A_1341, %add3A_1340, %select_n3A_1331 : vector<16xi1>, vector<16xf32>
    %add3A_1343 = arith.constant 752 : i32
    %add3A_1344 = vector.broadcast %add3A_1343 : i32 to vector<16xi32>
    %add3A_1345 = arith.addi %iota3A, %add3A_1344 : vector<16xi32>
    %select_n3A_1346 = arith.select %gt3A_1341, %add3A_1345, %select_n3A_1335 : vector<16xi1>, vector<16xi32>
    %get3A_1347 = arith.constant 768 : index
    %get3A_1348 = tpu.vector_load %arg6[%get3A_1347] {strides = array<i32>} : memref<1024xf32, #tpu.memory_space<vmem>>, vector<16xf32>,
    %get3A_1349 = arith.constant 768 : index
    %get3A_1350 = tpu.vector_load %arg7[%get3A_1349] {strides = array<i32>} : memref<1024xf32, #tpu.memory_space<vmem>>, vector<16xf32>,
    %add3A_1351 = arith.addf %get3A_1348, %get3A_1350 : vector<16xf32>
    %gt3A_1352 = arith.cmpf ogt, %add3A_1351, %select_n3A_1342 : vector<16xf32>
    %select_n3A_1353 = arith.select %gt3A_1352, %add3A_1351, %select_n3A_1342 : vector<16xi1>, vector<16xf32>
    %add3A_1354 = arith.constant 768 : i32
    %add3A_1355 = vector.broadcast %add3A_1354 : i32 to vector<16xi32>
    %add3A_1356 = arith.addi %iota3A, %add3A_1355 : vector<16xi32>
    %select_n3A_1357 = arith.select %gt3A_1352, %add3A_1356, %select_n3A_1346 : vector<16xi1>, vector<16xi32>
    %get3A_1358 = arith.constant 784 : index
    %get3A_1359 = tpu.vector_load %arg6[%get3A_1358] {strides = array<i32>} : memref<1024xf32, #tpu.memory_space<vmem>>, vector<16xf32>,
    %get3A_1360 = arith.constant 784 : index
    %get3A_1361 = tpu.vector_load %arg7[%get3A_1360] {strides = array<i32>} : memref<1024xf32, #tpu.memory_space<vmem>>, vector<16xf32>,
    %add3A_1362 = arith.addf %get3A_1359, %get3A_1361 : vector<16xf32>
    %gt3A_1363 = arith.cmpf ogt, %add3A_1362, %select_n3A_1353 : vector<16xf32>
    %select_n3A_1364 = arith.select %gt3A_1363, %add3A_1362, %select_n3A_1353 : vector<16xi1>, vector<16xf32>
    %add3A_1365 = arith.constant 784 : i32
    %add3A_1366 = vector.broadcast %add3A_1365 : i32 to vector<16xi32>
    %add3A_1367 = arith.addi %iota3A, %add3A_1366 : vector<16xi32>
    %select_n3A_1368 = arith.select %gt3A_1363, %add3A_1367, %select_n3A_1357 : vector<16xi1>, vector<16xi32>
    %get3A_1369 = arith.constant 800 : index
    %get3A_1370 = tpu.vector_load %arg6[%get3A_1369] {strides = array<i32>} : memref<1024xf32, #tpu.memory_space<vmem>>, vector<16xf32>,
    %get3A_1371 = arith.constant 800 : index
    %get3A_1372 = tpu.vector_load %arg7[%get3A_1371] {strides = array<i32>} : memref<1024xf32, #tpu.memory_space<vmem>>, vector<16xf32>,
    %add3A_1373 = arith.addf %get3A_1370, %get3A_1372 : vector<16xf32>
    %gt3A_1374 = arith.cmpf ogt, %add3A_1373, %select_n3A_1364 : vector<16xf32>
    %select_n3A_1375 = arith.select %gt3A_1374, %add3A_1373, %select_n3A_1364 : vector<16xi1>, vector<16xf32>
    %add3A_1376 = arith.constant 800 : i32
    %add3A_1377 = vector.broadcast %add3A_1376 : i32 to vector<16xi32>
    %add3A_1378 = arith.addi %iota3A, %add3A_1377 : vector<16xi32>
    %select_n3A_1379 = arith.select %gt3A_1374, %add3A_1378, %select_n3A_1368 : vector<16xi1>, vector<16xi32>
    %get3A_1380 = arith.constant 816 : index
    %get3A_1381 = tpu.vector_load %arg6[%get3A_1380] {strides = array<i32>} : memref<1024xf32, #tpu.memory_space<vmem>>, vector<16xf32>,
    %get3A_1382 = arith.constant 816 : index
    %get3A_1383 = tpu.vector_load %arg7[%get3A_1382] {strides = array<i32>} : memref<1024xf32, #tpu.memory_space<vmem>>, vector<16xf32>,
    %add3A_1384 = arith.addf %get3A_1381, %get3A_1383 : vector<16xf32>
    %gt3A_1385 = arith.cmpf ogt, %add3A_1384, %select_n3A_1375 : vector<16xf32>
    %select_n3A_1386 = arith.select %gt3A_1385, %add3A_1384, %select_n3A_1375 : vector<16xi1>, vector<16xf32>
    %add3A_1387 = arith.constant 816 : i32
    %add3A_1388 = vector.broadcast %add3A_1387 : i32 to vector<16xi32>
    %add3A_1389 = arith.addi %iota3A, %add3A_1388 : vector<16xi32>
    %select_n3A_1390 = arith.select %gt3A_1385, %add3A_1389, %select_n3A_1379 : vector<16xi1>, vector<16xi32>
    %get3A_1391 = arith.constant 832 : index
    %get3A_1392 = tpu.vector_load %arg6[%get3A_1391] {strides = array<i32>} : memref<1024xf32, #tpu.memory_space<vmem>>, vector<16xf32>,
    %get3A_1393 = arith.constant 832 : index
    %get3A_1394 = tpu.vector_load %arg7[%get3A_1393] {strides = array<i32>} : memref<1024xf32, #tpu.memory_space<vmem>>, vector<16xf32>,
    %add3A_1395 = arith.addf %get3A_1392, %get3A_1394 : vector<16xf32>
    %gt3A_1396 = arith.cmpf ogt, %add3A_1395, %select_n3A_1386 : vector<16xf32>
    %select_n3A_1397 = arith.select %gt3A_1396, %add3A_1395, %select_n3A_1386 : vector<16xi1>, vector<16xf32>
    %add3A_1398 = arith.constant 832 : i32
    %add3A_1399 = vector.broadcast %add3A_1398 : i32 to vector<16xi32>
    %add3A_1400 = arith.addi %iota3A, %add3A_1399 : vector<16xi32>
    %select_n3A_1401 = arith.select %gt3A_1396, %add3A_1400, %select_n3A_1390 : vector<16xi1>, vector<16xi32>
    %get3A_1402 = arith.constant 848 : index
    %get3A_1403 = tpu.vector_load %arg6[%get3A_1402] {strides = array<i32>} : memref<1024xf32, #tpu.memory_space<vmem>>, vector<16xf32>,
    %get3A_1404 = arith.constant 848 : index
    %get3A_1405 = tpu.vector_load %arg7[%get3A_1404] {strides = array<i32>} : memref<1024xf32, #tpu.memory_space<vmem>>, vector<16xf32>,
    %add3A_1406 = arith.addf %get3A_1403, %get3A_1405 : vector<16xf32>
    %gt3A_1407 = arith.cmpf ogt, %add3A_1406, %select_n3A_1397 : vector<16xf32>
    %select_n3A_1408 = arith.select %gt3A_1407, %add3A_1406, %select_n3A_1397 : vector<16xi1>, vector<16xf32>
    %add3A_1409 = arith.constant 848 : i32
    %add3A_1410 = vector.broadcast %add3A_1409 : i32 to vector<16xi32>
    %add3A_1411 = arith.addi %iota3A, %add3A_1410 : vector<16xi32>
    %select_n3A_1412 = arith.select %gt3A_1407, %add3A_1411, %select_n3A_1401 : vector<16xi1>, vector<16xi32>
    %get3A_1413 = arith.constant 864 : index
    %get3A_1414 = tpu.vector_load %arg6[%get3A_1413] {strides = array<i32>} : memref<1024xf32, #tpu.memory_space<vmem>>, vector<16xf32>,
    %get3A_1415 = arith.constant 864 : index
    %get3A_1416 = tpu.vector_load %arg7[%get3A_1415] {strides = array<i32>} : memref<1024xf32, #tpu.memory_space<vmem>>, vector<16xf32>,
    %add3A_1417 = arith.addf %get3A_1414, %get3A_1416 : vector<16xf32>
    %gt3A_1418 = arith.cmpf ogt, %add3A_1417, %select_n3A_1408 : vector<16xf32>
    %select_n3A_1419 = arith.select %gt3A_1418, %add3A_1417, %select_n3A_1408 : vector<16xi1>, vector<16xf32>
    %add3A_1420 = arith.constant 864 : i32
    %add3A_1421 = vector.broadcast %add3A_1420 : i32 to vector<16xi32>
    %add3A_1422 = arith.addi %iota3A, %add3A_1421 : vector<16xi32>
    %select_n3A_1423 = arith.select %gt3A_1418, %add3A_1422, %select_n3A_1412 : vector<16xi1>, vector<16xi32>
    %get3A_1424 = arith.constant 880 : index
    %get3A_1425 = tpu.vector_load %arg6[%get3A_1424] {strides = array<i32>} : memref<1024xf32, #tpu.memory_space<vmem>>, vector<16xf32>,
    %get3A_1426 = arith.constant 880 : index
    %get3A_1427 = tpu.vector_load %arg7[%get3A_1426] {strides = array<i32>} : memref<1024xf32, #tpu.memory_space<vmem>>, vector<16xf32>,
    %add3A_1428 = arith.addf %get3A_1425, %get3A_1427 : vector<16xf32>
    %gt3A_1429 = arith.cmpf ogt, %add3A_1428, %select_n3A_1419 : vector<16xf32>
    %select_n3A_1430 = arith.select %gt3A_1429, %add3A_1428, %select_n3A_1419 : vector<16xi1>, vector<16xf32>
    %add3A_1431 = arith.constant 880 : i32
    %add3A_1432 = vector.broadcast %add3A_1431 : i32 to vector<16xi32>
    %add3A_1433 = arith.addi %iota3A, %add3A_1432 : vector<16xi32>
    %select_n3A_1434 = arith.select %gt3A_1429, %add3A_1433, %select_n3A_1423 : vector<16xi1>, vector<16xi32>
    %get3A_1435 = arith.constant 896 : index
    %get3A_1436 = tpu.vector_load %arg6[%get3A_1435] {strides = array<i32>} : memref<1024xf32, #tpu.memory_space<vmem>>, vector<16xf32>,
    %get3A_1437 = arith.constant 896 : index
    %get3A_1438 = tpu.vector_load %arg7[%get3A_1437] {strides = array<i32>} : memref<1024xf32, #tpu.memory_space<vmem>>, vector<16xf32>,
    %add3A_1439 = arith.addf %get3A_1436, %get3A_1438 : vector<16xf32>
    %gt3A_1440 = arith.cmpf ogt, %add3A_1439, %select_n3A_1430 : vector<16xf32>
    %select_n3A_1441 = arith.select %gt3A_1440, %add3A_1439, %select_n3A_1430 : vector<16xi1>, vector<16xf32>
    %add3A_1442 = arith.constant 896 : i32
    %add3A_1443 = vector.broadcast %add3A_1442 : i32 to vector<16xi32>
    %add3A_1444 = arith.addi %iota3A, %add3A_1443 : vector<16xi32>
    %select_n3A_1445 = arith.select %gt3A_1440, %add3A_1444, %select_n3A_1434 : vector<16xi1>, vector<16xi32>
    %get3A_1446 = arith.constant 912 : index
    %get3A_1447 = tpu.vector_load %arg6[%get3A_1446] {strides = array<i32>} : memref<1024xf32, #tpu.memory_space<vmem>>, vector<16xf32>,
    %get3A_1448 = arith.constant 912 : index
    %get3A_1449 = tpu.vector_load %arg7[%get3A_1448] {strides = array<i32>} : memref<1024xf32, #tpu.memory_space<vmem>>, vector<16xf32>,
    %add3A_1450 = arith.addf %get3A_1447, %get3A_1449 : vector<16xf32>
    %gt3A_1451 = arith.cmpf ogt, %add3A_1450, %select_n3A_1441 : vector<16xf32>
    %select_n3A_1452 = arith.select %gt3A_1451, %add3A_1450, %select_n3A_1441 : vector<16xi1>, vector<16xf32>
    %add3A_1453 = arith.constant 912 : i32
    %add3A_1454 = vector.broadcast %add3A_1453 : i32 to vector<16xi32>
    %add3A_1455 = arith.addi %iota3A, %add3A_1454 : vector<16xi32>
    %select_n3A_1456 = arith.select %gt3A_1451, %add3A_1455, %select_n3A_1445 : vector<16xi1>, vector<16xi32>
    %get3A_1457 = arith.constant 928 : index
    %get3A_1458 = tpu.vector_load %arg6[%get3A_1457] {strides = array<i32>} : memref<1024xf32, #tpu.memory_space<vmem>>, vector<16xf32>,
    %get3A_1459 = arith.constant 928 : index
    %get3A_1460 = tpu.vector_load %arg7[%get3A_1459] {strides = array<i32>} : memref<1024xf32, #tpu.memory_space<vmem>>, vector<16xf32>,
    %add3A_1461 = arith.addf %get3A_1458, %get3A_1460 : vector<16xf32>
    %gt3A_1462 = arith.cmpf ogt, %add3A_1461, %select_n3A_1452 : vector<16xf32>
    %select_n3A_1463 = arith.select %gt3A_1462, %add3A_1461, %select_n3A_1452 : vector<16xi1>, vector<16xf32>
    %add3A_1464 = arith.constant 928 : i32
    %add3A_1465 = vector.broadcast %add3A_1464 : i32 to vector<16xi32>
    %add3A_1466 = arith.addi %iota3A, %add3A_1465 : vector<16xi32>
    %select_n3A_1467 = arith.select %gt3A_1462, %add3A_1466, %select_n3A_1456 : vector<16xi1>, vector<16xi32>
    %get3A_1468 = arith.constant 944 : index
    %get3A_1469 = tpu.vector_load %arg6[%get3A_1468] {strides = array<i32>} : memref<1024xf32, #tpu.memory_space<vmem>>, vector<16xf32>,
    %get3A_1470 = arith.constant 944 : index
    %get3A_1471 = tpu.vector_load %arg7[%get3A_1470] {strides = array<i32>} : memref<1024xf32, #tpu.memory_space<vmem>>, vector<16xf32>,
    %add3A_1472 = arith.addf %get3A_1469, %get3A_1471 : vector<16xf32>
    %gt3A_1473 = arith.cmpf ogt, %add3A_1472, %select_n3A_1463 : vector<16xf32>
    %select_n3A_1474 = arith.select %gt3A_1473, %add3A_1472, %select_n3A_1463 : vector<16xi1>, vector<16xf32>
    %add3A_1475 = arith.constant 944 : i32
    %add3A_1476 = vector.broadcast %add3A_1475 : i32 to vector<16xi32>
    %add3A_1477 = arith.addi %iota3A, %add3A_1476 : vector<16xi32>
    %select_n3A_1478 = arith.select %gt3A_1473, %add3A_1477, %select_n3A_1467 : vector<16xi1>, vector<16xi32>
    %get3A_1479 = arith.constant 960 : index
    %get3A_1480 = tpu.vector_load %arg6[%get3A_1479] {strides = array<i32>} : memref<1024xf32, #tpu.memory_space<vmem>>, vector<16xf32>,
    %get3A_1481 = arith.constant 960 : index
    %get3A_1482 = tpu.vector_load %arg7[%get3A_1481] {strides = array<i32>} : memref<1024xf32, #tpu.memory_space<vmem>>, vector<16xf32>,
    %add3A_1483 = arith.addf %get3A_1480, %get3A_1482 : vector<16xf32>
    %gt3A_1484 = arith.cmpf ogt, %add3A_1483, %select_n3A_1474 : vector<16xf32>
    %select_n3A_1485 = arith.select %gt3A_1484, %add3A_1483, %select_n3A_1474 : vector<16xi1>, vector<16xf32>
    %add3A_1486 = arith.constant 960 : i32
    %add3A_1487 = vector.broadcast %add3A_1486 : i32 to vector<16xi32>
    %add3A_1488 = arith.addi %iota3A, %add3A_1487 : vector<16xi32>
    %select_n3A_1489 = arith.select %gt3A_1484, %add3A_1488, %select_n3A_1478 : vector<16xi1>, vector<16xi32>
    %get3A_1490 = arith.constant 976 : index
    %get3A_1491 = tpu.vector_load %arg6[%get3A_1490] {strides = array<i32>} : memref<1024xf32, #tpu.memory_space<vmem>>, vector<16xf32>,
    %get3A_1492 = arith.constant 976 : index
    %get3A_1493 = tpu.vector_load %arg7[%get3A_1492] {strides = array<i32>} : memref<1024xf32, #tpu.memory_space<vmem>>, vector<16xf32>,
    %add3A_1494 = arith.addf %get3A_1491, %get3A_1493 : vector<16xf32>
    %gt3A_1495 = arith.cmpf ogt, %add3A_1494, %select_n3A_1485 : vector<16xf32>
    %select_n3A_1496 = arith.select %gt3A_1495, %add3A_1494, %select_n3A_1485 : vector<16xi1>, vector<16xf32>
    %add3A_1497 = arith.constant 976 : i32
    %add3A_1498 = vector.broadcast %add3A_1497 : i32 to vector<16xi32>
    %add3A_1499 = arith.addi %iota3A, %add3A_1498 : vector<16xi32>
    %select_n3A_1500 = arith.select %gt3A_1495, %add3A_1499, %select_n3A_1489 : vector<16xi1>, vector<16xi32>
    %get3A_1501 = arith.constant 992 : index
    %get3A_1502 = tpu.vector_load %arg6[%get3A_1501] {strides = array<i32>} : memref<1024xf32, #tpu.memory_space<vmem>>, vector<16xf32>,
    %get3A_1503 = arith.constant 992 : index
    %get3A_1504 = tpu.vector_load %arg7[%get3A_1503] {strides = array<i32>} : memref<1024xf32, #tpu.memory_space<vmem>>, vector<16xf32>,
    %add3A_1505 = arith.addf %get3A_1502, %get3A_1504 : vector<16xf32>
    %gt3A_1506 = arith.cmpf ogt, %add3A_1505, %select_n3A_1496 : vector<16xf32>
    %select_n3A_1507 = arith.select %gt3A_1506, %add3A_1505, %select_n3A_1496 : vector<16xi1>, vector<16xf32>
    %add3A_1508 = arith.constant 992 : i32
    %add3A_1509 = vector.broadcast %add3A_1508 : i32 to vector<16xi32>
    %add3A_1510 = arith.addi %iota3A, %add3A_1509 : vector<16xi32>
    %select_n3A_1511 = arith.select %gt3A_1506, %add3A_1510, %select_n3A_1500 : vector<16xi1>, vector<16xi32>
    %get3A_1512 = arith.constant 1008 : index
    %get3A_1513 = tpu.vector_load %arg6[%get3A_1512] {strides = array<i32>} : memref<1024xf32, #tpu.memory_space<vmem>>, vector<16xf32>,
    %get3A_1514 = arith.constant 1008 : index
    %get3A_1515 = tpu.vector_load %arg7[%get3A_1514] {strides = array<i32>} : memref<1024xf32, #tpu.memory_space<vmem>>, vector<16xf32>,
    %add3A_1516 = arith.addf %get3A_1513, %get3A_1515 : vector<16xf32>
    %gt3A_1517 = arith.cmpf ogt, %add3A_1516, %select_n3A_1507 : vector<16xf32>
    %select_n3A_1518 = arith.select %gt3A_1517, %add3A_1516, %select_n3A_1507 : vector<16xi1>, vector<16xf32>
    %add3A_1519 = arith.constant 1008 : i32
    %add3A_1520 = vector.broadcast %add3A_1519 : i32 to vector<16xi32>
    %add3A_1521 = arith.addi %iota3A, %add3A_1520 : vector<16xi32>
    %select_n3A_1522 = arith.select %gt3A_1517, %add3A_1521, %select_n3A_1511 : vector<16xi1>, vector<16xi32>
    %swap3A_1523 = arith.constant 0 : index
    %swap3A_1524 = tpu.vector_load %arg8[%swap3A_1523] {strides = array<i32>} : memref<16xf32, #tpu.memory_space<vmem>>, vector<16xf32>,
    tpu.vector_store %arg8[%swap3A_1523], %select_n3A_1518 {strides = array<i32>} : memref<16xf32, #tpu.memory_space<vmem>>, vector<16xf32>,
    %swap3A_1525 = arith.constant 0 : index
    %swap3A_1526 = tpu.vector_load %arg9[%swap3A_1525] {strides = array<i32>} : memref<16xi32, #tpu.memory_space<vmem>>, vector<16xi32>,
    tpu.vector_store %arg9[%swap3A_1525], %select_n3A_1522 {strides = array<i32>} : memref<16xi32, #tpu.memory_space<vmem>>, vector<16xi32>,
    %xor3A_1527 = arith.constant 8 : i32
    %xor3A_1528 = vector.broadcast %xor3A_1527 : i32 to vector<16xi32>
    %xor3A_1529 = arith.xori %iota3A, %xor3A_1528 : vector<16xi32>
    %gather3A_1530 = tpu.vector_load_idx %arg8[%xor3A_1529] : memref<16xf32, #tpu.memory_space<vmem>>[vector<16xi32>], vector<16xf32>,
    %gather3A_1531 = tpu.vector_load_idx %arg9[%xor3A_1529] : memref<16xi32, #tpu.memory_space<vmem>>[vector<16xi32>], vector<16xi32>,
    %gt3A_1532 = arith.cmpf ogt, %gather3A_1530, %select_n3A_1518 : vector<16xf32>
    %eq3A_1533 = arith.cmpf oeq, %gather3A_1530, %select_n3A_1518 : vector<16xf32>
    %lt3A_1534 = arith.cmpi slt, %gather3A_1531, %select_n3A_1522 : vector<16xi32>
    %and3A_1535 = arith.andi %eq3A_1533, %lt3A_1534 : vector<16xi1>
    %or3A_1536 = arith.ori %gt3A_1532, %and3A_1535 : vector<16xi1>
    %select_n3A_1537 = arith.select %or3A_1536, %gather3A_1530, %select_n3A_1518 : vector<16xi1>, vector<16xf32>
    %select_n3A_1538 = arith.select %or3A_1536, %gather3A_1531, %select_n3A_1522 : vector<16xi1>, vector<16xi32>
    %swap3A_1539 = arith.constant 0 : index
    %swap3A_1540 = tpu.vector_load %arg8[%swap3A_1539] {strides = array<i32>} : memref<16xf32, #tpu.memory_space<vmem>>, vector<16xf32>,
    tpu.vector_store %arg8[%swap3A_1539], %select_n3A_1537 {strides = array<i32>} : memref<16xf32, #tpu.memory_space<vmem>>, vector<16xf32>,
    %swap3A_1541 = arith.constant 0 : index
    %swap3A_1542 = tpu.vector_load %arg9[%swap3A_1541] {strides = array<i32>} : memref<16xi32, #tpu.memory_space<vmem>>, vector<16xi32>,
    tpu.vector_store %arg9[%swap3A_1541], %select_n3A_1538 {strides = array<i32>} : memref<16xi32, #tpu.memory_space<vmem>>, vector<16xi32>,
    %xor3A_1543 = arith.constant 4 : i32
    %xor3A_1544 = vector.broadcast %xor3A_1543 : i32 to vector<16xi32>
    %xor3A_1545 = arith.xori %iota3A, %xor3A_1544 : vector<16xi32>
    %gather3A_1546 = tpu.vector_load_idx %arg8[%xor3A_1545] : memref<16xf32, #tpu.memory_space<vmem>>[vector<16xi32>], vector<16xf32>,
    %gather3A_1547 = tpu.vector_load_idx %arg9[%xor3A_1545] : memref<16xi32, #tpu.memory_space<vmem>>[vector<16xi32>], vector<16xi32>,
    %gt3A_1548 = arith.cmpf ogt, %gather3A_1546, %select_n3A_1537 : vector<16xf32>
    %eq3A_1549 = arith.cmpf oeq, %gather3A_1546, %select_n3A_1537 : vector<16xf32>
    %lt3A_1550 = arith.cmpi slt, %gather3A_1547, %select_n3A_1538 : vector<16xi32>
    %and3A_1551 = arith.andi %eq3A_1549, %lt3A_1550 : vector<16xi1>
    %or3A_1552 = arith.ori %gt3A_1548, %and3A_1551 : vector<16xi1>
    %select_n3A_1553 = arith.select %or3A_1552, %gather3A_1546, %select_n3A_1537 : vector<16xi1>, vector<16xf32>
    %select_n3A_1554 = arith.select %or3A_1552, %gather3A_1547, %select_n3A_1538 : vector<16xi1>, vector<16xi32>
    %swap3A_1555 = arith.constant 0 : index
    %swap3A_1556 = tpu.vector_load %arg8[%swap3A_1555] {strides = array<i32>} : memref<16xf32, #tpu.memory_space<vmem>>, vector<16xf32>,
    tpu.vector_store %arg8[%swap3A_1555], %select_n3A_1553 {strides = array<i32>} : memref<16xf32, #tpu.memory_space<vmem>>, vector<16xf32>,
    %swap3A_1557 = arith.constant 0 : index
    %swap3A_1558 = tpu.vector_load %arg9[%swap3A_1557] {strides = array<i32>} : memref<16xi32, #tpu.memory_space<vmem>>, vector<16xi32>,
    tpu.vector_store %arg9[%swap3A_1557], %select_n3A_1554 {strides = array<i32>} : memref<16xi32, #tpu.memory_space<vmem>>, vector<16xi32>,
    %xor3A_1559 = arith.constant 2 : i32
    %xor3A_1560 = vector.broadcast %xor3A_1559 : i32 to vector<16xi32>
    %xor3A_1561 = arith.xori %iota3A, %xor3A_1560 : vector<16xi32>
    %gather3A_1562 = tpu.vector_load_idx %arg8[%xor3A_1561] : memref<16xf32, #tpu.memory_space<vmem>>[vector<16xi32>], vector<16xf32>,
    %gather3A_1563 = tpu.vector_load_idx %arg9[%xor3A_1561] : memref<16xi32, #tpu.memory_space<vmem>>[vector<16xi32>], vector<16xi32>,
    %gt3A_1564 = arith.cmpf ogt, %gather3A_1562, %select_n3A_1553 : vector<16xf32>
    %eq3A_1565 = arith.cmpf oeq, %gather3A_1562, %select_n3A_1553 : vector<16xf32>
    %lt3A_1566 = arith.cmpi slt, %gather3A_1563, %select_n3A_1554 : vector<16xi32>
    %and3A_1567 = arith.andi %eq3A_1565, %lt3A_1566 : vector<16xi1>
    %or3A_1568 = arith.ori %gt3A_1564, %and3A_1567 : vector<16xi1>
    %select_n3A_1569 = arith.select %or3A_1568, %gather3A_1562, %select_n3A_1553 : vector<16xi1>, vector<16xf32>
    %select_n3A_1570 = arith.select %or3A_1568, %gather3A_1563, %select_n3A_1554 : vector<16xi1>, vector<16xi32>
    %swap3A_1571 = arith.constant 0 : index
    %swap3A_1572 = tpu.vector_load %arg8[%swap3A_1571] {strides = array<i32>} : memref<16xf32, #tpu.memory_space<vmem>>, vector<16xf32>,
    tpu.vector_store %arg8[%swap3A_1571], %select_n3A_1569 {strides = array<i32>} : memref<16xf32, #tpu.memory_space<vmem>>, vector<16xf32>,
    %swap3A_1573 = arith.constant 0 : index
    %swap3A_1574 = tpu.vector_load %arg9[%swap3A_1573] {strides = array<i32>} : memref<16xi32, #tpu.memory_space<vmem>>, vector<16xi32>,
    tpu.vector_store %arg9[%swap3A_1573], %select_n3A_1570 {strides = array<i32>} : memref<16xi32, #tpu.memory_space<vmem>>, vector<16xi32>,
    %xor3A_1575 = arith.constant 1 : i32
    %xor3A_1576 = vector.broadcast %xor3A_1575 : i32 to vector<16xi32>
    %xor3A_1577 = arith.xori %iota3A, %xor3A_1576 : vector<16xi32>
    %gather3A_1578 = tpu.vector_load_idx %arg8[%xor3A_1577] : memref<16xf32, #tpu.memory_space<vmem>>[vector<16xi32>], vector<16xf32>,
    %gather3A_1579 = tpu.vector_load_idx %arg9[%xor3A_1577] : memref<16xi32, #tpu.memory_space<vmem>>[vector<16xi32>], vector<16xi32>,
    %gt3A_1580 = arith.cmpf ogt, %gather3A_1578, %select_n3A_1569 : vector<16xf32>
    %eq3A_1581 = arith.cmpf oeq, %gather3A_1578, %select_n3A_1569 : vector<16xf32>
    %lt3A_1582 = arith.cmpi slt, %gather3A_1579, %select_n3A_1570 : vector<16xi32>
    %and3A_1583 = arith.andi %eq3A_1581, %lt3A_1582 : vector<16xi1>
    %or3A_1584 = arith.ori %gt3A_1580, %and3A_1583 : vector<16xi1>
    %select_n3A_1585 = arith.select %or3A_1584, %gather3A_1578, %select_n3A_1569 : vector<16xi1>, vector<16xf32>
    %select_n3A_1586 = arith.select %or3A_1584, %gather3A_1579, %select_n3A_1570 : vector<16xi1>, vector<16xi32>
    %gather3A_1587 = tpu.vector_load_idx %arg6[%select_n3A_1586] : memref<1024xf32, #tpu.memory_space<vmem>>[vector<16xi32>], vector<16xf32>,
    %and3A_1588 = arith.constant 31 : i32
    %and3A_1589 = vector.broadcast %and3A_1588 : i32 to vector<16xi32>
    %and3A_1590 = arith.andi %select_n3A_1586, %and3A_1589 : vector<16xi32>
    %shift_right_arithmetic3A_1591 = arith.constant 5 : i32
    %shift_right_arithmetic3A_1592 = vector.broadcast %shift_right_arithmetic3A_1591 : i32 to vector<16xi32>
    %shift_right_arithmetic3A_1593 = arith.shrsi %select_n3A_1586, %shift_right_arithmetic3A_1592 : vector<16xi32>
    %eq3A_1594 = arith.constant 0 : i32
    %eq3A_1595 = vector.broadcast %eq3A_1594 : i32 to vector<16xi32>
    %eq3A_1596 = arith.cmpi eq, %iota3A, %eq3A_1595 : vector<16xi32>
    %eq3A_1597 = arith.constant 1 : i32
    %eq3A_1598 = vector.broadcast %eq3A_1597 : i32 to vector<16xi32>
    %eq3A_1599 = arith.cmpi eq, %iota3A, %eq3A_1598 : vector<16xi32>
    %jit3A_1600 = arith.constant 0 : i32
    %broadcast_in_dim3A_1601 = vector.broadcast %jit3A_1600 : i32 to vector<16xi32>
    %select_n3A_1602 = arith.select %eq3A_1599, %shift_right_arithmetic3A_1593, %broadcast_in_dim3A_1601 : vector<16xi1>, vector<16xi32>
    %select_n3A_1603 = arith.select %eq3A_1596, %and3A_1590, %select_n3A_1602 : vector<16xi1>, vector<16xi32>
    %swap3A_1604 = arith.constant 0 : index
    %swap3A_1605 = tpu.vector_load %arg10[%swap3A_1604] {strides = array<i32>} : memref<16xi32, #tpu.memory_space<vmem>>, vector<16xi32>,
    tpu.vector_store %arg10[%swap3A_1604], %select_n3A_1603 {strides = array<i32>} : memref<16xi32, #tpu.memory_space<vmem>>, vector<16xi32>,
    "tpu.region"() ({
      %run_scoped3A = tpu.sem_alloc : memref<!tpu.dma_semaphore, #tpu.memory_space<semaphore_mem>>
      %dma_start3A_1608 = arith.constant 0 : i32
      %dma_start3A_1609 = tpu.memref_slice %arg4[%add3A_800, %dma_start3A_1608] : memref<64x16xi32, #tpu.memory_space<hbm>> -> memref<1x16xi32, #tpu.memory_space<hbm>>
      %dma_start3A_1610 = tpu.memref_squeeze %dma_start3A_1609 : memref<1x16xi32, #tpu.memory_space<hbm>> -> memref<16xi32, #tpu.memory_space<hbm>>
      %dma_start3A_1611 = arith.constant 0 : i32
      %dma_start3A_1612 = tpu.memref_slice %arg4[%add3A_800, %dma_start3A_1611] : memref<64x16xi32, #tpu.memory_space<hbm>> -> memref<1x16xi32, #tpu.memory_space<hbm>>
      %dma_start3A_1613 = tpu.memref_squeeze %dma_start3A_1612 : memref<1x16xi32, #tpu.memory_space<hbm>> -> memref<16xi32, #tpu.memory_space<hbm>>
      tpu.enqueue_dma source(%arg10 : memref<16xi32, #tpu.memory_space<vmem>>) target(%dma_start3A_1613 : memref<16xi32, #tpu.memory_space<hbm>>) target_semaphore(%run_scoped3A : memref<!tpu.dma_semaphore, #tpu.memory_space<semaphore_mem>>)
      %dma_wait3A_1614 = arith.constant 0 : i32
      %dma_wait3A_1615 = tpu.memref_slice %arg4[%add3A_800, %dma_wait3A_1614] : memref<64x16xi32, #tpu.memory_space<hbm>> -> memref<1x16xi32, #tpu.memory_space<hbm>>
      %dma_wait3A_1616 = tpu.memref_squeeze %dma_wait3A_1615 : memref<1x16xi32, #tpu.memory_space<hbm>> -> memref<16xi32, #tpu.memory_space<hbm>>
      %dma_wait3A_1617 = arith.constant 0 : i32
      %dma_wait3A_1618 = tpu.memref_slice %arg4[%add3A_800, %dma_wait3A_1617] : memref<64x16xi32, #tpu.memory_space<hbm>> -> memref<1x16xi32, #tpu.memory_space<hbm>>
      %dma_wait3A_1619 = tpu.memref_squeeze %dma_wait3A_1618 : memref<1x16xi32, #tpu.memory_space<hbm>> -> memref<16xi32, #tpu.memory_space<hbm>>
      tpu.wait_dma2 semaphore(%run_scoped3A : memref<!tpu.dma_semaphore, #tpu.memory_space<semaphore_mem>>) src(%arg10 : memref<16xi32, #tpu.memory_space<vmem>>) dst(%dma_wait3A_1619 : memref<16xi32, #tpu.memory_space<hbm>>)
      tpu.yield
    }) : () -> ()
    %swap3A_1606 = arith.constant 0 : index
    %swap3A_1607 = tpu.vector_load %arg8[%swap3A_1606] {strides = array<i32>} : memref<16xf32, #tpu.memory_space<vmem>>, vector<16xf32>,
    tpu.vector_store %arg8[%swap3A_1606], %gather3A_1587 {strides = array<i32>} : memref<16xf32, #tpu.memory_space<vmem>>, vector<16xf32>,
    "tpu.region"() ({
      %run_scoped3A = tpu.sem_alloc : memref<!tpu.dma_semaphore, #tpu.memory_space<semaphore_mem>>
      %dma_start3A_1608 = arith.constant 0 : i32
      %dma_start3A_1609 = tpu.memref_slice %arg5[%add3A_800, %dma_start3A_1608] : memref<64x16xf32, #tpu.memory_space<hbm>> -> memref<1x16xf32, #tpu.memory_space<hbm>>
      %dma_start3A_1610 = tpu.memref_squeeze %dma_start3A_1609 : memref<1x16xf32, #tpu.memory_space<hbm>> -> memref<16xf32, #tpu.memory_space<hbm>>
      %dma_start3A_1611 = arith.constant 0 : i32
      %dma_start3A_1612 = tpu.memref_slice %arg5[%add3A_800, %dma_start3A_1611] : memref<64x16xf32, #tpu.memory_space<hbm>> -> memref<1x16xf32, #tpu.memory_space<hbm>>
      %dma_start3A_1613 = tpu.memref_squeeze %dma_start3A_1612 : memref<1x16xf32, #tpu.memory_space<hbm>> -> memref<16xf32, #tpu.memory_space<hbm>>
      tpu.enqueue_dma source(%arg8 : memref<16xf32, #tpu.memory_space<vmem>>) target(%dma_start3A_1613 : memref<16xf32, #tpu.memory_space<hbm>>) target_semaphore(%run_scoped3A : memref<!tpu.dma_semaphore, #tpu.memory_space<semaphore_mem>>)
      %dma_wait3A_1614 = arith.constant 0 : i32
      %dma_wait3A_1615 = tpu.memref_slice %arg5[%add3A_800, %dma_wait3A_1614] : memref<64x16xf32, #tpu.memory_space<hbm>> -> memref<1x16xf32, #tpu.memory_space<hbm>>
      %dma_wait3A_1616 = tpu.memref_squeeze %dma_wait3A_1615 : memref<1x16xf32, #tpu.memory_space<hbm>> -> memref<16xf32, #tpu.memory_space<hbm>>
      %dma_wait3A_1617 = arith.constant 0 : i32
      %dma_wait3A_1618 = tpu.memref_slice %arg5[%add3A_800, %dma_wait3A_1617] : memref<64x16xf32, #tpu.memory_space<hbm>> -> memref<1x16xf32, #tpu.memory_space<hbm>>
      %dma_wait3A_1619 = tpu.memref_squeeze %dma_wait3A_1618 : memref<1x16xf32, #tpu.memory_space<hbm>> -> memref<16xf32, #tpu.memory_space<hbm>>
      tpu.wait_dma2 semaphore(%run_scoped3A : memref<!tpu.dma_semaphore, #tpu.memory_space<semaphore_mem>>) src(%arg8 : memref<16xf32, #tpu.memory_space<vmem>>) dst(%dma_wait3A_1619 : memref<16xf32, #tpu.memory_space<hbm>>)
      tpu.yield
    }) : () -> ()
    return
  }
}

module attributes {stable_mosaic.version = 14 : i64} {
  func.func @_tc_kernel(%arg0: i32, %arg1: memref<8x256xf32, #tpu.memory_space<vmem>>, %arg2: memref<8x1024x256xf32, #tpu.memory_space<vmem>>, %arg3: memref<8x1024xf32, #tpu.memory_space<vmem>>) attributes {dimension_semantics = [#tpu.dimension_semantics<arbitrary>], iteration_bounds = array<i64: 8>, scalar_prefetch = 0 : i64, scratch_operands = 0 : i64, tpu.core_type = #tpu.core_type<tc>, window_params = [{transform_indices = @transform_0, window_bounds = array<i64: 8, 256>}, {transform_indices = @transform_1, window_bounds = array<i64: 8, 1024, 256>}, {transform_indices = @transform_2, window_bounds = array<i64: 8, 1024>}]} {
    %get3A = arith.constant 0 : index
    %get3A_0 = arith.constant 0 : index
    %get3A_1 = arith.constant 0 : index
    %get3A_2 = vector.load %arg2[%get3A, %get3A_0, %get3A_1] : memref<8x1024x256xf32, #tpu.memory_space<vmem>>, vector<1x1024x256xf32>
    %get3A_3 = vector.shape_cast %get3A_2 : vector<1x1024x256xf32> to vector<1024x256xf32>
    %get3A_4 = arith.constant 0 : index
    %get3A_5 = arith.constant 0 : index
    %get3A_6 = vector.load %arg1[%get3A_4, %get3A_5] : memref<8x256xf32, #tpu.memory_space<vmem>>, vector<1x256xf32>
    %get3A_7 = vector.shape_cast %get3A_6 : vector<1x256xf32> to vector<256xf32>
    %reshape3A = vector.shape_cast %get3A_7 : vector<256xf32> to vector<1x256xf32>
    %dot_general3A = arith.constant dense<0.000000e+00> : vector<1x1024xf32>
    %dot_general3A_8 = tpu.matmul %reshape3A, %get3A_3, %dot_general3A {dimension_numbers = #tpu.dot_dimension_numbers<[1], [1], [0], [0], [0, 0, 1, 0], [], []>, transpose_lhs_hint = false} : vector<1x256xf32>, vector<1024x256xf32>, vector<1x1024xf32> -> vector<1x1024xf32>
    %get3A_9 = arith.constant 1 : index
    %get3A_10 = arith.constant 0 : index
    %get3A_11 = arith.constant 0 : index
    %get3A_12 = vector.load %arg2[%get3A_9, %get3A_10, %get3A_11] : memref<8x1024x256xf32, #tpu.memory_space<vmem>>, vector<1x1024x256xf32>
    %get3A_13 = vector.shape_cast %get3A_12 : vector<1x1024x256xf32> to vector<1024x256xf32>
    %get3A_14 = arith.constant 1 : index
    %get3A_15 = arith.constant 0 : index
    %get3A_16 = vector.load %arg1[%get3A_14, %get3A_15] : memref<8x256xf32, #tpu.memory_space<vmem>>, vector<1x256xf32>
    %get3A_17 = vector.shape_cast %get3A_16 : vector<1x256xf32> to vector<256xf32>
    %reshape3A_18 = vector.shape_cast %get3A_17 : vector<256xf32> to vector<1x256xf32>
    %dot_general3A_19 = arith.constant dense<0.000000e+00> : vector<1x1024xf32>
    %dot_general3A_20 = tpu.matmul %reshape3A_18, %get3A_13, %dot_general3A_19 {dimension_numbers = #tpu.dot_dimension_numbers<[1], [1], [0], [0], [0, 0, 1, 0], [], []>, transpose_lhs_hint = false} : vector<1x256xf32>, vector<1024x256xf32>, vector<1x1024xf32> -> vector<1x1024xf32>
    %get3A_21 = arith.constant 2 : index
    %get3A_22 = arith.constant 0 : index
    %get3A_23 = arith.constant 0 : index
    %get3A_24 = vector.load %arg2[%get3A_21, %get3A_22, %get3A_23] : memref<8x1024x256xf32, #tpu.memory_space<vmem>>, vector<1x1024x256xf32>
    %get3A_25 = vector.shape_cast %get3A_24 : vector<1x1024x256xf32> to vector<1024x256xf32>
    %get3A_26 = arith.constant 2 : index
    %get3A_27 = arith.constant 0 : index
    %get3A_28 = vector.load %arg1[%get3A_26, %get3A_27] : memref<8x256xf32, #tpu.memory_space<vmem>>, vector<1x256xf32>
    %get3A_29 = vector.shape_cast %get3A_28 : vector<1x256xf32> to vector<256xf32>
    %reshape3A_30 = vector.shape_cast %get3A_29 : vector<256xf32> to vector<1x256xf32>
    %dot_general3A_31 = arith.constant dense<0.000000e+00> : vector<1x1024xf32>
    %dot_general3A_32 = tpu.matmul %reshape3A_30, %get3A_25, %dot_general3A_31 {dimension_numbers = #tpu.dot_dimension_numbers<[1], [1], [0], [0], [0, 0, 1, 0], [], []>, transpose_lhs_hint = false} : vector<1x256xf32>, vector<1024x256xf32>, vector<1x1024xf32> -> vector<1x1024xf32>
    %get3A_33 = arith.constant 3 : index
    %get3A_34 = arith.constant 0 : index
    %get3A_35 = arith.constant 0 : index
    %get3A_36 = vector.load %arg2[%get3A_33, %get3A_34, %get3A_35] : memref<8x1024x256xf32, #tpu.memory_space<vmem>>, vector<1x1024x256xf32>
    %get3A_37 = vector.shape_cast %get3A_36 : vector<1x1024x256xf32> to vector<1024x256xf32>
    %get3A_38 = arith.constant 3 : index
    %get3A_39 = arith.constant 0 : index
    %get3A_40 = vector.load %arg1[%get3A_38, %get3A_39] : memref<8x256xf32, #tpu.memory_space<vmem>>, vector<1x256xf32>
    %get3A_41 = vector.shape_cast %get3A_40 : vector<1x256xf32> to vector<256xf32>
    %reshape3A_42 = vector.shape_cast %get3A_41 : vector<256xf32> to vector<1x256xf32>
    %dot_general3A_43 = arith.constant dense<0.000000e+00> : vector<1x1024xf32>
    %dot_general3A_44 = tpu.matmul %reshape3A_42, %get3A_37, %dot_general3A_43 {dimension_numbers = #tpu.dot_dimension_numbers<[1], [1], [0], [0], [0, 0, 1, 0], [], []>, transpose_lhs_hint = false} : vector<1x256xf32>, vector<1024x256xf32>, vector<1x1024xf32> -> vector<1x1024xf32>
    %get3A_45 = arith.constant 4 : index
    %get3A_46 = arith.constant 0 : index
    %get3A_47 = arith.constant 0 : index
    %get3A_48 = vector.load %arg2[%get3A_45, %get3A_46, %get3A_47] : memref<8x1024x256xf32, #tpu.memory_space<vmem>>, vector<1x1024x256xf32>
    %get3A_49 = vector.shape_cast %get3A_48 : vector<1x1024x256xf32> to vector<1024x256xf32>
    %get3A_50 = arith.constant 4 : index
    %get3A_51 = arith.constant 0 : index
    %get3A_52 = vector.load %arg1[%get3A_50, %get3A_51] : memref<8x256xf32, #tpu.memory_space<vmem>>, vector<1x256xf32>
    %get3A_53 = vector.shape_cast %get3A_52 : vector<1x256xf32> to vector<256xf32>
    %reshape3A_54 = vector.shape_cast %get3A_53 : vector<256xf32> to vector<1x256xf32>
    %dot_general3A_55 = arith.constant dense<0.000000e+00> : vector<1x1024xf32>
    %dot_general3A_56 = tpu.matmul %reshape3A_54, %get3A_49, %dot_general3A_55 {dimension_numbers = #tpu.dot_dimension_numbers<[1], [1], [0], [0], [0, 0, 1, 0], [], []>, transpose_lhs_hint = false} : vector<1x256xf32>, vector<1024x256xf32>, vector<1x1024xf32> -> vector<1x1024xf32>
    %get3A_57 = arith.constant 5 : index
    %get3A_58 = arith.constant 0 : index
    %get3A_59 = arith.constant 0 : index
    %get3A_60 = vector.load %arg2[%get3A_57, %get3A_58, %get3A_59] : memref<8x1024x256xf32, #tpu.memory_space<vmem>>, vector<1x1024x256xf32>
    %get3A_61 = vector.shape_cast %get3A_60 : vector<1x1024x256xf32> to vector<1024x256xf32>
    %get3A_62 = arith.constant 5 : index
    %get3A_63 = arith.constant 0 : index
    %get3A_64 = vector.load %arg1[%get3A_62, %get3A_63] : memref<8x256xf32, #tpu.memory_space<vmem>>, vector<1x256xf32>
    %get3A_65 = vector.shape_cast %get3A_64 : vector<1x256xf32> to vector<256xf32>
    %reshape3A_66 = vector.shape_cast %get3A_65 : vector<256xf32> to vector<1x256xf32>
    %dot_general3A_67 = arith.constant dense<0.000000e+00> : vector<1x1024xf32>
    %dot_general3A_68 = tpu.matmul %reshape3A_66, %get3A_61, %dot_general3A_67 {dimension_numbers = #tpu.dot_dimension_numbers<[1], [1], [0], [0], [0, 0, 1, 0], [], []>, transpose_lhs_hint = false} : vector<1x256xf32>, vector<1024x256xf32>, vector<1x1024xf32> -> vector<1x1024xf32>
    %get3A_69 = arith.constant 6 : index
    %get3A_70 = arith.constant 0 : index
    %get3A_71 = arith.constant 0 : index
    %get3A_72 = vector.load %arg2[%get3A_69, %get3A_70, %get3A_71] : memref<8x1024x256xf32, #tpu.memory_space<vmem>>, vector<1x1024x256xf32>
    %get3A_73 = vector.shape_cast %get3A_72 : vector<1x1024x256xf32> to vector<1024x256xf32>
    %get3A_74 = arith.constant 6 : index
    %get3A_75 = arith.constant 0 : index
    %get3A_76 = vector.load %arg1[%get3A_74, %get3A_75] : memref<8x256xf32, #tpu.memory_space<vmem>>, vector<1x256xf32>
    %get3A_77 = vector.shape_cast %get3A_76 : vector<1x256xf32> to vector<256xf32>
    %reshape3A_78 = vector.shape_cast %get3A_77 : vector<256xf32> to vector<1x256xf32>
    %dot_general3A_79 = arith.constant dense<0.000000e+00> : vector<1x1024xf32>
    %dot_general3A_80 = tpu.matmul %reshape3A_78, %get3A_73, %dot_general3A_79 {dimension_numbers = #tpu.dot_dimension_numbers<[1], [1], [0], [0], [0, 0, 1, 0], [], []>, transpose_lhs_hint = false} : vector<1x256xf32>, vector<1024x256xf32>, vector<1x1024xf32> -> vector<1x1024xf32>
    %get3A_81 = arith.constant 7 : index
    %get3A_82 = arith.constant 0 : index
    %get3A_83 = arith.constant 0 : index
    %get3A_84 = vector.load %arg2[%get3A_81, %get3A_82, %get3A_83] : memref<8x1024x256xf32, #tpu.memory_space<vmem>>, vector<1x1024x256xf32>
    %get3A_85 = vector.shape_cast %get3A_84 : vector<1x1024x256xf32> to vector<1024x256xf32>
    %get3A_86 = arith.constant 7 : index
    %get3A_87 = arith.constant 0 : index
    %get3A_88 = vector.load %arg1[%get3A_86, %get3A_87] : memref<8x256xf32, #tpu.memory_space<vmem>>, vector<1x256xf32>
    %get3A_89 = vector.shape_cast %get3A_88 : vector<1x256xf32> to vector<256xf32>
    %reshape3A_90 = vector.shape_cast %get3A_89 : vector<256xf32> to vector<1x256xf32>
    %dot_general3A_91 = arith.constant dense<0.000000e+00> : vector<1x1024xf32>
    %dot_general3A_92 = tpu.matmul %reshape3A_90, %get3A_85, %dot_general3A_91 {dimension_numbers = #tpu.dot_dimension_numbers<[1], [1], [0], [0], [0, 0, 1, 0], [], []>, transpose_lhs_hint = false} : vector<1x256xf32>, vector<1024x256xf32>, vector<1x1024xf32> -> vector<1x1024xf32>
    %concatenate3A = tpu.concatenate %dot_general3A_8, %dot_general3A_20, %dot_general3A_32, %dot_general3A_44, %dot_general3A_56, %dot_general3A_68, %dot_general3A_80, %dot_general3A_92 in 0 : vector<1x1024xf32>, vector<1x1024xf32>, vector<1x1024xf32>, vector<1x1024xf32>, vector<1x1024xf32>, vector<1x1024xf32>, vector<1x1024xf32>, vector<1x1024xf32> -> vector<8x1024xf32>
    %reduce_max3A = arith.constant dense<0xFF800000> : vector<8xf32>
    %reduce_max3A_93 = vector.multi_reduction <maximumf>, %concatenate3A, %reduce_max3A [1] : vector<8x1024xf32> to vector<8xf32>
    %broadcast_in_dim3A = vector.shape_cast %reduce_max3A_93 : vector<8xf32> to vector<8x1xf32>
    %sub3A = vector.broadcast %broadcast_in_dim3A : vector<8x1xf32> to vector<8x1024xf32>
    %sub3A_94 = arith.subf %concatenate3A, %sub3A : vector<8x1024xf32>
    %exp3A = math.exp %sub3A_94 : vector<8x1024xf32>
    %reduce_sum3A = arith.constant dense<0.000000e+00> : vector<8xf32>
    %reduce_sum3A_95 = vector.multi_reduction <add>, %exp3A, %reduce_sum3A [1] : vector<8x1024xf32> to vector<8xf32>
    %broadcast_in_dim3A_96 = vector.shape_cast %reduce_sum3A_95 : vector<8xf32> to vector<8x1xf32>
    %log3A = math.log %broadcast_in_dim3A_96 : vector<8x1xf32>
    %add3A = arith.addf %log3A, %broadcast_in_dim3A : vector<8x1xf32>
    %sub3A_97 = vector.broadcast %add3A : vector<8x1xf32> to vector<8x1024xf32>
    %sub3A_98 = arith.subf %concatenate3A, %sub3A_97 : vector<8x1024xf32>
    %swap3A = arith.constant 0 : index
    %swap3A_99 = arith.constant 0 : index
    %swap3A_100 = vector.load %arg3[%swap3A, %swap3A_99] : memref<8x1024xf32, #tpu.memory_space<vmem>>, vector<8x1024xf32>
    tpu.vector_store %arg3[%swap3A, %swap3A_99], %sub3A_98 {strides = array<i32>} : memref<8x1024xf32, #tpu.memory_space<vmem>>, vector<8x1024xf32>,
    return
  }
  func.func @transform_0(%arg0: i32) -> (i32, i32) {
    %c0_i32 = arith.constant 0 : i32
    %c0_i32_0 = arith.constant 0 : i32
    return %arg0, %c0_i32 : i32, i32
  }
  func.func @transform_1(%arg0: i32) -> (i32, i32, i32) {
    %c0_i32 = arith.constant 0 : i32
    %c0_i32_0 = arith.constant 0 : i32
    %c0_i32_1 = arith.constant 0 : i32
    return %arg0, %c0_i32, %c0_i32_0 : i32, i32, i32
  }
  func.func @transform_2(%arg0: i32) -> (i32, i32) {
    %c0_i32 = arith.constant 0 : i32
    %c0_i32_0 = arith.constant 0 : i32
    return %arg0, %c0_i32 : i32, i32
  }
}

</mosaic_0001>

<sc_bundles>
// kernel: kernel.4.cloned.1.call-start
scs
__scs_entry_jumppad:
0x0: {  	(pc) =	sbr.rel $0x88, $3  }
0x1: {  	(tag) =	ssettag $0x0;
	lr =	simm.s32 $0x1  }
0x2: {  	[smem:$0x3F9F] =	sst lr;
	_ =	strace $0xD0000000  }
0x3: {  	_ = 	snop  }
0x4: {  	_ = 	snop  }
0x5: {  	_ = 	snop  }
0x6: {  	_ = 	snop  }
0x7: {  	_ = 	snop  }
__scs_overlays_trampoline_lowered:
0x8: {  	[smem:$0x3FAE] =	sst s0  }
0x9: {  	[smem:$0x3FAF] =	sst s1  }
0xa: {  	[smem:$0x3FB0] =	sst s2  }
0xb: {  	[smem:$0x3FB1] =	sst s3  }
0xc: {  	[smem:$0x3FB2] =	sst s4  }
0xd: {  	[smem:$0x3FB3] =	sst s5  }
0xe: {  	[smem:$0x3FB4] =	sst s6  }
0xf: {  	[smem:$0x3FB5] =	sst s7  }
0x10: {  	[smem:$0x3FB6] =	sst s8  }
0x11: {  	[smem:$0x3FB7] =	sst s9;
	s0 =	simm.s32 @!p0 $0x0  }
0x12: {  	s1 =	sld [smem:$0x3F9D];
	s0 =	simm.s32 @p0 $0x1  }
0x13: {  	[smem:$0x3FB8] =	sst s0;
	s0 =	simm.s32 @!p1 $0x0  }
0x14: {  	s2 =	sld [smem:$0x3F9C];
	s0 =	simm.s32 @p1 $0x1  }
0x15: {  	[smem:$0x3FB9] =	sst s0;
	s0 =	simm.s32 @!p2 $0x0  }
0x16: {  	s3 =	sld [smem:$0x3FDB];
	s0 =	simm.s32 @p2 $0x1  }
0x17: {  	s4 =	simm.s32 $0x1BF5;
	[smem:$0x3FBB] =	sst s0  }
0x18: {  	s0 =	sld [smem:$0x3F9E];
	_ =	swait.ge [sflag:s4], $0x0  }
0x19: {  	s7 =	sld [smem:$0x3F9F]  }
0x1a: {  	s8 =	sadd.s32 $0xFFFFE003, lr  }
0x1b: {  	s9 =	sadd.s32 $0xFFFFFEF7, lr;
	s5 =	simm.s32 $0xFFFFFFFF;
	p2 =	slt.u32 s8, $0xFFFFF086  }
0x1c: {  	p1 =	slt.u32 s9, $0xF7A;
	s5 =	simm.s32 @!p2 $0x0  }
0x1d: {  	s5 =	simm.s32 @p1 $0x1;
	p0 =	seq.s32 s7, s2  }
0x1e: {  	s7 =	smul.u32 @!p0 $0xF7A, s2;
	p2 =	seq.s32 @!p0 s5, $0x0  }
0x1f: {  	s9 =	smul.u32 $0xF7A, s1;
	s8 =	simm.s32 @!p0 $0x1BF5;
	p2 =	por !p2, p0  }
0x20: {  	[sflag:s8] =	ssyncset.s32 @!p0 $0xFFFFF086;
	s6 =	sadd.s32 @!p0 s3, s7;
	s7 =	simm.s32 @!p0 $0x108  }
0x21: {  	s3 =	sadd.s32 s3, s9;
	s6 =	sadd.s32 @!p0 $0x88, s6;
	s7 =	simm.s32 @p2 $0x1082  }
0x22: {  	[simem:s7], [sflag:s8] =	dma.local @!p0 [hbm:s6], $0xF7A  }
0x23: {  	s9 =	sor.u32 $0xD0000000, s2;
	s6 =	simm.s32 $0x108;
	_ =	swait.ge @!p0 [sflag:s8], $0x0  }
0x24: {  	s3 =	sadd.s32 $0x88, s3;
	s6 =	simm.s32 @!p1 $0x1082;
	[sflag:s4] =	ssyncset.s32 $0xFFFFF086  }
0x25: {  	[simem:s6], [sflag:s4] =	dma.local [hbm:s3], $0xF7A  }
0x26: {  	[smem:$0x3F9F] =	sst s1;
	(tag) =	ssettag s2;
	_ =	strace s9  }
0x27: {  	s1 =	sld [smem:$0x3FAF]  }
0x28: {  	s2 =	sld [smem:$0x3FB0]  }
0x29: {  	s4 =	sld [smem:$0x3FB2]  }
0x2a: {  	p0 =	seq.s32 s5, $0x0;
	s5 =	sld [smem:$0x3FB3]  }
0x2b: {  	s6 =	sld [smem:$0x3FB4]  }
0x2c: {  	s7 =	sld [smem:$0x3FB5]  }
0x2d: {  	s3 =	simm.s32 $0x108;
	s8 =	sld [smem:$0x3FB6]  }
0x2e: {  	s3 =	simm.s32 @!p0 $0x1082;
	s9 =	sld [smem:$0x3FB7]  }
0x2f: {  	lr =	sadd.s32 s0, s3;
	s0 =	sld [smem:$0x3FAE]  }
0x30: {  	s3 =	sld [smem:$0x3FB1]  }
0x31: {  	[smem:$0x3FBA] =	sst s10  }
0x32: {  	s10 =	sld [smem:$0x3FB8];
	_ =	sdelay $0x3  }
0x33: {  	p0 =	seq.s32 s10, $0x1;
	s10 =	sld [smem:$0x3FBA];
	_ =	sdelay $0x3  }
0x34: {  	[smem:$0x3FBA] =	sst s10  }
0x35: {  	s10 =	sld [smem:$0x3FB9];
	_ =	sdelay $0x3  }
0x36: {  	p1 =	seq.s32 s10, $0x1;
	s10 =	sld [smem:$0x3FBA];
	_ =	sdelay $0x3  }
0x37: {  	[smem:$0x3FBA] =	sst s10  }
0x38: {  	s10 =	sld [smem:$0x3FBB]  }
0x39: {  	_ = 	snop;
	(pc) =	sbr.ind lr, $3  }
0x3a: {  	_ = 	snop  }
0x3b: {  	_ = 	snop  }
0x3c: {  	p2 =	seq.s32 s10, $0x1;
	s10 =	sld [smem:$0x3FBA]  }
0x3d: {  	_ =	shalt  }
0x3e: {  	_ =	shalt  }
0x3f: {  	_ =	shalt  }
0x40: {  	_ =	shalt  }
0x41: {  	_ =	shalt  }
0x42: {  	_ =	shalt  }
0x43: {  	_ =	shalt  }
0x44: {  	_ =	shalt  }
0x45: {  	_ =	shalt  }
0x46: {  	_ =	shalt  }
0x47: {  	_ =	shalt  }
0x48: {  	_ =	shalt  }
0x49: {  	_ =	shalt  }
0x4a: {  	_ =	shalt  }
0x4b: {  	_ =	shalt  }
0x4c: {  	_ =	shalt  }
0x4d: {  	_ =	shalt  }
0x4e: {  	_ =	shalt  }
0x4f: {  	_ =	shalt  }
0x50: {  	_ =	shalt  }
0x51: {  	_ =	shalt  }
0x52: {  	_ =	shalt  }
0x53: {  	_ =	shalt  }
0x54: {  	_ =	shalt  }
0x55: {  	_ =	shalt  }
0x56: {  	_ =	shalt  }
0x57: {  	_ =	shalt  }
0x58: {  	_ =	shalt  }
0x59: {  	_ =	shalt  }
0x5a: {  	_ =	shalt  }
0x5b: {  	_ =	shalt  }
0x5c: {  	_ =	shalt  }
0x5d: {  	_ =	shalt  }
0x5e: {  	_ =	shalt  }
0x5f: {  	_ =	shalt  }
0x60: {  	_ =	shalt  }
0x61: {  	_ =	shalt  }
0x62: {  	_ =	shalt  }
0x63: {  	_ =	shalt  }
0x64: {  	_ =	shalt  }
0x65: {  	_ =	shalt  }
0x66: {  	_ =	shalt  }
0x67: {  	_ =	shalt  }
0x68: {  	_ =	shalt  }
0x69: {  	_ =	shalt  }
0x6a: {  	_ =	shalt  }
0x6b: {  	_ =	shalt  }
0x6c: {  	_ =	shalt  }
0x6d: {  	_ =	shalt  }
0x6e: {  	_ =	shalt  }
0x6f: {  	_ =	shalt  }
0x70: {  	_ =	shalt  }
0x71: {  	_ =	shalt  }
0x72: {  	_ =	shalt  }
0x73: {  	_ =	shalt  }
0x74: {  	_ =	shalt  }
0x75: {  	_ =	shalt  }
0x76: {  	_ =	shalt  }
0x77: {  	_ =	shalt  }
0x78: {  	_ =	shalt  }
0x79: {  	_ =	shalt  }
0x7a: {  	_ =	shalt  }
0x7b: {  	_ =	shalt  }
0x7c: {  	_ =	shalt  }
0x7d: {  	_ =	shalt  }
0x7e: {  	_ =	shalt  }
0x7f: {  	_ =	shalt  }
0x80: {  	_ =	shalt  }
0x81: {  	_ =	shalt  }
0x82: {  	_ =	shalt  }
0x83: {  	_ =	shalt  }
0x84: {  	_ =	shalt  }
0x85: {  	_ =	shalt  }
0x86: {  	_ =	shalt  }
0x87: {  	_ =	shalt  }
.Lfunc_end0:
.L_simem_size_0:
called_computation_lowered:
.L_overlay_start_0:
0x88: {  	s2 =	sld [smem:$0x3FD9]  }
0x89: {  	s3 =	sld [smem:$0x3FFE];
	_ =	sdelay $0x1  }
0x8a: {  	s1 =	srdreg.scid  }
0x8b: {  	s0 =	sand.u32 $0x1, s1  }
0x8c: {  	s14 =	sshll.u32 s0, $0xA;
	s2 =	sadd.s32 s3, s2  }
0x8d: {  	s2 =	sadd.s32 s2, s14  }
0x8e: {  	[smem:$0x3FC6] =	sst s2  }
0x8f: {  	_ = 	snop  }
0x90: {  	s2 =	sld [smem:$0x3FD0];
	_ =	sdelay $0x2  }
0x91: {  	s15 =	simm.s32 $0xA;
	s4 =	simm.s32 $0x10  }
0x92: {  	[smem:s4], [sflag:s15] =	dma.local [hbm:s2], $0x1  }
0x93: {  	_ =	swait.eq [sflag:s15], $0x1  }
0x94: {  	[sflag:s15] =	ssyncset.done $0x0  }
0x95: {  	[sflag:s15] =	ssyncadd.s32 $0xFFFFFFFF  }
0x96: {  	s16 =	sld [smem:$0x12];
	(tm) =	ssettm $0x1  }
0x97: {  	s17 =	sld [smem:$0x3FFB];
	_ =	sdelay $0x3  }
0x98: {  	_ =	strace s17  }
0x99: {  	s3 =	sld [smem:$0x3FFC];
	_ =	sdelay $0x3  }
0x9a: {  	_ =	strace s3  }
0x9b: {  	s3 =	sld [smem:$0x3FFD];
	_ =	sdelay $0x3  }
0x9c: {  	_ =	strace s3  }
0x9d: {  	_ =	strace $0x8FFFFFFF  }
0x9e: {  	s18 =	sld [smem:$0x3FDB];
	_ =	sdelay $0x1  }
0x9f: {  	s19 =	simm.s32 $_scs_section_size  }
0xa0: {  	s5 =	simm.s32 $_size__tile_overlayer_lowered;
	s6 =	simm.s32 $_tile_overlayer_lowered  }
0xa1: {  	s22 =	simm.s32 $0x1BFF;
	s21 =	sshll.u32 s6, $0x1;
	s3 =	sadd.s32 s19, s18  }
0xa2: {  	s7 =	simm.s32 $0x0;
	s20 =	sshll.u32 s5, $0x1;
	s5 =	sadd.s32 s21, s3  }
0xa3: {  	[timem:s7], [sflag:s22] =	dma.local [hbm:s5], s20  }
0xa4: {  	_ =	swait.ge [sflag:s22], s20  }
0xa5: {  	s4 =	ssub.s32 $0x0, s20;
	[sflag:s22] =	ssyncset.done $0x0  }
0xa6: {  	[sflag:s22] =	ssyncadd.s32 s4;
	_ =	sdelay $0x1  }
0xa7: {  	s23 =	simm.s32 $0x1B8B  }
0xa8: {  	_ =	swait.ge [sflag:s23], $0x1  }
0xa9: {  	[sflag:s23] =	ssyncset.done $0x0  }
0xaa: {  	s25 =	simm.s32 $0x1B8E;
	s24 =	sld [smem:$0x3FFE];
	[sflag:s23] =	ssyncadd.s32 $0xFFFFFFFF  }
0xab: {  	s26 =	simm.s32 $execute0_lowered;
	[smem:$0x3FD2] =	sst s25  }
0xac: {  	s5 =	sshll.u32 s26, $0x1;
	_ =	strace $0x80000046;
	[dreg:$0x1] =	wrdreg $0xFFFFFFFF  }
0xad: {  	s28 =	simm.s32 $_size_execute0_lowered;
	s3 =	sadd.s32 s3, s5;
	[dreg:$0x0] =	wrdreg $0x0  }
0xae: {  	s5 =	sshll.u32 s28, $0x1;
	[dreg:$0x2] =	wrdreg s3  }
0xaf: {  	[dreg:$0x3] =	wrdreg s5  }
0xb0: {  	[dreg:$0x4] =	wrdreg $0xC0  }
0xb1: {  	_ =	task [dreg:s7], $0x5FFFF  }
0xb2: {  	[dreg:$0x1] =	wrdreg $0xFFFFFFFF  }
0xb3: {  	[dreg:$0x0] =	wrdreg $0x60  }
0xb4: {  	[dreg:$0x2] =	wrdreg s16  }
0xb5: {  	[dreg:$0x3] =	wrdreg s24  }
0xb6: {  	[dreg:$0x4] =	wrdreg $0x9  }
0xb7: {  	_ =	task.clear_ibuf [dreg:s7], $0x5FFFF;
	_ =	strace $0x90000046  }
0xb8: {  	s29 =	simm.s32 $0x9;
	_ =	strace $0x80000048  }
0xb9: {  	_ =	swait.ge [sflag:s29], $0x1  }
0xba: {  	[sflag:s29] =	ssyncadd.s32 $0xFFFFFFFF  }
0xbb: {  	_ =	strace $0x90000048  }
0xbc: {  	_ =	sfence  }
0xbd: {  	s30 =	sld [smem:$0x0];
	_ =	sdelay $0x2  }
0xbe: {  	s31 =	sshll.u32 s1, $0xD;
	s1 =	sshrl.u32 s1, $0x2  }
0xbf: {  	s3 =	sand.u32 $0x4000, s31;
	s1 =	sadd.s32 s1, s30  }
0xc0: {  	s0 =	sor.u32 s3, s0;
	s1 =	sshll.u32 s1, $0x11  }
0xc1: {  	s0 =	sor.u32 s1, s0  }
0xc2: {  	s0 =	sadd.s32 $0x8F2B, s0  }
0xc3: {  	[sflag:s0] =	ssyncadd.remote.s32 $0x1  }
0xc4: {  	_ =	sfence.sel $0xFFFF  }
0xc5: {  	[dreg:$0x0] =	wrdreg $0xFFFFFFFF;
	(pc) =	sbr.abs _section_cstart, $3  }
0xc6: {  	[dreg:$0x1] =	wrdreg $0xFFFFFFFF  }
0xc7: {  	_ =	task.clear_ibuf [dreg:s7], $0x2FFFF;
	_ =	strace $0x9FFFFFFF  }
0xc8: {  	(tm) =	ssettm $0x7FFFFFFF  }
0xc9: {  	_ =	shalt  }
tec
execute0_lowered:
.L_overlay_start_1:
0x0: {  	(tag) =	ssettag $0x1  }
0x1: {  	v4 =	vlaneseq.u32  }
0x2: {  	v0 =	vor.u32 $0x10, v4  }
0x3: {  	v56 =	vor.u32 $0x20, v4;
	[tilespmem:$0x1FBC0] =	vst v0  }
0x4: {  	v57 =	vor.u32 $0x30, v4;
	[tilespmem:$0x1FBD0] =	vst v56  }
0x5: {  	v58 =	vor.u32 $0x40, v4;
	[tilespmem:$0x1FBE0] =	vst v57  }
0x6: {  	v59 =	vor.u32 $0x50, v4;
	[tilespmem:$0x1FBF0] =	vst v58  }
0x7: {  	v60 =	vor.u32 $0x60, v4;
	[tilespmem:$0x1FC00] =	vst v59  }
0x8: {  	v61 =	vor.u32 $0x70, v4;
	[tilespmem:$0x1FC10] =	vst v60  }
0x9: {  	v62 =	vor.u32 $0x80, v4;
	[tilespmem:$0x1FC20] =	vst v61  }
0xa: {  	v63 =	vor.u32 $0x90, v4;
	[tilespmem:$0x1FC30] =	vst v62  }
0xb: {  	v5 =	vor.u32 $0xA0, v4;
	[tilespmem:$0x1FC40] =	vst v63  }
0xc: {  	v6 =	vor.u32 $0xB0, v4;
	[tilespmem:$0x1FC50] =	vst v5  }
0xd: {  	v7 =	vor.u32 $0xC0, v4;
	[tilespmem:$0x1FC60] =	vst v6  }
0xe: {  	v8 =	vor.u32 $0xD0, v4;
	[tilespmem:$0x1FC70] =	vst v7  }
0xf: {  	v9 =	vor.u32 $0xE0, v4;
	[tilespmem:$0x1FC80] =	vst v8  }
0x10: {  	v10 =	vor.u32 $0xF0, v4;
	[tilespmem:$0x1FC90] =	vst v9  }
0x11: {  	v11 =	vor.u32 $0x100, v4;
	[tilespmem:$0x1FCA0] =	vst v10  }
0x12: {  	v12 =	vor.u32 $0x110, v4;
	[tilespmem:$0x1FCB0] =	vst v11  }
0x13: {  	v13 =	vor.u32 $0x120, v4;
	[tilespmem:$0x1FCC0] =	vst v12  }
0x14: {  	v14 =	vor.u32 $0x130, v4;
	[tilespmem:$0x1FCD0] =	vst v13  }
0x15: {  	v15 =	vor.u32 $0x140, v4;
	[tilespmem:$0x1FCE0] =	vst v14  }
0x16: {  	v16 =	vor.u32 $0x150, v4;
	[tilespmem:$0x1FCF0] =	vst v15  }
0x17: {  	v17 =	vor.u32 $0x160, v4;
	[tilespmem:$0x1FD00] =	vst v16  }
0x18: {  	v18 =	vor.u32 $0x170, v4;
	[tilespmem:$0x1FD10] =	vst v17  }
0x19: {  	v19 =	vor.u32 $0x180, v4;
	[tilespmem:$0x1FD20] =	vst v18  }
0x1a: {  	v20 =	vor.u32 $0x190, v4;
	[tilespmem:$0x1FD30] =	vst v19  }
0x1b: {  	v21 =	vor.u32 $0x1A0, v4;
	[tilespmem:$0x1FD40] =	vst v20  }
0x1c: {  	v22 =	vor.u32 $0x1B0, v4;
	[tilespmem:$0x1FD50] =	vst v21  }
0x1d: {  	v23 =	vor.u32 $0x1C0, v4;
	[tilespmem:$0x1FD60] =	vst v22  }
0x1e: {  	v24 =	vor.u32 $0x1D0, v4;
	[tilespmem:$0x1FD70] =	vst v23  }
0x1f: {  	v25 =	vor.u32 $0x1E0, v4;
	[tilespmem:$0x1FD80] =	vst v24  }
0x20: {  	v26 =	vor.u32 $0x1F0, v4;
	[tilespmem:$0x1FD90] =	vst v25  }
0x21: {  	v27 =	vor.u32 $0x200, v4;
	[tilespmem:$0x1FDA0] =	vst v26  }
0x22: {  	v28 =	vor.u32 $0x210, v4;
	[tilespmem:$0x1FDB0] =	vst v27  }
0x23: {  	v29 =	vor.u32 $0x220, v4;
	[tilespmem:$0x1FDC0] =	vst v28  }
0x24: {  	v30 =	vor.u32 $0x230, v4;
	[tilespmem:$0x1FDD0] =	vst v29  }
0x25: {  	v31 =	vor.u32 $0x240, v4;
	[tilespmem:$0x1FDE0] =	vst v30  }
0x26: {  	v32 =	vor.u32 $0x250, v4;
	[tilespmem:$0x1FDF0] =	vst v31  }
0x27: {  	v33 =	vor.u32 $0x260, v4;
	[tilespmem:$0x1FE00] =	vst v32  }
0x28: {  	v34 =	vor.u32 $0x270, v4;
	[tilespmem:$0x1FE10] =	vst v33  }
0x29: {  	v35 =	vor.u32 $0x280, v4;
	[tilespmem:$0x1FE20] =	vst v34  }
0x2a: {  	v36 =	vor.u32 $0x290, v4;
	[tilespmem:$0x1FE30] =	vst v35  }
0x2b: {  	v37 =	vor.u32 $0x2A0, v4;
	[tilespmem:$0x1FE40] =	vst v36  }
0x2c: {  	v38 =	vor.u32 $0x2B0, v4;
	[tilespmem:$0x1FE50] =	vst v37  }
0x2d: {  	v39 =	vor.u32 $0x2C0, v4;
	[tilespmem:$0x1FE60] =	vst v38  }
0x2e: {  	v40 =	vor.u32 $0x2D0, v4;
	[tilespmem:$0x1FE70] =	vst v39  }
0x2f: {  	v41 =	vor.u32 $0x2E0, v4;
	[tilespmem:$0x1FE80] =	vst v40  }
0x30: {  	v42 =	vor.u32 $0x2F0, v4;
	[tilespmem:$0x1FE90] =	vst v41  }
0x31: {  	v43 =	vor.u32 $0x300, v4;
	[tilespmem:$0x1FEA0] =	vst v42  }
0x32: {  	v44 =	vor.u32 $0x310, v4;
	[tilespmem:$0x1FEB0] =	vst v43  }
0x33: {  	v45 =	vor.u32 $0x320, v4;
	[tilespmem:$0x1FEC0] =	vst v44  }
0x34: {  	v50 =	vimm.s32 $0xBA98FEDC;
	v46 =	vor.u32 $0x330, v4;
	[tilespmem:$0x1FED0] =	vst v45  }
0x35: {  	v1 =	vimm.s32 $0x76543210;
	v2 =	vimm.s32 $0xFEDCBA98;
	v47 =	vor.u32 $0x340, v4;
	[tilespmem:$0x1FEE0] =	vst v46  }
0x36: {  	s7 =	rddreg [dreg:$0x0];
	v51 =	vimm.s32 $0x32107654;
	v48 =	vor.u32 $0x350, v4;
	v49 =	vor.u32 $0x360, v4;
	[tilespmem:$0x1FEF0] =	vst v47  }
0x37: {  	s3 =	rddreg [dreg:$0x1];
	s1 =	simm.s32 $0x0;
	v3 =	vor.u32 $0x370, v4;
	v1 =	vunpack.c.l.s4.s8 v1;
	v2 =	vunpack.c.l.s4.s8 v2;
	[tilespmem:$0x1FF00] =	vst v48  }
0x38: {  	[smem:$0x7FF] =	sst s1;
	v54 =	vor.u32 $0x390, v4;
	v55 =	vor.u32 $0x3A0, v4;
	[tilespmem:$0x1FF10] =	vst v49;
	v56 =	vimm.s32 $0xDCFE98BA  }
0x39: {  	s0 =	rddreg [dreg:$0x2];
	v57 =	vimm.s32 $0x54761032;
	v58 =	vimm.s32 $0xEFCDAB89;
	v59 =	vimm.s32 $0x67452301  }
0x3a: {  	s4 =	srdreg.scid;
	s2 =	stileid.u32;
	v0 =	vunpack.c.l.s4.s8 v50;
	v5 =	vor.u32 $0x380, v4;
	v61 =	vor.u32 $0x3D0, v4;
	_ =	strace $0x80000047;
	[tilespmem:$0x1FF20] =	vst v3  }
0x3b: {  	s16 =	simm.s32 $0x880;
	s17 =	simm.s32 $0x900;
	s18 =	simm.s32 $0x2;
	v63 =	vor.u32 $0x3F0, v4;
	v3 =	vunpack.c.l.s4.s8 v51;
	v56 =	vunpack.c.l.s4.s8 v56;
	[tilespmem:$0x1FF30] =	vst v5  }
0x3c: {  	s8 =	sadd.s32 $0x800, s3;
	s4 =	sand.u32 $0x1, s4;
	s5 =	sshll.u32 s2, $0x9;
	v57 =	vunpack.c.l.s4.s8 v57;
	v58 =	vunpack.c.l.s4.s8 v58;
	v2 =	vunpack.c.0.s8.s32 v2;
	[tilespmem:$0x1FF40] =	vst v54  }
0x3d: {  	s9 =	sshrl.u32 s2, $0x1;
	s10 =	sadd.s32 $0x2800, s3;
	s11 =	sadd.s32 $0x2C00, s3;
	v59 =	vunpack.c.l.s4.s8 v59;
	v1 =	vunpack.c.0.s8.s32 v1;
	[tilespmem:$0x1FF50] =	vst v55;
	v0 =	vunpack.c.0.s8.s32 v0  }
0x3e: {  	s6 =	sshll.u32 s4, $0x8;
	s5 =	sand.u32 $0x200, s5;
	s29 =	ssub.s32 $0x2, s4;
	[tilespmem:$0x1FFD0] =	vst v61;
	v3 =	vunpack.c.0.s8.s32 v3;
	v60 =	vunpack.c.0.s8.s32 v56;
	v2 =	vand.u32 $0xF, v2  }
0x3f: {  	s28 =	sshll.u32 s9, $0xD;
	s5 =	sor.u32 s6, s5;
	s12 =	sshrl.u32 s29, $0x1;
	[tilespmem:$0x1FFF0] =	vst v63;
	v57 =	vunpack.c.0.s8.s32 v57;
	v56 =	vor.u32 $0x3B0, v4;
	v1 =	vcombine.low v2, v1  }
0x40: {  	s9 =	sshll.u32 s9, $0xA;
	s30 =	sor.u32 s28, s5;
	s12 =	ssub.s32 s29, s12;
	v52 =	vunpack.c.0.s8.s32 v58;
	v53 =	vunpack.c.0.s8.s32 v59;
	[tilespmem:$0x1FF70] =	vst v56;
	v0 =	vcombine.low v3, v0  }
0x41: {  	s13 =	sor.u32 s9, s5;
	s14 =	sor.u32 $0x80, s5;
	s4 =	sshrl.u32 s30, $0x3;
	v62 =	vcombine.low v57, v60;
	v60 =	vor.u32 $0x3C0, v4;
	[tilespmem:$0x1FF60] =	vst v1  }
0x42: {  	s13 =	sshrl.u32 s13, $0x3;
	s15 =	sor.u32 s28, s14;
	s9 =	sor.u32 s9, s14;
	v3 =	vcombine.low v53, v52;
	[tilespmem:$0x1FFC0] =	vst v60;
	v0 =	vand.u32 $0xF, v0  }
0x43: {  	s3 =	sadd.s32 s7, s4;
	s4 =	sadd.s32 s8, s4;
	s5 =	sadd.s32 s10, s13;
	v57 =	vand.u32 $0xF, v62;
	[tilespmem:$0x1FF80] =	vst v0  }
0x44: {  	s6 =	sadd.s32 s11, s13;
	s31 =	sshrl.u32 s15, $0x3;
	s14 =	sshrl.u32 s9, $0x3;
	v58 =	vand.u32 $0xF, v3;
	[tilespmem:$0x1FF90] =	vst v57  }
0x45: {  	vm0 =	vmmov $0x1;
	v59 =	vimm.s32 $0x0;
	s13 =	simm.s32 $0x400;
	s15 =	simm.s32 $0x800;
	s7 =	sadd.s32 s7, s31;
	v62 =	vor.u32 $0x3E0, v4;
	[tilespmem:$0x1FFA0] =	vst v58  }
0x46: {  	s8 =	sadd.s32 s8, s31;
	s9 =	sadd.s32 s10, s14;
	s10 =	sadd.s32 s11, s14;
	v0 =	vsel vm0, $0xFFFFFFFF, v59;
	[tilespmem:$0x1FFE0] =	vst v62  }
0x47: {  	s11 =	smax.u32 s12, $0x1;
	s12 =	simm.s32 $0x80;
	s14 =	simm.s32 $0x1;
	[tilespmem:$0x1FFB0] =	vst v0  }
.LBB2_1:
0x48: {  	[tilespmem:s1], [sflag:$0x1] =	stream.strided.gather [hbm4b:s3+s12], $0x400, s13, s12, $0x38;
	[tilespmem:$0x980] =	vst v63  }
0x49: {  	_ =	swait.ge [sflag:s14], $0x400  }
0x4a: {  	[sflag:s14] =	ssyncset.done $0x0  }
0x4b: {  	[sflag:s14] =	ssyncadd.s32 $0xFFFFFC00  }
0x4c: {  	[tilespmem:s13], [sflag:$0x1] =	stream.strided.gather [hbm4b:s4+s12], $0x400, s13, s12, $0x38;
	[tilespmem:$0x980] =	vst v63  }
0x4d: {  	_ =	swait.ge [sflag:s14], $0x400  }
0x4e: {  	[sflag:s14] =	ssyncset.done $0x0  }
0x4f: {  	[sflag:s14] =	ssyncadd.s32 $0xFFFFFC00  }
0x50: {  	v4 =	vld [tilespmem:$0x0]  }
0x51: {  	v5 =	vld [tilespmem:$0x400]  }
0x52: {  	v6 =	vld [tilespmem:$0x10]  }
0x53: {  	v7 =	vld [tilespmem:$0x410]  }
0x54: {  	v8 =	vld [tilespmem:$0x20]  }
0x55: {  	v9 =	vld [tilespmem:$0x420]  }
0x56: {  	v10 =	vld [tilespmem:$0x30]  }
0x57: {  	v11 =	vld [tilespmem:$0x430]  }
0x58: {  	v58 =	vld [tilespmem:$0x40]  }
0x59: {  	v59 =	vld [tilespmem:$0x440]  }
0x5a: {  	v60 =	vld [tilespmem:$0x50]  }
0x5b: {  	v61 =	vld [tilespmem:$0x450]  }
0x5c: {  	v62 =	vld [tilespmem:$0x60]  }
0x5d: {  	v63 =	vld [tilespmem:$0x460]  }
0x5e: {  	v0 =	vld [tilespmem:$0x70]  }
0x5f: {  	v1 =	vld [tilespmem:$0x470]  }
0x60: {  	v2 =	vld [tilespmem:$0x80]  }
0x61: {  	v12 =	vld [tilespmem:$0x480]  }
0x62: {  	v13 =	vld [tilespmem:$0x90]  }
0x63: {  	v14 =	vld [tilespmem:$0x490]  }
0x64: {  	v15 =	vld [tilespmem:$0xA0]  }
0x65: {  	v16 =	vld [tilespmem:$0x4A0]  }
0x66: {  	v17 =	vld [tilespmem:$0xB0]  }
0x67: {  	v18 =	vld [tilespmem:$0x4B0]  }
0x68: {  	v19 =	vld [tilespmem:$0xC0]  }
0x69: {  	v20 =	vld [tilespmem:$0x4C0]  }
0x6a: {  	v21 =	vld [tilespmem:$0xD0]  }
0x6b: {  	v22 =	vld [tilespmem:$0x4D0]  }
0x6c: {  	v23 =	vld [tilespmem:$0xE0]  }
0x6d: {  	v24 =	vld [tilespmem:$0x4E0]  }
0x6e: {  	v25 =	vld [tilespmem:$0xF0]  }
0x6f: {  	v26 =	vld [tilespmem:$0x4F0]  }
0x70: {  	v27 =	vld [tilespmem:$0x100]  }
0x71: {  	v28 =	vld [tilespmem:$0x500]  }
0x72: {  	v30 =	vld [tilespmem:$0x110]  }
0x73: {  	v31 =	vld [tilespmem:$0x510]  }
0x74: {  	v33 =	vld [tilespmem:$0x120]  }
0x75: {  	v34 =	vld [tilespmem:$0x520]  }
0x76: {  	v36 =	vld [tilespmem:$0x130]  }
0x77: {  	v37 =	vld [tilespmem:$0x530]  }
0x78: {  	v39 =	vld [tilespmem:$0x140]  }
0x79: {  	v40 =	vld [tilespmem:$0x540]  }
0x7a: {  	v41 =	vld [tilespmem:$0x150]  }
0x7b: {  	v43 =	vld [tilespmem:$0x550]  }
0x7c: {  	v44 =	vld [tilespmem:$0x160]  }
0x7d: {  	v46 =	vld [tilespmem:$0x560]  }
0x7e: {  	v47 =	vld [tilespmem:$0x170];
	v4 =	vadd.f32 v5, v4;
	v57 =	vadd.f32 v7, v6  }
0x7f: {  	v49 =	vld [tilespmem:$0x570]  }
0x80: {  	v50 =	vld [tilespmem:$0x180];
	v8 =	vadd.f32 v9, v8;
	vm0 =	vgt.f32 v57, v4  }
0x81: {  	v52 =	vld [tilespmem:$0x580];
	v4 =	vsel vm0, v57, v4  }
0x82: {  	v53 =	vld [tilespmem:$0x190];
	v10 =	vadd.f32 v11, v10;
	vm1 =	vgt.f32 v8, v4  }
0x83: {  	v55 =	vld [tilespmem:$0x590];
	v4 =	vsel vm1, v8, v4  }
0x84: {  	v56 =	vld [tilespmem:$0x1A0];
	v6 =	vadd.f32 v59, v58;
	vm2 =	vgt.f32 v10, v4  }
0x85: {  	v58 =	vld [tilespmem:$0x5A0];
	v4 =	vsel vm2, v10, v4  }
0x86: {  	v5 =	vadd.f32 v61, v60;
	v59 =	vld [tilespmem:$0x1B0];
	vm3 =	vgt.f32 v6, v4  }
0x87: {  	v61 =	vld [tilespmem:$0x5B0];
	v4 =	vsel vm3, v6, v4  }
0x88: {  	v7 =	vadd.f32 v1, v0;
	v1 =	vld [tilespmem:$0x390];
	v8 =	vadd.f32 v63, v62;
	vm4 =	vgt.f32 v5, v4  }
0x89: {  	v9 =	vld [tilespmem:$0x3B0];
	v4 =	vsel vm4, v5, v4  }
0x8a: {  	v11 =	vld [tilespmem:$0x3C0];
	vm5 =	vgt.f32 v8, v4  }
0x8b: {  	v62 =	vld [tilespmem:$0x1C0];
	v4 =	vsel vm5, v8, v4  }
0x8c: {  	v10 =	vld [tilespmem:$0x3A0];
	v6 =	vadd.f32 v12, v2;
	vm6 =	vgt.f32 v7, v4  }
0x8d: {  	v12 =	vld [tilespmem:$0x5C0];
	v4 =	vsel vm6, v7, v4  }
0x8e: {  	v2 =	vld [tilespmem:$0x790];
	v5 =	vadd.f32 v14, v13;
	vm7 =	vgt.f32 v6, v4  }
0x8f: {  	v13 =	vld [tilespmem:$0x1D0];
	v4 =	vsel vm7, v6, v4  }
0x90: {  	v8 =	vadd.f32 v16, v15;
	v15 =	vld [tilespmem:$0x5D0];
	vm8 =	vgt.f32 v5, v4  }
0x91: {  	v16 =	vld [tilespmem:$0x1E0];
	v4 =	vsel vm8, v5, v4  }
0x92: {  	v7 =	vadd.f32 v18, v17;
	v18 =	vld [tilespmem:$0x5E0];
	vm9 =	vgt.f32 v8, v4  }
0x93: {  	v6 =	vadd.f32 v20, v19;
	v19 =	vld [tilespmem:$0x1F0];
	v4 =	vsel vm9, v8, v4  }
0x94: {  	v5 =	vadd.f32 v22, v21;
	v21 =	vld [tilespmem:$0x5F0];
	vm10 =	vgt.f32 v7, v4  }
0x95: {  	v22 =	vld [tilespmem:$0x200];
	v4 =	vsel vm10, v7, v4  }
0x96: {  	v8 =	vadd.f32 v24, v23;
	v24 =	vld [tilespmem:$0x600];
	vm11 =	vgt.f32 v6, v4  }
0x97: {  	v0 =	vimm.s32 $0x0;
	v7 =	vadd.f32 v26, v25;
	v25 =	vld [tilespmem:$0x210];
	v4 =	vsel vm11, v6, v4  }
0x98: {  	v0 =	vsel vm11, $0xFFFFFFFF, v0;
	v6 =	vadd.f32 v28, v27;
	v27 =	vld [tilespmem:$0x610];
	vm11 =	vgt.f32 v5, v4  }
0x99: {  	v29 =	vimm.s32 $0x0;
	v28 =	vld [tilespmem:$0x220];
	v4 =	vsel vm11, v5, v4  }
0x9a: {  	[tilespmem:$0x1F900] =	vst v0;
	v0 =	vsel vm11, $0xFFFFFFFF, v29;
	v5 =	vadd.f32 v31, v30;
	v30 =	vld [tilespmem:$0x620];
	vm11 =	vgt.f32 v8, v4  }
0x9b: {  	v32 =	vimm.s32 $0x0;
	v31 =	vld [tilespmem:$0x230];
	v4 =	vsel vm11, v8, v4  }
0x9c: {  	[tilespmem:$0x1F910] =	vst v0;
	v0 =	vsel vm11, $0xFFFFFFFF, v32;
	v8 =	vadd.f32 v34, v33;
	v33 =	vld [tilespmem:$0x630];
	vm11 =	vgt.f32 v7, v4  }
0x9d: {  	v35 =	vimm.s32 $0x0;
	v38 =	vimm.s32 $0x0;
	v34 =	vld [tilespmem:$0x240];
	v4 =	vsel vm11, v7, v4  }
0x9e: {  	[tilespmem:$0x1F920] =	vst v0;
	v0 =	vsel vm11, $0xFFFFFFFF, v35;
	v7 =	vadd.f32 v37, v36;
	v36 =	vld [tilespmem:$0x640];
	vm11 =	vgt.f32 v6, v4  }
0x9f: {  	[tilespmem:$0x1F930] =	vst v0;
	v0 =	vsel vm11, $0xFFFFFFFF, v38;
	v4 =	vsel vm11, v6, v4;
	v38 =	vld [tilespmem:$0x250]  }
0xa0: {  	v6 =	vadd.f32 v40, v39;
	v40 =	vld [tilespmem:$0x650];
	vm11 =	vgt.f32 v5, v4  }
0xa1: {  	v42 =	vimm.s32 $0x0;
	v4 =	vsel vm11, v5, v4;
	v5 =	vadd.f32 v43, v41;
	v41 =	vld [tilespmem:$0x260]  }
0xa2: {  	[tilespmem:$0x1F940] =	vst v0;
	v0 =	vsel vm11, $0xFFFFFFFF, v42;
	v42 =	vld [tilespmem:$0x660]  }
0xa3: {  	v43 =	vld [tilespmem:$0x270];
	vm11 =	vgt.f32 v8, v4  }
0xa4: {  	v45 =	vimm.s32 $0x0;
	v4 =	vsel vm11, v8, v4;
	v8 =	vadd.f32 v46, v44;
	v44 =	vld [tilespmem:$0x670]  }
0xa5: {  	[tilespmem:$0x1F950] =	vst v0;
	v0 =	vsel vm11, $0xFFFFFFFF, v45;
	v45 =	vld [tilespmem:$0x280]  }
0xa6: {  	v46 =	vld [tilespmem:$0x680];
	vm11 =	vgt.f32 v7, v4  }
0xa7: {  	v48 =	vimm.s32 $0x0;
	v4 =	vsel vm11, v7, v4;
	v7 =	vadd.f32 v49, v47;
	v47 =	vld [tilespmem:$0x290]  }
0xa8: {  	[tilespmem:$0x1F960] =	vst v0;
	v0 =	vsel vm11, $0xFFFFFFFF, v48;
	v48 =	vld [tilespmem:$0x690]  }
0xa9: {  	v49 =	vld [tilespmem:$0x2A0];
	vm11 =	vgt.f32 v6, v4  }
0xaa: {  	v51 =	vimm.s32 $0x0;
	v4 =	vsel vm11, v6, v4;
	v6 =	vadd.f32 v52, v50;
	v50 =	vld [tilespmem:$0x1F900]  }
0xab: {  	[tilespmem:$0x1F970] =	vst v0;
	v0 =	vsel vm11, $0xFFFFFFFF, v51;
	v51 =	vld [tilespmem:$0x6A0]  }
0xac: {  	v52 =	vld [tilespmem:$0x1F910];
	vm11 =	vgt.f32 v5, v4  }
0xad: {  	v54 =	vimm.s32 $0x0;
	v4 =	vsel vm11, v5, v4;
	v5 =	vadd.f32 v55, v53;
	v53 =	vld [tilespmem:$0x2B0]  }
0xae: {  	[tilespmem:$0x1F980] =	vst v0;
	v0 =	vsel vm11, $0xFFFFFFFF, v54;
	v54 =	vld [tilespmem:$0x1F920]  }
0xaf: {  	v55 =	vld [tilespmem:$0x6B0];
	vm11 =	vgt.f32 v8, v4  }
0xb0: {  	v57 =	vimm.s32 $0x0;
	v4 =	vsel vm11, v8, v4;
	v8 =	vadd.f32 v58, v56;
	v56 =	vld [tilespmem:$0x1F930]  }
0xb1: {  	[tilespmem:$0x1F990] =	vst v0;
	v0 =	vsel vm11, $0xFFFFFFFF, v57;
	v57 =	vld [tilespmem:$0x2C0]  }
0xb2: {  	v58 =	vld [tilespmem:$0x1F940];
	vm11 =	vgt.f32 v7, v4  }
0xb3: {  	v60 =	vimm.s32 $0x0;
	v4 =	vsel vm11, v7, v4;
	v7 =	vadd.f32 v61, v59;
	v59 =	vld [tilespmem:$0x6C0]  }
0xb4: {  	[tilespmem:$0x1F9A0] =	vst v0;
	v0 =	vsel vm11, $0xFFFFFFFF, v60;
	v60 =	vld [tilespmem:$0x1F950]  }
0xb5: {  	v61 =	vld [tilespmem:$0x2D0];
	vm11 =	vgt.f32 v6, v4  }
0xb6: {  	v63 =	vimm.s32 $0x0;
	v4 =	vsel vm11, v6, v4;
	v6 =	vadd.f32 v12, v62;
	v62 =	vld [tilespmem:$0x1F960]  }
0xb7: {  	v14 =	vimm.s32 $0x0;
	[tilespmem:$0x1F9B0] =	vst v0;
	v0 =	vsel vm11, $0xFFFFFFFF, v63;
	v63 =	vld [tilespmem:$0x6D0];
	vm11 =	vgt.f32 v5, v4  }
0xb8: {  	[tilespmem:$0x1F9C0] =	vst v0;
	v0 =	vsel vm11, $0xFFFFFFFF, v14;
	v14 =	vld [tilespmem:$0x1FBC0]  }
0xb9: {  	v4 =	vsel vm11, v5, v4;
	v5 =	vadd.f32 v15, v13;
	v15 =	vld [tilespmem:$0x1FBD0]  }
0xba: {  	v13 =	vld [tilespmem:$0x1FEE0];
	vm11 =	vgt.f32 v8, v4  }
0xbb: {  	v17 =	vimm.s32 $0x0;
	v4 =	vsel vm11, v8, v4;
	v8 =	vadd.f32 v18, v16;
	v16 =	vld [tilespmem:$0x1FBE0]  }
0xbc: {  	[tilespmem:$0x1F9D0] =	vst v0;
	v0 =	vsel vm11, $0xFFFFFFFF, v17;
	v17 =	vld [tilespmem:$0x1FBF0]  }
0xbd: {  	v18 =	vld [tilespmem:$0x1FC00];
	vm11 =	vgt.f32 v7, v4  }
0xbe: {  	v20 =	vimm.s32 $0x0;
	v4 =	vsel vm11, v7, v4;
	v7 =	vadd.f32 v21, v19;
	v19 =	vld [tilespmem:$0x1FC10]  }
0xbf: {  	[tilespmem:$0x1F9E0] =	vst v0;
	v0 =	vsel vm11, $0xFFFFFFFF, v20;
	v20 =	vld [tilespmem:$0x1FC20]  }
0xc0: {  	v37 =	vlaneseq.u32;
	v21 =	vld [tilespmem:$0x1FC30]  }
0xc1: {  	vm11 =	vgt.f32 v6, v4;
	v12 =	vsel vm0, v14, v37;
	v37 =	vld [tilespmem:$0x1FD30]  }
0xc2: {  	v23 =	vimm.s32 $0x0;
	v4 =	vsel vm11, v6, v4;
	v6 =	vadd.f32 v24, v22;
	v22 =	vld [tilespmem:$0x1FC40]  }
0xc3: {  	[tilespmem:$0x1F9F0] =	vst v0;
	v0 =	vsel vm11, $0xFFFFFFFF, v23;
	v23 =	vld [tilespmem:$0x1FC50]  }
0xc4: {  	v26 =	vimm.s32 $0x0;
	v24 =	vld [tilespmem:$0x1FC60];
	vm11 =	vgt.f32 v5, v4  }
0xc5: {  	v12 =	vsel vm1, v15, v12;
	v4 =	vsel vm11, v5, v4;
	v5 =	vadd.f32 v27, v25;
	v25 =	vld [tilespmem:$0x1FC70]  }
0xc6: {  	[tilespmem:$0x1FA00] =	vst v0;
	v12 =	vsel vm2, v16, v12;
	v0 =	vsel vm11, $0xFFFFFFFF, v26;
	v26 =	vld [tilespmem:$0x1FC80]  }
0xc7: {  	v12 =	vsel vm3, v17, v12;
	v27 =	vld [tilespmem:$0x1FC90]  }
0xc8: {  	vm11 =	vgt.f32 v8, v4;
	v12 =	vsel vm4, v18, v12;
	vm4 =	vnez.u8 v58;
	v58 =	vld [tilespmem:$0x1FA00]  }
0xc9: {  	v29 =	vimm.s32 $0x0;
	v4 =	vsel vm11, v8, v4;
	v8 =	vadd.f32 v30, v28;
	v28 =	vld [tilespmem:$0x1FCA0]  }
0xca: {  	[tilespmem:$0x1FA10] =	vst v0;
	v0 =	vsel vm11, $0xFFFFFFFF, v29;
	v29 =	vld [tilespmem:$0x1FCB0]  }
0xcb: {  	v30 =	vld [tilespmem:$0x1FCC0]  }
0xcc: {  	v12 =	vsel vm5, v19, v12;
	vm5 =	vnez.u8 v60;
	v60 =	vld [tilespmem:$0x1FA10]  }
0xcd: {  	vm11 =	vgt.f32 v7, v4;
	v12 =	vsel vm6, v20, v12;
	vm6 =	vnez.u8 v50;
	v50 =	vld [tilespmem:$0x1F9C0]  }
0xce: {  	v32 =	vimm.s32 $0x0;
	v4 =	vsel vm11, v7, v4;
	v7 =	vadd.f32 v33, v31;
	v31 =	vld [tilespmem:$0x1FCD0]  }
0xcf: {  	[tilespmem:$0x1FA20] =	vst v0;
	v0 =	vsel vm11, $0xFFFFFFFF, v32;
	v32 =	vld [tilespmem:$0x1FCE0]  }
0xd0: {  	v33 =	vld [tilespmem:$0x1FCF0]  }
0xd1: {  	v12 =	vsel vm7, v21, v12;
	vm7 =	vnez.u8 v52;
	v52 =	vld [tilespmem:$0x1F9D0]  }
0xd2: {  	vm11 =	vgt.f32 v6, v4;
	v12 =	vsel vm8, v22, v12;
	vm8 =	vnez.u8 v54;
	v54 =	vld [tilespmem:$0x1F9E0]  }
0xd3: {  	v35 =	vimm.s32 $0x0;
	v4 =	vsel vm11, v6, v4;
	v6 =	vadd.f32 v36, v34;
	v34 =	vld [tilespmem:$0x1FD00]  }
0xd4: {  	[tilespmem:$0x1FA30] =	vst v0;
	v0 =	vsel vm11, $0xFFFFFFFF, v35;
	v35 =	vld [tilespmem:$0x1FD10]  }
0xd5: {  	v36 =	vld [tilespmem:$0x1FD20];
	vm15 =	vgt.f32 v5, v4  }
0xd6: {  	v4 =	vsel vm15, v5, v4;
	v5 =	vadd.f32 v40, v38;
	v40 =	vld [tilespmem:$0x1F970]  }
0xd7: {  	v39 =	vimm.s32 $0x0;
	v38 =	vld [tilespmem:$0x1FD40]  }
0xd8: {  	v12 =	vsel vm9, v23, v12;
	[tilespmem:$0x1FA40] =	vst v0;
	v0 =	vsel vm15, $0xFFFFFFFF, v39;
	v39 =	vld [tilespmem:$0x1FD50]  }
0xd9: {  	v12 =	vsel vm10, v24, v12;
	vm15 =	vnez.u8 v56;
	v56 =	vld [tilespmem:$0x1F9F0]  }
0xda: {  	v12 =	vsel vm6, v25, v12;
	vm6 =	vnez.u8 v62;
	v62 =	vld [tilespmem:$0x1FA20]  }
0xdb: {  	[tilespmem:$0x1FA50] =	vst v0;
	vm14 =	vgt.f32 v8, v4;
	v0 =	vld [tilespmem:$0x780]  }
0xdc: {  	v4 =	vsel vm14, v8, v4;
	v8 =	vadd.f32 v42, v41;
	v41 =	vld [tilespmem:$0x2E0]  }
0xdd: {  	v42 =	vld [tilespmem:$0x1F980];
	vm13 =	vgt.f32 v7, v4  }
0xde: {  	v12 =	vsel vm7, v26, v12;
	v4 =	vsel vm13, v7, v4;
	v7 =	vadd.f32 v44, v43;
	v43 =	vld [tilespmem:$0x6E0]  }
0xdf: {  	v12 =	vsel vm8, v27, v12;
	v44 =	vld [tilespmem:$0x1F990]  }
0xe0: {  	v12 =	vsel vm15, v28, v12;
	vm12 =	vgt.f32 v6, v4;
	vm15 =	vnez.u8 v40;
	v40 =	vld [tilespmem:$0x1FD60]  }
0xe1: {  	v4 =	vsel vm12, v6, v4;
	v6 =	vadd.f32 v46, v45;
	v45 =	vld [tilespmem:$0x2F0]  }
0xe2: {  	v46 =	vld [tilespmem:$0x1F9A0]  }
0xe3: {  	v12 =	vsel vm4, v29, v12;
	vm11 =	vgt.f32 v5, v4;
	vm4 =	vnez.u8 v42;
	v42 =	vld [tilespmem:$0x1FD80]  }
0xe4: {  	v4 =	vsel vm11, v5, v4;
	v5 =	vadd.f32 v48, v47;
	v47 =	vld [tilespmem:$0x6F0]  }
0xe5: {  	v48 =	vld [tilespmem:$0x1F9B0]  }
0xe6: {  	v12 =	vsel vm5, v30, v12;
	vm10 =	vgt.f32 v8, v4;
	vm5 =	vnez.u8 v44;
	v44 =	vld [tilespmem:$0x1FDA0]  }
0xe7: {  	v4 =	vsel vm10, v8, v4;
	v8 =	vadd.f32 v51, v49;
	v49 =	vld [tilespmem:$0x300]  }
0xe8: {  	v12 =	vsel vm6, v31, v12;
	v51 =	vld [tilespmem:$0x700]  }
0xe9: {  	v12 =	vsel vm15, v32, v12;
	vm9 =	vgt.f32 v7, v4;
	vm15 =	vnez.u8 v46;
	v46 =	vld [tilespmem:$0x1FDC0]  }
0xea: {  	v12 =	vsel vm4, v33, v12;
	v4 =	vsel vm9, v7, v4;
	v7 =	vadd.f32 v55, v53;
	v53 =	vld [tilespmem:$0x310]  }
0xeb: {  	v12 =	vsel vm5, v34, v12;
	v55 =	vld [tilespmem:$0x710]  }
0xec: {  	v12 =	vsel vm15, v35, v12;
	vm15 =	vnez.u8 v50;
	v50 =	vld [tilespmem:$0x1FE00]  }
0xed: {  	vm8 =	vgt.f32 v6, v4;
	vm4 =	vnez.u8 v48;
	v48 =	vld [tilespmem:$0x1FDE0]  }
0xee: {  	v4 =	vsel vm8, v6, v4;
	v6 =	vadd.f32 v59, v57;
	v57 =	vld [tilespmem:$0x320]  }
0xef: {  	v12 =	vsel vm4, v36, v12;
	v59 =	vld [tilespmem:$0x720]  }
0xf0: {  	vm7 =	vgt.f32 v5, v4;
	v12 =	vsel vm15, v37, v12;
	vm15 =	vnez.u8 v52;
	v52 =	vld [tilespmem:$0x1FA30]  }
0xf1: {  	v4 =	vsel vm7, v5, v4;
	v5 =	vadd.f32 v63, v61;
	v61 =	vld [tilespmem:$0x330]  }
0xf2: {  	v63 =	vld [tilespmem:$0x730]  }
0xf3: {  	v12 =	vsel vm15, v38, v12;
	vm15 =	vnez.u8 v54;
	v54 =	vld [tilespmem:$0x1FA40]  }
0xf4: {  	vm6 =	vgt.f32 v8, v4;
	v12 =	vsel vm15, v39, v12;
	vm15 =	vnez.u8 v56;
	v56 =	vld [tilespmem:$0x1FA50]  }
0xf5: {  	v4 =	vsel vm6, v8, v4;
	v8 =	vadd.f32 v43, v41;
	v41 =	vld [tilespmem:$0x1FD70]  }
0xf6: {  	v43 =	vld [tilespmem:$0x1FD90]  }
0xf7: {  	v12 =	vsel vm15, v40, v12;
	vm15 =	vnez.u8 v58;
	v58 =	vld [tilespmem:$0x750];
	vm5 =	vgt.f32 v7, v4  }
0xf8: {  	v4 =	vsel vm5, v7, v4;
	v7 =	vadd.f32 v47, v45;
	v45 =	vld [tilespmem:$0x1FDB0]  }
0xf9: {  	v47 =	vld [tilespmem:$0x1FDD0];
	vm4 =	vgt.f32 v6, v4  }
0xfa: {  	v4 =	vsel vm4, v6, v4;
	v6 =	vadd.f32 v51, v49;
	v49 =	vld [tilespmem:$0x1FDF0]  }
0xfb: {  	v51 =	vld [tilespmem:$0x1FE10]  }
0xfc: {  	vm3 =	vgt.f32 v5, v4;
	v12 =	vsel vm15, v41, v12;
	vm15 =	vnez.u8 v60;
	v60 =	vld [tilespmem:$0x760]  }
0xfd: {  	v4 =	vsel vm3, v5, v4;
	v5 =	vadd.f32 v55, v53;
	v53 =	vld [tilespmem:$0x340]  }
0xfe: {  	v12 =	vsel vm15, v42, v12;
	vm15 =	vnez.u8 v62;
	v55 =	vld [tilespmem:$0x740];
	vm2 =	vgt.f32 v8, v4  }
0xff: {  	v62 =	vld [tilespmem:$0x770];
	v12 =	vsel vm15, v43, v12;
	vm15 =	vnez.u8 v52;
	v4 =	vsel vm2, v8, v4  }
0x100: {  	v52 =	vld [tilespmem:$0x1FE20];
	v12 =	vsel vm15, v44, v12;
	vm1 =	vgt.f32 v7, v4  }
0x101: {  	vm15 =	vnez.u8 v54;
	v8 =	vadd.f32 v59, v57;
	v57 =	vld [tilespmem:$0x350];
	v4 =	vsel vm1, v7, v4  }
0x102: {  	v59 =	vld [tilespmem:$0x360];
	v12 =	vsel vm15, v45, v12;
	vm15 =	vnez.u8 v56;
	vm0 =	vgt.f32 v6, v4  }
0x103: {  	v54 =	vld [tilespmem:$0x1FE40];
	v12 =	vsel vm15, v46, v12;
	v4 =	vsel vm0, v6, v4  }
0x104: {  	v56 =	vld [tilespmem:$0x1FE60];
	v12 =	vsel vm14, v47, v12;
	vm15 =	vgt.f32 v5, v4  }
0x105: {  	v12 =	vsel vm13, v48, v12;
	v6 =	vadd.f32 v55, v53;
	v53 =	vld [tilespmem:$0x1FE30];
	v4 =	vsel vm15, v5, v4  }
0x106: {  	v7 =	vadd.f32 v63, v61;
	v63 =	vld [tilespmem:$0x380];
	v12 =	vsel vm12, v49, v12;
	vm13 =	vgt.f32 v8, v4  }
0x107: {  	v55 =	vld [tilespmem:$0x1FE50];
	v12 =	vsel vm11, v50, v12;
	v4 =	vsel vm13, v8, v4  }
0x108: {  	v61 =	vld [tilespmem:$0x370];
	v12 =	vsel vm10, v51, v12;
	vm11 =	vgt.f32 v7, v4  }
0x109: {  	v5 =	vadd.f32 v58, v57;
	v57 =	vld [tilespmem:$0x1FE70];
	v12 =	vsel vm9, v52, v12;
	v4 =	vsel vm11, v7, v4  }
0x10a: {  	v58 =	vld [tilespmem:$0x1FE80];
	v12 =	vsel vm8, v53, v12;
	vm9 =	vgt.f32 v6, v4  }
0x10b: {  	v8 =	vadd.f32 v60, v59;
	v60 =	vld [tilespmem:$0x1FE90];
	v12 =	vsel vm7, v54, v12;
	v4 =	vsel vm9, v6, v4  }
0x10c: {  	v12 =	vsel vm6, v55, v12;
	v6 =	vadd.f32 v0, v63;
	v63 =	vld [tilespmem:$0x1FEA0];
	vm7 =	vgt.f32 v5, v4  }
0x10d: {  	v59 =	vld [tilespmem:$0x1FEB0];
	v12 =	vsel vm5, v56, v12;
	v4 =	vsel vm7, v5, v4  }
0x10e: {  	v7 =	vadd.f32 v62, v61;
	v61 =	vld [tilespmem:$0x1FEC0];
	v12 =	vsel vm4, v57, v12;
	vm5 =	vgt.f32 v8, v4  }
0x10f: {  	v12 =	vsel vm3, v58, v12;
	v4 =	vsel vm5, v8, v4;
	v8 =	vld [tilespmem:$0x7A0]  }
0x110: {  	v62 =	vld [tilespmem:$0x1FED0];
	v12 =	vsel vm2, v60, v12;
	vm10 =	vgt.f32 v7, v4  }
0x111: {  	v12 =	vsel vm1, v63, v12;
	v4 =	vsel vm10, v7, v4;
	v7 =	vld [tilespmem:$0x7B0]  }
0x112: {  	v5 =	vadd.f32 v2, v1;
	v12 =	vsel vm0, v59, v12;
	v59 =	vld [tilespmem:$0x1FEF0];
	vm12 =	vgt.f32 v6, v4  }
0x113: {  	v4 =	vsel vm12, v6, v4;
	v6 =	vld [tilespmem:$0x7C0]  }
0x114: {  	vm14 =	vgt.f32 v5, v4;
	v8 =	vadd.f32 v8, v10;
	v10 =	vld [tilespmem:$0x3D0]  }
0x115: {  	v4 =	vsel vm14, v5, v4;
	v5 =	vld [tilespmem:$0x7D0]  }
0x116: {  	v12 =	vsel vm15, v61, v12;
	vm15 =	vgt.f32 v8, v4;
	v7 =	vadd.f32 v7, v9  }
0x117: {  	v61 =	vld [tilespmem:$0x1FF00];
	v4 =	vsel vm15, v8, v4  }
0x118: {  	v12 =	vsel vm13, v62, v12;
	v62 =	vld [tilespmem:$0x1FF10];
	vm8 =	vgt.f32 v7, v4;
	v6 =	vadd.f32 v6, v11  }
0x119: {  	v0 =	vld [tilespmem:$0x1FF20];
	v12 =	vsel vm11, v13, v12;
	v4 =	vsel vm8, v7, v4  }
0x11a: {  	v12 =	vsel vm9, v59, v12;
	vm9 =	vgt.f32 v6, v4;
	v5 =	vadd.f32 v5, v10;
	v10 =	vld [tilespmem:$0x1FF30]  }
0x11b: {  	v4 =	vsel vm9, v6, v4;
	v6 =	vld [tilespmem:$0x1FF40]  }
0x11c: {  	v12 =	vsel vm7, v61, v12  }
0x11d: {  	v9 =	vld [tilespmem:$0x3E0];
	v12 =	vsel vm5, v62, v12  }
0x11e: {  	v8 =	vld [tilespmem:$0x7E0];
	v12 =	vsel vm10, v0, v12  }
0x11f: {  	v11 =	vld [tilespmem:$0x3F0];
	v12 =	vsel vm12, v10, v12  }
0x120: {  	v6 =	vsel vm14, v6, v12;
	v12 =	vld [tilespmem:$0x1FF50]  }
0x121: {  	v7 =	vld [tilespmem:$0x7F0];
	_ =	sdelay $0x1  }
0x122: {  	v8 =	vadd.f32 v8, v9;
	v9 =	vld [tilespmem:$0x1FF70]  }
0x123: {  	v0 =	vld [tilespmem:$0x1FF60];
	vm10 =	vgt.f32 v5, v4  }
0x124: {  	v4 =	vsel vm10, v5, v4;
	v6 =	vsel vm15, v12, v6;
	v12 =	vld [tilespmem:$0x1FFC0]  }
0x125: {  	vm11 =	vgt.f32 v8, v4;
	v11 =	vadd.f32 v7, v11;
	v7 =	vld [tilespmem:$0x1FFD0]  }
0x126: {  	v4 =	vsel vm11, v8, v4;
	v8 =	vld [tilespmem:$0x1FFE0]  }
0x127: {  	v10 =	vsel vm8, v9, v6;
	v9 =	vld [tilespmem:$0x1FFF0];
	_ =	sdelay $0x1  }
0x128: {  	v5 =	vsel vm9, v12, v10  }
0x129: {  	vm12 =	vgt.f32 v11, v4;
	v5 =	vsel vm10, v7, v5  }
0x12a: {  	v4 =	vsel vm12, v11, v4;
	v5 =	vsel vm11, v8, v5  }
0x12b: {  	[tilespmem:$0x800] =	vst v4;
	v5 =	vsel vm12, v9, v5  }
0x12c: {  	[tilespmem:$0x880] =	vst v5  }
0x12d: {  	v10 =	vld.idx.msk [tilespmem:v0+s15+$0x0], $0xffff  }
0x12e: {  	v11 =	vld.idx.msk [tilespmem:v0+s16+$0x0], $0xffff;
	_ =	sdelay $0x2  }
0x12f: {  	v1 =	vld [tilespmem:$0x1FF80];
	_ =	sdelay $0x1  }
0x130: {  	vm13 =	veq.f32 v10, v4;
	vm14 =	vlt.s32 v11, v5  }
0x131: {  	vm15 =	vgt.f32 v10, v4;
	vm0 =	vmand vm13, vm14  }
0x132: {  	vm0 =	vmor vm15, vm0  }
0x133: {  	v4 =	vsel vm0, v10, v4  }
0x134: {  	v5 =	vsel vm0, v11, v5;
	[tilespmem:$0x800] =	vst v4  }
0x135: {  	[tilespmem:$0x880] =	vst v5  }
0x136: {  	v12 =	vld.idx.msk [tilespmem:v1+s15+$0x0], $0xffff  }
0x137: {  	v2 =	vld.idx.msk [tilespmem:v1+s16+$0x0], $0xffff;
	_ =	sdelay $0x4  }
0x138: {  	vm4 =	veq.f32 v12, v4;
	vm5 =	vlt.s32 v2, v5  }
0x139: {  	vm6 =	vgt.f32 v12, v4;
	vm0 =	vmand vm4, vm5  }
0x13a: {  	vm0 =	vmor vm6, vm0  }
0x13b: {  	v5 =	vsel vm0, v2, v5;
	v2 =	vld [tilespmem:$0x1FF90];
	_ =	sdelay $0x4  }
0x13c: {  	v4 =	vsel vm0, v12, v4  }
0x13d: {  	[tilespmem:$0x800] =	vst v4  }
0x13e: {  	[tilespmem:$0x880] =	vst v5  }
0x13f: {  	v9 =	vld.idx.msk [tilespmem:v2+s15+$0x0], $0xffff  }
0x140: {  	v10 =	vld.idx.msk [tilespmem:v2+s16+$0x0], $0xffff;
	_ =	sdelay $0x2  }
0x141: {  	v3 =	vld [tilespmem:$0x1FFA0];
	_ =	sdelay $0x1  }
0x142: {  	vm7 =	veq.f32 v9, v4;
	vm8 =	vlt.s32 v10, v5  }
0x143: {  	vm9 =	vgt.f32 v9, v4;
	vm0 =	vmand vm7, vm8  }
0x144: {  	vm0 =	vmor vm9, vm0  }
0x145: {  	v4 =	vsel vm0, v9, v4  }
0x146: {  	v5 =	vsel vm0, v10, v5;
	[tilespmem:$0x800] =	vst v4  }
0x147: {  	[tilespmem:$0x880] =	vst v5  }
0x148: {  	v11 =	vld.idx.msk [tilespmem:v3+s15+$0x0], $0xffff  }
0x149: {  	v12 =	vld.idx.msk [tilespmem:v3+s16+$0x0], $0xffff;
	_ =	sdelay $0x4  }
0x14a: {  	vm10 =	veq.f32 v11, v4;
	vm11 =	vlt.s32 v12, v5  }
0x14b: {  	vm12 =	vgt.f32 v11, v4;
	v11 =	vld [tilespmem:$0x1FFB0];
	vm0 =	vmand vm10, vm11  }
0x14c: {  	vm0 =	vmor vm12, vm0  }
0x14d: {  	v9 =	vsel vm0, v12, v5;
	_ =	sdelay $0x1  }
0x14e: {  	vm13 =	vcmask $0x3F08;
	v5 =	vshra.s32 v9, $0x5  }
0x14f: {  	v10 =	vand.u32 $0x1F, v9;
	v5 =	vsel vm13, $0x0, v5;
	vm14 =	vnez.u8 v11  }
0x150: {  	v5 =	vsel vm14, v10, v5  }
0x151: {  	v4 =	vld.idx.msk [tilespmem:v9+s1+$0x0], $0xffff;
	[tilespmem:$0x900] =	vst v5  }
0x152: {  	[hbm4b:s5+s1] =	stream.linear.scatter [tilespmem:s17], [sflag:$0x2], $0x80, $0x38;
	[tilespmem:$0x980] =	vst v63  }
0x153: {  	_ =	swait.ge [sflag:s18], $0x80  }
0x154: {  	[sflag:s18] =	ssyncset.done $0x0  }
0x155: {  	[sflag:s18] =	ssyncadd.s32 $0xFFFFFF80  }
0x156: {  	[tilespmem:$0x800] =	vst v4  }
0x157: {  	[hbm4b:s6+s1] =	stream.linear.scatter [tilespmem:s15], [sflag:$0x2], $0x80, $0x38;
	[tilespmem:$0x980] =	vst v63  }
0x158: {  	_ =	swait.ge [sflag:s18], $0x80  }
0x159: {  	[sflag:s18] =	ssyncset.done $0x0  }
0x15a: {  	[sflag:s18] =	ssyncadd.s32 $0xFFFFFF80  }
0x15b: {  	[tilespmem:s1], [sflag:$0x1] =	stream.strided.gather [hbm4b:s7+s12], $0x400, s13, s12, $0x38;
	[tilespmem:$0x980] =	vst v63  }
0x15c: {  	_ =	swait.ge [sflag:s14], $0x400  }
0x15d: {  	[sflag:s14] =	ssyncset.done $0x0  }
0x15e: {  	[sflag:s14] =	ssyncadd.s32 $0xFFFFFC00  }
0x15f: {  	[tilespmem:s13], [sflag:$0x1] =	stream.strided.gather [hbm4b:s8+s12], $0x400, s13, s12, $0x38;
	[tilespmem:$0x980] =	vst v63  }
0x160: {  	_ =	swait.ge [sflag:s14], $0x400  }
0x161: {  	[sflag:s14] =	ssyncset.done $0x0  }
0x162: {  	[sflag:s14] =	ssyncadd.s32 $0xFFFFFC00  }
0x163: {  	v4 =	vld [tilespmem:$0x0]  }
0x164: {  	v5 =	vld [tilespmem:$0x400]  }
0x165: {  	v6 =	vld [tilespmem:$0x10]  }
0x166: {  	v12 =	vld [tilespmem:$0x410]  }
0x167: {  	v8 =	vld [tilespmem:$0x20]  }
0x168: {  	v9 =	vld [tilespmem:$0x420]  }
0x169: {  	v10 =	vld [tilespmem:$0x30]  }
0x16a: {  	v11 =	vld [tilespmem:$0x430]  }
0x16b: {  	v7 =	vld [tilespmem:$0x440];
	v4 =	vadd.f32 v5, v4;
	v12 =	vadd.f32 v12, v6  }
0x16c: {  	v6 =	vld [tilespmem:$0x40]  }
0x16d: {  	v8 =	vadd.f32 v9, v8;
	v9 =	vld [tilespmem:$0x50];
	vm15 =	vgt.f32 v12, v4  }
0x16e: {  	v5 =	vld [tilespmem:$0x450];
	v4 =	vsel vm15, v12, v4  }
0x16f: {  	v10 =	vadd.f32 v11, v10;
	v11 =	vld [tilespmem:$0x60];
	vm12 =	vgt.f32 v8, v4  }
0x170: {  	v12 =	vld [tilespmem:$0x460];
	v4 =	vsel vm12, v8, v4  }
0x171: {  	v6 =	vadd.f32 v7, v6;
	v7 =	vld [tilespmem:$0x70];
	vm13 =	vgt.f32 v10, v4  }
0x172: {  	v4 =	vsel vm13, v10, v4;
	v10 =	vld [tilespmem:$0x470]  }
0x173: {  	v5 =	vadd.f32 v5, v9;
	v9 =	vld [tilespmem:$0x80];
	vm3 =	vgt.f32 v6, v4  }
0x174: {  	v4 =	vsel vm3, v6, v4;
	v6 =	vld [tilespmem:$0x480]  }
0x175: {  	v8 =	vadd.f32 v12, v11;
	v11 =	vld [tilespmem:$0x90];
	vm4 =	vgt.f32 v5, v4  }
0x176: {  	v12 =	vld [tilespmem:$0x490];
	v4 =	vsel vm4, v5, v4  }
0x177: {  	vm5 =	vgt.f32 v8, v4;
	v7 =	vadd.f32 v10, v7;
	v10 =	vld [tilespmem:$0xA0]  }
0x178: {  	v4 =	vsel vm5, v8, v4;
	v8 =	vld [tilespmem:$0x4A0]  }
0x179: {  	vm6 =	vgt.f32 v7, v4;
	v6 =	vadd.f32 v6, v9;
	v9 =	vld [tilespmem:$0xB0]  }
0x17a: {  	v4 =	vsel vm6, v7, v4;
	v7 =	vld [tilespmem:$0x4B0]  }
0x17b: {  	v5 =	vadd.f32 v12, v11;
	v11 =	vld [tilespmem:$0xC0];
	vm7 =	vgt.f32 v6, v4  }
0x17c: {  	v12 =	vld [tilespmem:$0x4C0];
	v4 =	vsel vm7, v6, v4  }
0x17d: {  	vm8 =	vgt.f32 v5, v4;
	v8 =	vadd.f32 v8, v10;
	v10 =	vld [tilespmem:$0xD0]  }
0x17e: {  	v4 =	vsel vm8, v5, v4;
	v5 =	vld [tilespmem:$0x4D0]  }
0x17f: {  	vm9 =	vgt.f32 v8, v4;
	v7 =	vadd.f32 v7, v9;
	v9 =	vld [tilespmem:$0xE0]  }
0x180: {  	v4 =	vsel vm9, v8, v4;
	v8 =	vld [tilespmem:$0x4E0]  }
0x181: {  	v6 =	vadd.f32 v12, v11;
	v11 =	vld [tilespmem:$0xF0];
	vm10 =	vgt.f32 v7, v4  }
0x182: {  	v4 =	vsel vm10, v7, v4;
	v7 =	vld [tilespmem:$0x4F0]  }
0x183: {  	v12 =	vimm.s32 $0x0;
	vm14 =	vgt.f32 v6, v4;
	v5 =	vadd.f32 v5, v10;
	v10 =	vld [tilespmem:$0x100]  }
0x184: {  	v12 =	vsel vm14, $0xFFFFFFFF, v12;
	v4 =	vsel vm14, v6, v4;
	v6 =	vld [tilespmem:$0x500]  }
0x185: {  	[tilespmem:$0x1FA60] =	vst v12;
	vm11 =	vgt.f32 v5, v4;
	v12 =	vimm.s32 $0x0;
	v8 =	vadd.f32 v8, v9;
	v9 =	vld [tilespmem:$0x110]  }
0x186: {  	v12 =	vsel vm11, $0xFFFFFFFF, v12;
	v4 =	vsel vm11, v5, v4;
	v5 =	vld [tilespmem:$0x510]  }
0x187: {  	[tilespmem:$0x1FA70] =	vst v12;
	vm11 =	vgt.f32 v8, v4;
	v12 =	vimm.s32 $0x0;
	v7 =	vadd.f32 v7, v11;
	v11 =	vld [tilespmem:$0x120]  }
0x188: {  	v12 =	vsel vm11, $0xFFFFFFFF, v12;
	v4 =	vsel vm11, v8, v4;
	v8 =	vld [tilespmem:$0x520]  }
0x189: {  	[tilespmem:$0x1FA80] =	vst v12;
	vm11 =	vgt.f32 v7, v4;
	v12 =	vimm.s32 $0x0;
	v6 =	vadd.f32 v6, v10;
	v10 =	vld [tilespmem:$0x130]  }
0x18a: {  	v12 =	vsel vm11, $0xFFFFFFFF, v12;
	v4 =	vsel vm11, v7, v4;
	v7 =	vld [tilespmem:$0x530]  }
0x18b: {  	[tilespmem:$0x1FA90] =	vst v12;
	vm11 =	vgt.f32 v6, v4;
	v12 =	vimm.s32 $0x0;
	v5 =	vadd.f32 v5, v9;
	v9 =	vld [tilespmem:$0x140]  }
0x18c: {  	v12 =	vsel vm11, $0xFFFFFFFF, v12;
	v4 =	vsel vm11, v6, v4;
	v6 =	vld [tilespmem:$0x540]  }
0x18d: {  	[tilespmem:$0x1FAA0] =	vst v12;
	v8 =	vadd.f32 v8, v11;
	v11 =	vld [tilespmem:$0x150];
	vm11 =	vgt.f32 v5, v4;
	v12 =	vimm.s32 $0x0  }
0x18e: {  	v12 =	vsel vm11, $0xFFFFFFFF, v12;
	v4 =	vsel vm11, v5, v4;
	v5 =	vld [tilespmem:$0x550]  }
0x18f: {  	[tilespmem:$0x1FAB0] =	vst v12;
	v7 =	vadd.f32 v7, v10;
	v10 =	vld [tilespmem:$0x160];
	vm11 =	vgt.f32 v8, v4;
	v12 =	vimm.s32 $0x0  }
0x190: {  	v12 =	vsel vm11, $0xFFFFFFFF, v12;
	v4 =	vsel vm11, v8, v4;
	v8 =	vld [tilespmem:$0x560]  }
0x191: {  	[tilespmem:$0x1FAC0] =	vst v12;
	v6 =	vadd.f32 v6, v9;
	v9 =	vld [tilespmem:$0x170];
	vm11 =	vgt.f32 v7, v4;
	v12 =	vimm.s32 $0x0  }
0x192: {  	v12 =	vsel vm11, $0xFFFFFFFF, v12;
	v4 =	vsel vm11, v7, v4;
	v7 =	vld [tilespmem:$0x570]  }
0x193: {  	[tilespmem:$0x1FAD0] =	vst v12;
	v5 =	vadd.f32 v5, v11;
	v11 =	vld [tilespmem:$0x180];
	vm11 =	vgt.f32 v6, v4;
	v12 =	vimm.s32 $0x0  }
0x194: {  	v12 =	vsel vm11, $0xFFFFFFFF, v12;
	v4 =	vsel vm11, v6, v4;
	v6 =	vld [tilespmem:$0x580]  }
0x195: {  	[tilespmem:$0x1FAE0] =	vst v12;
	v8 =	vadd.f32 v8, v10;
	v10 =	vld [tilespmem:$0x190];
	vm11 =	vgt.f32 v5, v4;
	v12 =	vimm.s32 $0x0  }
0x196: {  	v12 =	vsel vm11, $0xFFFFFFFF, v12;
	v4 =	vsel vm11, v5, v4;
	v5 =	vld [tilespmem:$0x590]  }
0x197: {  	[tilespmem:$0x1FAF0] =	vst v12;
	v7 =	vadd.f32 v7, v9;
	v9 =	vld [tilespmem:$0x1A0];
	vm11 =	vgt.f32 v8, v4;
	v12 =	vimm.s32 $0x0  }
0x198: {  	v12 =	vsel vm11, $0xFFFFFFFF, v12;
	v4 =	vsel vm11, v8, v4;
	v8 =	vld [tilespmem:$0x5A0]  }
0x199: {  	[tilespmem:$0x1FB00] =	vst v12;
	v6 =	vadd.f32 v6, v11;
	v11 =	vld [tilespmem:$0x1B0];
	vm11 =	vgt.f32 v7, v4;
	v12 =	vimm.s32 $0x0  }
0x19a: {  	v12 =	vsel vm11, $0xFFFFFFFF, v12;
	v4 =	vsel vm11, v7, v4;
	v7 =	vld [tilespmem:$0x5B0]  }
0x19b: {  	[tilespmem:$0x1FB10] =	vst v12;
	v5 =	vadd.f32 v5, v10;
	v10 =	vld [tilespmem:$0x1C0];
	vm11 =	vgt.f32 v6, v4;
	v12 =	vimm.s32 $0x0  }
0x19c: {  	v12 =	vsel vm11, $0xFFFFFFFF, v12;
	v4 =	vsel vm11, v6, v4;
	v6 =	vld [tilespmem:$0x5C0]  }
0x19d: {  	[tilespmem:$0x1FB20] =	vst v12;
	v8 =	vadd.f32 v8, v9;
	v9 =	vld [tilespmem:$0x1D0];
	vm11 =	vgt.f32 v5, v4;
	v12 =	vimm.s32 $0x0  }
0x19e: {  	v12 =	vsel vm11, $0xFFFFFFFF, v12;
	v4 =	vsel vm11, v5, v4;
	v5 =	vld [tilespmem:$0x5D0]  }
0x19f: {  	[tilespmem:$0x1FB30] =	vst v12;
	v7 =	vadd.f32 v7, v11;
	v11 =	vld [tilespmem:$0x1E0];
	vm11 =	vgt.f32 v8, v4;
	v12 =	vimm.s32 $0x0  }
0x1a0: {  	v12 =	vsel vm11, $0xFFFFFFFF, v12;
	v4 =	vsel vm11, v8, v4;
	v8 =	vld [tilespmem:$0x5E0]  }
0x1a1: {  	[tilespmem:$0x1FB40] =	vst v12;
	v6 =	vadd.f32 v6, v10;
	v10 =	vld [tilespmem:$0x1F0];
	vm11 =	vgt.f32 v7, v4;
	v12 =	vimm.s32 $0x0  }
0x1a2: {  	v12 =	vsel vm11, $0xFFFFFFFF, v12;
	v4 =	vsel vm11, v7, v4;
	v7 =	vld [tilespmem:$0x5F0]  }
0x1a3: {  	[tilespmem:$0x1FB50] =	vst v12;
	v5 =	vadd.f32 v5, v9;
	v9 =	vld [tilespmem:$0x200];
	vm11 =	vgt.f32 v6, v4;
	v12 =	vimm.s32 $0x0  }
0x1a4: {  	v12 =	vsel vm11, $0xFFFFFFFF, v12;
	v4 =	vsel vm11, v6, v4;
	v6 =	vld [tilespmem:$0x600]  }
0x1a5: {  	[tilespmem:$0x1FB60] =	vst v12;
	v8 =	vadd.f32 v8, v11;
	vm11 =	vgt.f32 v5, v4;
	v12 =	vimm.s32 $0x0  }
0x1a6: {  	v11 =	vld [tilespmem:$0x210];
	v12 =	vsel vm11, $0xFFFFFFFF, v12;
	v4 =	vsel vm11, v5, v4  }
0x1a7: {  	v5 =	vld [tilespmem:$0x610];
	[tilespmem:$0x1FB70] =	vst v12;
	v7 =	vadd.f32 v7, v10;
	vm11 =	vgt.f32 v8, v4;
	v12 =	vimm.s32 $0x0  }
0x1a8: {  	v10 =	vld [tilespmem:$0x220];
	v12 =	vsel vm11, $0xFFFFFFFF, v12;
	v4 =	vsel vm11, v8, v4  }
0x1a9: {  	v8 =	vld [tilespmem:$0x620];
	[tilespmem:$0x1FB80] =	vst v12;
	v6 =	vadd.f32 v6, v9;
	vm11 =	vgt.f32 v7, v4;
	v12 =	vimm.s32 $0x0  }
0x1aa: {  	v9 =	vld [tilespmem:$0x230];
	v12 =	vsel vm11, $0xFFFFFFFF, v12;
	v4 =	vsel vm11, v7, v4  }
0x1ab: {  	v7 =	vld [tilespmem:$0x630];
	[tilespmem:$0x1FB90] =	vst v12;
	vm11 =	vgt.f32 v6, v4;
	v12 =	vimm.s32 $0x0  }
0x1ac: {  	v5 =	vadd.f32 v5, v11;
	v11 =	vld [tilespmem:$0x240];
	v12 =	vsel vm11, $0xFFFFFFFF, v12  }
0x1ad: {  	v4 =	vsel vm11, v6, v4;
	v6 =	vld [tilespmem:$0x640];
	[tilespmem:$0x1FBA0] =	vst v12;
	v12 =	vlaneseq.u32  }
0x1ae: {  	v8 =	vadd.f32 v8, v10;
	v10 =	vld [tilespmem:$0x250];
	v12 =	vsel vm15, v14, v12;
	vm15 =	vgt.f32 v5, v4  }
0x1af: {  	v12 =	vsel vm12, v15, v12;
	v4 =	vsel vm15, v5, v4;
	v5 =	vld [tilespmem:$0x650]  }
0x1b0: {  	v12 =	vsel vm13, v16, v12;
	v16 =	vld [tilespmem:$0x260]  }
0x1b1: {  	v7 =	vadd.f32 v7, v9;
	vm14 =	vgt.f32 v8, v4;
	v12 =	vsel vm3, v17, v12;
	v17 =	vld [tilespmem:$0x660]  }
0x1b2: {  	v4 =	vsel vm14, v8, v4;
	v12 =	vsel vm4, v18, v12;
	v18 =	vld [tilespmem:$0x270]  }
0x1b3: {  	v6 =	vadd.f32 v6, v11;
	vm13 =	vgt.f32 v7, v4;
	v12 =	vsel vm5, v19, v12;
	v19 =	vld [tilespmem:$0x670]  }
0x1b4: {  	v4 =	vsel vm13, v7, v4;
	v5 =	vadd.f32 v5, v10;
	v10 =	vld [tilespmem:$0x280]  }
0x1b5: {  	v12 =	vsel vm6, v20, v12;
	vm12 =	vgt.f32 v6, v4;
	v20 =	vld [tilespmem:$0x6A0]  }
0x1b6: {  	v4 =	vsel vm12, v6, v4;
	v6 =	vld [tilespmem:$0x680]  }
0x1b7: {  	v12 =	vsel vm7, v21, v12;
	v21 =	vld [tilespmem:$0x1FA70]  }
0x1b8: {  	v8 =	vadd.f32 v17, v16;
	v16 =	vld [tilespmem:$0x290]  }
0x1b9: {  	v17 =	vld [tilespmem:$0x690]  }
0x1ba: {  	v7 =	vadd.f32 v19, v18;
	v19 =	vld [tilespmem:$0x1FA60]  }
0x1bb: {  	v12 =	vsel vm8, v22, v12;
	v22 =	vld [tilespmem:$0x2B0]  }
0x1bc: {  	v12 =	vsel vm9, v23, v12;
	v23 =	vld [tilespmem:$0x1FA80]  }
0x1bd: {  	v18 =	vld [tilespmem:$0x2A0]  }
0x1be: {  	v12 =	vsel vm10, v24, v12;
	v24 =	vld [tilespmem:$0x6B0]  }
0x1bf: {  	vm11 =	vgt.f32 v5, v4;
	vm7 =	vnez.u8 v21;
	v21 =	vld [tilespmem:$0x6E0];
	vm6 =	vnez.u8 v19  }
0x1c0: {  	v4 =	vsel vm11, v5, v4;
	v5 =	vadd.f32 v17, v16;
	v16 =	vld [tilespmem:$0x1FAC0];
	v12 =	vsel vm6, v25, v12  }
0x1c1: {  	vm8 =	vnez.u8 v23;
	v25 =	vld [tilespmem:$0x1FA90];
	v12 =	vsel vm7, v26, v12  }
0x1c2: {  	v12 =	vsel vm8, v27, v12;
	v27 =	vld [tilespmem:$0x1FAA0]  }
0x1c3: {  	v17 =	vld [tilespmem:$0x6D0]  }
0x1c4: {  	vm10 =	vgt.f32 v8, v4;
	v23 =	vld [tilespmem:$0x2F0]  }
0x1c5: {  	v14 =	vimm.s32 $0x0;
	v4 =	vsel vm10, v8, v4;
	v8 =	vadd.f32 v20, v18;
	v18 =	vld [tilespmem:$0x1FAD0]  }
0x1c6: {  	v14 =	vsel vm15, $0xFFFFFFFF, v14;
	v19 =	vld [tilespmem:$0x2E0];
	vm15 =	vnez.u8 v25  }
0x1c7: {  	v20 =	vld [tilespmem:$0x1FAE0];
	v12 =	vsel vm15, v28, v12;
	vm4 =	vnez.u8 v27  }
0x1c8: {  	vm9 =	vgt.f32 v7, v4;
	v12 =	vsel vm4, v29, v12;
	v29 =	vld [tilespmem:$0x1FAB0]  }
0x1c9: {  	v4 =	vsel vm9, v7, v4;
	v7 =	vadd.f32 v24, v22;
	v22 =	vld [tilespmem:$0x1FAF0]  }
0x1ca: {  	v24 =	vld [tilespmem:$0x1FB00]  }
0x1cb: {  	v26 =	vld [tilespmem:$0x2C0]  }
0x1cc: {  	v28 =	vld [tilespmem:$0x6C0]  }
0x1cd: {  	v6 =	vadd.f32 v6, v10;
	vm6 =	vnez.u8 v16;
	v16 =	vld [tilespmem:$0x740];
	vm5 =	vnez.u8 v29  }
0x1ce: {  	v12 =	vsel vm5, v30, v12;
	v30 =	vld [tilespmem:$0x2D0]  }
0x1cf: {  	vm8 =	vgt.f32 v6, v4;
	v25 =	vld [tilespmem:$0x6F0]  }
0x1d0: {  	v4 =	vsel vm8, v6, v4;
	vm15 =	vnez.u8 v18;
	v18 =	vld [tilespmem:$0x350]  }
0x1d1: {  	vm7 =	vgt.f32 v5, v4;
	v6 =	vadd.f32 v28, v26;
	v26 =	vld [tilespmem:$0x1FB10]  }
0x1d2: {  	v4 =	vsel vm7, v5, v4;
	v28 =	vld [tilespmem:$0x1FB20];
	v12 =	vsel vm6, v31, v12  }
0x1d3: {  	vm4 =	vnez.u8 v20;
	v12 =	vsel vm15, v32, v12;
	v5 =	vadd.f32 v17, v30;
	v30 =	vld [tilespmem:$0x1FB30]  }
0x1d4: {  	v27 =	vld [tilespmem:$0x300];
	vm5 =	vnez.u8 v22;
	v12 =	vsel vm4, v33, v12  }
0x1d5: {  	v20 =	vld [tilespmem:$0x360];
	vm15 =	vnez.u8 v24;
	v12 =	vsel vm5, v34, v12  }
0x1d6: {  	v32 =	vld [tilespmem:$0x1FB40];
	vm4 =	vnez.u8 v26;
	v12 =	vsel vm15, v35, v12  }
0x1d7: {  	v34 =	vld [tilespmem:$0x1FB50];
	vm15 =	vnez.u8 v28;
	v12 =	vsel vm4, v36, v12  }
0x1d8: {  	v36 =	vld [tilespmem:$0x1FB60];
	v12 =	vsel vm15, v37, v12;
	vm15 =	vnez.u8 v30  }
0x1d9: {  	v12 =	vsel vm15, v38, v12;
	v38 =	vld [tilespmem:$0x1FB70]  }
0x1da: {  	v29 =	vld [tilespmem:$0x700]  }
0x1db: {  	v22 =	vld [tilespmem:$0x370];
	vm6 =	vgt.f32 v8, v4;
	vm15 =	vnez.u8 v32  }
0x1dc: {  	v31 =	vld [tilespmem:$0x310];
	v4 =	vsel vm6, v8, v4;
	v12 =	vsel vm15, v39, v12;
	vm15 =	vnez.u8 v34  }
0x1dd: {  	v8 =	vadd.f32 v21, v19;
	v19 =	vld [tilespmem:$0x750];
	v12 =	vsel vm15, v40, v12;
	vm15 =	vnez.u8 v36  }
0x1de: {  	v40 =	vld [tilespmem:$0x1FB80];
	v12 =	vsel vm15, v41, v12;
	vm15 =	vnez.u8 v38  }
0x1df: {  	v12 =	vsel vm15, v42, v12;
	v42 =	vld [tilespmem:$0x1FB90]  }
0x1e0: {  	v21 =	vld [tilespmem:$0x760];
	vm5 =	vgt.f32 v7, v4  }
0x1e1: {  	v24 =	vld [tilespmem:$0x380];
	v4 =	vsel vm5, v7, v4  }
0x1e2: {  	v33 =	vld [tilespmem:$0x710];
	vm4 =	vgt.f32 v6, v4  }
0x1e3: {  	v26 =	vld [tilespmem:$0x390];
	v4 =	vsel vm4, v6, v4;
	vm15 =	vnez.u8 v40  }
0x1e4: {  	v35 =	vld [tilespmem:$0x320];
	vm3 =	vgt.f32 v5, v4;
	v12 =	vsel vm15, v43, v12;
	vm15 =	vnez.u8 v42  }
0x1e5: {  	[tilespmem:$0x1FBB0] =	vst v14;
	v4 =	vsel vm3, v5, v4;
	v12 =	vsel vm15, v44, v12;
	v44 =	vld [tilespmem:$0x1FBA0]  }
0x1e6: {  	v7 =	vadd.f32 v25, v23;
	v17 =	vld [tilespmem:$0x1FBB0];
	vm2 =	vgt.f32 v8, v4  }
0x1e7: {  	v37 =	vld [tilespmem:$0x720];
	v4 =	vsel vm2, v8, v4  }
0x1e8: {  	v6 =	vadd.f32 v29, v27;
	v39 =	vld [tilespmem:$0x330];
	vm1 =	vgt.f32 v7, v4  }
0x1e9: {  	v4 =	vsel vm1, v7, v4;
	v41 =	vld [tilespmem:$0x730]  }
0x1ea: {  	v23 =	vld [tilespmem:$0x770];
	v5 =	vadd.f32 v33, v31;
	vm0 =	vgt.f32 v6, v4;
	vm15 =	vnez.u8 v44  }
0x1eb: {  	v4 =	vsel vm0, v6, v4;
	v43 =	vld [tilespmem:$0x340];
	v12 =	vsel vm15, v45, v12;
	vm15 =	vnez.u8 v17  }
0x1ec: {  	v25 =	vld [tilespmem:$0x780];
	v8 =	vadd.f32 v37, v35;
	v12 =	vsel vm15, v46, v12;
	vm15 =	vgt.f32 v5, v4  }
0x1ed: {  	v28 =	vld [tilespmem:$0x3A0];
	v12 =	vsel vm14, v47, v12;
	v4 =	vsel vm15, v5, v4  }
0x1ee: {  	v27 =	vld [tilespmem:$0x790];
	v7 =	vadd.f32 v41, v39;
	v12 =	vsel vm13, v48, v12;
	vm13 =	vgt.f32 v8, v4  }
0x1ef: {  	v29 =	vld [tilespmem:$0x7A0];
	v12 =	vsel vm12, v49, v12;
	v4 =	vsel vm13, v8, v4  }
0x1f0: {  	v31 =	vld [tilespmem:$0x7B0];
	v6 =	vadd.f32 v16, v43;
	v12 =	vsel vm11, v50, v12;
	vm11 =	vgt.f32 v7, v4  }
0x1f1: {  	v33 =	vld [tilespmem:$0x1FEB0];
	v12 =	vsel vm10, v51, v12;
	v4 =	vsel vm11, v7, v4  }
0x1f2: {  	v30 =	vld [tilespmem:$0x3B0];
	v5 =	vadd.f32 v19, v18;
	v12 =	vsel vm9, v52, v12;
	vm9 =	vgt.f32 v6, v4  }
0x1f3: {  	v32 =	vld [tilespmem:$0x3C0];
	v12 =	vsel vm8, v53, v12;
	v4 =	vsel vm9, v6, v4  }
0x1f4: {  	v34 =	vld [tilespmem:$0x7C0];
	v8 =	vadd.f32 v21, v20;
	v12 =	vsel vm7, v54, v12;
	vm7 =	vgt.f32 v5, v4  }
0x1f5: {  	v35 =	vld [tilespmem:$0x1FEC0];
	v12 =	vsel vm6, v55, v12;
	v4 =	vsel vm7, v5, v4  }
0x1f6: {  	v37 =	vld [tilespmem:$0x1FED0];
	v7 =	vadd.f32 v23, v22;
	v12 =	vsel vm5, v56, v12;
	vm10 =	vgt.f32 v8, v4  }
0x1f7: {  	v36 =	vld [tilespmem:$0x3D0];
	v12 =	vsel vm4, v57, v12;
	v4 =	vsel vm10, v8, v4  }
0x1f8: {  	v38 =	vld [tilespmem:$0x7D0];
	v6 =	vadd.f32 v25, v24;
	v12 =	vsel vm3, v58, v12;
	vm12 =	vgt.f32 v7, v4  }
0x1f9: {  	v40 =	vld [tilespmem:$0x7E0];
	v12 =	vsel vm2, v60, v12;
	v4 =	vsel vm12, v7, v4  }
0x1fa: {  	v39 =	vld [tilespmem:$0x3E0];
	v5 =	vadd.f32 v27, v26;
	v12 =	vsel vm1, v63, v12;
	vm14 =	vgt.f32 v6, v4  }
0x1fb: {  	v41 =	vld [tilespmem:$0x3F0];
	v12 =	vsel vm0, v33, v12;
	v4 =	vsel vm14, v6, v4  }
0x1fc: {  	v42 =	vld [tilespmem:$0x7F0];
	v8 =	vadd.f32 v29, v28;
	v12 =	vsel vm15, v35, v12;
	vm15 =	vgt.f32 v5, v4  }
0x1fd: {  	v43 =	vld [tilespmem:$0x1FF20];
	v12 =	vsel vm13, v37, v12;
	v4 =	vsel vm15, v5, v4  }
0x1fe: {  	v44 =	vld [tilespmem:$0x1FF30];
	v7 =	vadd.f32 v31, v30;
	v12 =	vsel vm11, v13, v12;
	vm8 =	vgt.f32 v8, v4  }
0x1ff: {  	v45 =	vld [tilespmem:$0x1FF40];
	v12 =	vsel vm9, v59, v12;
	v4 =	vsel vm8, v8, v4  }
0x200: {  	v46 =	vld [tilespmem:$0x1FF50];
	v6 =	vadd.f32 v34, v32;
	v12 =	vsel vm7, v61, v12;
	vm9 =	vgt.f32 v7, v4  }
0x201: {  	v48 =	vld [tilespmem:$0x1FF70];
	v12 =	vsel vm10, v62, v12;
	v4 =	vsel vm9, v7, v4  }
0x202: {  	v49 =	vld [tilespmem:$0x1FFC0];
	v5 =	vadd.f32 v38, v36;
	v10 =	vsel vm12, v43, v12;
	vm10 =	vgt.f32 v6, v4  }
0x203: {  	v50 =	vld [tilespmem:$0x1FFD0];
	v4 =	vsel vm10, v6, v4;
	v6 =	vsel vm14, v44, v10  }
0x204: {  	v51 =	vld [tilespmem:$0x1FFE0];
	v8 =	vadd.f32 v40, v39;
	v6 =	vsel vm15, v45, v6;
	vm11 =	vgt.f32 v5, v4  }
0x205: {  	v52 =	vld [tilespmem:$0x1FFF0];
	v4 =	vsel vm11, v5, v4;
	v5 =	vsel vm8, v46, v6  }
0x206: {  	v47 =	vadd.f32 v42, v41;
	v5 =	vsel vm9, v48, v5;
	vm12 =	vgt.f32 v8, v4  }
0x207: {  	v5 =	vsel vm10, v49, v5;
	v4 =	vsel vm12, v8, v4  }
0x208: {  	v5 =	vsel vm11, v50, v5;
	vm13 =	vgt.f32 v47, v4  }
0x209: {  	v5 =	vsel vm12, v51, v5;
	v4 =	vsel vm13, v47, v4  }
0x20a: {  	v5 =	vsel vm13, v52, v5;
	[tilespmem:$0x800] =	vst v4  }
0x20b: {  	[tilespmem:$0x880] =	vst v5  }
0x20c: {  	v53 =	vld.idx.msk [tilespmem:v0+s15+$0x0], $0xffff  }
0x20d: {  	v54 =	vld.idx.msk [tilespmem:v0+s16+$0x0], $0xffff;
	_ =	sdelay $0x4  }
0x20e: {  	vm14 =	veq.f32 v53, v4;
	vm15 =	vlt.s32 v54, v5  }
0x20f: {  	vm4 =	vgt.f32 v53, v4;
	vm0 =	vmand vm14, vm15  }
0x210: {  	vm0 =	vmor vm4, vm0  }
0x211: {  	v4 =	vsel vm0, v53, v4  }
0x212: {  	v5 =	vsel vm0, v54, v5;
	[tilespmem:$0x800] =	vst v4  }
0x213: {  	[tilespmem:$0x880] =	vst v5  }
0x214: {  	v55 =	vld.idx.msk [tilespmem:v1+s15+$0x0], $0xffff  }
0x215: {  	v56 =	vld.idx.msk [tilespmem:v1+s16+$0x0], $0xffff;
	_ =	sdelay $0x4  }
0x216: {  	vm5 =	veq.f32 v55, v4;
	vm6 =	vlt.s32 v56, v5  }
0x217: {  	vm7 =	vgt.f32 v55, v4;
	vm0 =	vmand vm5, vm6  }
0x218: {  	vm0 =	vmor vm7, vm0  }
0x219: {  	v4 =	vsel vm0, v55, v4  }
0x21a: {  	v5 =	vsel vm0, v56, v5;
	[tilespmem:$0x800] =	vst v4  }
0x21b: {  	[tilespmem:$0x880] =	vst v5  }
0x21c: {  	v57 =	vld.idx.msk [tilespmem:v2+s15+$0x0], $0xffff  }
0x21d: {  	v58 =	vld.idx.msk [tilespmem:v2+s16+$0x0], $0xffff;
	_ =	sdelay $0x4  }
0x21e: {  	vm8 =	veq.f32 v57, v4;
	vm9 =	vlt.s32 v58, v5  }
0x21f: {  	vm10 =	vgt.f32 v57, v4;
	vm0 =	vmand vm8, vm9  }
0x220: {  	vm0 =	vmor vm10, vm0  }
0x221: {  	v4 =	vsel vm0, v57, v4  }
0x222: {  	v5 =	vsel vm0, v58, v5;
	[tilespmem:$0x800] =	vst v4  }
0x223: {  	[tilespmem:$0x880] =	vst v5  }
0x224: {  	v59 =	vld.idx.msk [tilespmem:v3+s15+$0x0], $0xffff  }
0x225: {  	v60 =	vld.idx.msk [tilespmem:v3+s16+$0x0], $0xffff;
	_ =	sdelay $0x4  }
0x226: {  	vm11 =	veq.f32 v59, v4;
	vm12 =	vlt.s32 v60, v5  }
0x227: {  	v63 =	vld [tilespmem:$0x1FFB0];
	vm13 =	vgt.f32 v59, v4;
	vm0 =	vmand vm11, vm12  }
0x228: {  	vm0 =	vmor vm13, vm0  }
0x229: {  	v61 =	vsel vm0, v60, v5;
	_ =	sdelay $0x1  }
0x22a: {  	vm14 =	vcmask $0x3F08;
	v5 =	vshra.s32 v61, $0x5  }
0x22b: {  	vm15 =	vnez.u8 v63;
	v62 =	vand.u32 $0x1F, v61;
	v5 =	vsel vm14, $0x0, v5  }
0x22c: {  	v5 =	vsel vm15, v62, v5  }
0x22d: {  	v4 =	vld.idx.msk [tilespmem:v61+s1+$0x0], $0xffff;
	[tilespmem:$0x900] =	vst v5  }
0x22e: {  	[hbm4b:s9+s1] =	stream.linear.scatter [tilespmem:s17], [sflag:$0x2], $0x80, $0x38;
	[tilespmem:$0x980] =	vst v63  }
0x22f: {  	_ =	swait.ge [sflag:s18], $0x80  }
0x230: {  	[sflag:s18] =	ssyncset.done $0x0  }
0x231: {  	p0 =	sne.s32 s11, $0x1;
	[sflag:s18] =	ssyncadd.s32 $0xFFFFFF80  }
.Ltmp0:
0x232: {  	[tilespmem:$0x800] =	vst v4;
	(pc) =	sbr.rel @p0 .LBB2_1-.Ltmp0, $4  }
0x233: {  	[hbm4b:s10+s1] =	stream.linear.scatter [tilespmem:s15], [sflag:$0x2], $0x80, $0x38;
	[tilespmem:$0x980] =	vst v63  }
0x234: {  	_ =	swait.ge [sflag:s18], $0x80  }
0x235: {  	[sflag:s18] =	ssyncset.done $0x0  }
0x236: {  	s11 =	sadd.s32 $0xFFFFFFFF, s11;
	[sflag:s18] =	ssyncadd.s32 $0xFFFFFF80  }
0x237: {  	_ =	sfence.sel $0x180000  }
0x238: {  	[bflag:$0x0] =	sbarrier.arrive $0xFFFF  }
0x239: {  	p0 =	sne.s32 s2, $0x0;
	_ =	strace $0x90000047  }
0x23a: {  	s0 =	sadd.s32 @!p0 $0x100000, s0;
	[bflag:$0x2] =	sbarrier.arrive $0xFFFF  }
0x23b: {  	[sflag:s0] =	ssyncadd.tile.s32 @!p0 $0x1;
	_ =	shalt  }
.Lfunc_end2:
_tile_overlayer_lowered:
.L_overlay_start_2:
0x23c: {  	(tag) =	ssettag $0x2  }
0x23d: {  	s0 =	rddreg [dreg:$0x0];
	s2 =	stileid.u32  }
0x23e: {  	s1 =	rddreg [dreg:$0x1];
	p0 =	sne.s32 s2, $0x0  }
0x23f: {  	s3 =	rddreg [dreg:$0x2];
	[bflag:$0x3] =	sbarrier.arrive $0xFFFF;
	s2 =	simm.s32 @!p0 $0x1C02  }
0x240: {  	[timem:s3], [sflag:s2] =	dma.local @!p0 [hbm:s0], s1  }
0x241: {  	s0 =	simm.s32 @!p0 $0x2  }
0x242: {  	_ =	swait.ge @!p0 [sflag:s0], s1  }
0x243: {  	s1 =	ssub.s32 @!p0 $0x0, s1;
	[sflag:s0] =	ssyncset.done @!p0 $0x0  }
0x244: {  	[sflag:s0] =	ssyncadd.s32 @!p0 s1  }
0x245: {  	[bflag:$0x3] =	sbarrier.arrive $0xFFFF  }
0x246: {  	_ =	shalt  }

</sc_bundles>
